<compile_context>
chip_gen: v7x
topology: tpu7x:2x2x1
jax: 0.10.2.dev20260603
libtpu: 0.0.44.dev20260713+nightly
codegen_flags: <defaults>
</compile_context>

<pallas_src>
import functools

import jax
import jax.numpy as jnp
from jax import lax
from jax.experimental import pallas as pl
from jax.experimental.pallas import tpu as pltpu
from jax.experimental.pallas import tpu_sc as plsc

B = 16384
D = 64
NUM_CORES = 2
NUM_SUBCORES = 16
NW = NUM_CORES * NUM_SUBCORES
BPW = B // NW
MARGIN = 0.1


def _cf_body(uid_hbm, mid_hbm, ue_hbm, me_hbm, bu_hbm, bm_hbm, out_hbm,
             uidx_v, midx_v, u_st, m_st, bu_v, bm_v, out_v,
             sem0, sem1, bsem):
    wid = lax.axis_index("s") * NUM_CORES + lax.axis_index("c")
    base = wid * BPW

    pltpu.sync_copy(uid_hbm.at[pl.ds(base, BPW)], uidx_v)
    pltpu.sync_copy(mid_hbm.at[pl.ds(base, BPW)], midx_v)

    cbu = pltpu.async_copy(bu_hbm.at[uidx_v], bu_v, bsem)
    cbm = pltpu.async_copy(bm_hbm.at[midx_v], bm_v, bsem)
    cbu.wait()
    cbm.wait()

    lane = lax.iota(jnp.int32, 16)
    NWAVES = BPW // 16

    def fire_wave(w, buf):
        o = w * 16
        gu16 = uidx_v[pl.ds(o, 16)] >> 3
        gm16 = midx_v[pl.ds(o, 16)] >> 3
        for k in range(16):
            pltpu.async_copy(ue_hbm.at[gu16[k]], u_st.at[buf, k], sem0)
            pltpu.async_copy(me_hbm.at[gm16[k]], m_st.at[buf, k], sem1)

    fire_wave(0, 0)

    def wave_body(w, carry):
        buf = w & 1

        @pl.when(w < NWAVES - 1)
        def _fire_next():
            fire_wave(w + 1, 1 - buf)

        pltpu.make_async_copy(
            ue_hbm.at[pl.ds(0, 16)], u_st.at[buf], sem0).wait()
        pltpu.make_async_copy(
            me_hbm.at[pl.ds(0, 16)], m_st.at[buf], sem1).wait()

        o = w * 16
        ru16 = uidx_v[pl.ds(o, 16)] & 7
        rm16 = midx_v[pl.ds(o, 16)] & 7
        acc = jnp.zeros((16,), jnp.float32)
        for k in range(16):
            ru = ru16[k]
            rm = rm16[k]
            p = (u_st[buf, k, ru, pl.ds(0, 16)]
                 * m_st[buf, k, rm, pl.ds(0, 16)]
                 + u_st[buf, k, ru, pl.ds(16, 16)]
                 * m_st[buf, k, rm, pl.ds(16, 16)]
                 + u_st[buf, k, ru, pl.ds(32, 16)]
                 * m_st[buf, k, rm, pl.ds(32, 16)]
                 + u_st[buf, k, ru, pl.ds(48, 16)]
                 * m_st[buf, k, rm, pl.ds(48, 16)])
            acc = jnp.where(lane == k, jnp.sum(p), acc)
        x = acc + bu_v[pl.ds(o, 16)] + bm_v[pl.ds(o, 16)]
        y = 1.0 / (1.0 + jnp.exp(-x))
        out_v[pl.ds(o, 16)] = y * (1.0 + 2.0 * MARGIN) - MARGIN
        return carry

    lax.fori_loop(0, NWAVES, wave_body, 0)
    pltpu.sync_copy(out_v, out_hbm.at[pl.ds(base, BPW)])


@functools.partial(
    pl.kernel,
    out_type=jax.ShapeDtypeStruct((B,), jnp.float32),
    mesh=plsc.VectorSubcoreMesh(core_axis_name="c", subcore_axis_name="s"),
    compiler_params=pltpu.CompilerParams(
        needs_layout_passes=False,
        use_tc_tiling_on_sc=True,
    ),
    scratch_types=[
        pltpu.VMEM((BPW,), jnp.int32),
        pltpu.VMEM((BPW,), jnp.int32),
        pltpu.VMEM((2, 16, 8, D), jnp.float32),
        pltpu.VMEM((2, 16, 8, D), jnp.float32),
        pltpu.VMEM((BPW,), jnp.float32),
        pltpu.VMEM((BPW,), jnp.float32),
        pltpu.VMEM((BPW,), jnp.float32),
        pltpu.SemaphoreType.DMA,
        pltpu.SemaphoreType.DMA,
        pltpu.SemaphoreType.DMA,
    ],
)
def _cf_kernel(*args):
    _cf_body(*args)


def kernel(user_id, movie_id, emb_users, emb_movies, bias_user, bias_movie):
    return _cf_kernel(
        user_id.astype(jnp.int32),
        movie_id.astype(jnp.int32),
        emb_users.reshape(-1, 8, D),
        emb_movies.reshape(-1, 8, D),
        bias_user.reshape(-1),
        bias_movie.reshape(-1),
    )

# --- scband reference (transcript-rebuilt; emitter-appended) ---
"""Pipeline reference for scband-collaborative-filtering-54202487275661 (READ-ONLY COPY).

The authoritative reference and input builder live on the scoring server;
editing this copy changes nothing except your own understanding.
"""

import jax, jax.numpy as jnp
import numpy as np

NUM_USERS = 1000000
NUM_MOVIES = 100000
EMBED_DIM = 64
BATCH = 16384
MARGIN = 0.1


def setup_inputs(seed: int = 0) -> dict:
    key = jax.random.key(seed)
    k1, k2, k3, k4, k5, k6 = jax.random.split(key, 6)
    user_id = jax.random.randint(k1, (BATCH,), 0, NUM_USERS, dtype=jnp.int64 if jax.config.jax_enable_x64 else jnp.int32)
    movie_id = jax.random.randint(k2, (BATCH,), 0, NUM_MOVIES, dtype=jnp.int64 if jax.config.jax_enable_x64 else jnp.int32)
    emb_users = jax.random.normal(k3, (NUM_USERS, EMBED_DIM), dtype=jnp.float32)
    emb_movies = jax.random.normal(k4, (NUM_MOVIES, EMBED_DIM), dtype=jnp.float32)
    bias_user = jax.random.normal(k5, (NUM_USERS, 1), dtype=jnp.float32)
    bias_movie = jax.random.normal(k6, (NUM_MOVIES, 1), dtype=jnp.float32)
    return {
        "user_id": user_id,
        "movie_id": movie_id,
        "emb_users": emb_users,
        "emb_movies": emb_movies,
        "bias_user": bias_user,
        "bias_movie": bias_movie,
    }


def reference(user_id, movie_id, emb_users, emb_movies, bias_user, bias_movie):
    u = jnp.take(emb_users, user_id, axis=0)          # [B, D]
    m = jnp.take(emb_movies, movie_id, axis=0)        # [B, D]
    product = (u * m).sum(axis=1)                     # [B]
    # dropout is identity in eval mode (p=0.0)
    bu = jnp.take(bias_user, user_id, axis=0).reshape(-1)
    bm = jnp.take(bias_movie, movie_id, axis=0).reshape(-1)
    scaled_product = product + bu + bm
    out = jax.nn.sigmoid(scaled_product)
    out = out * (1.0 + 2 * MARGIN) - MARGIN
    return out

if __name__ == "__main__":
    import jax
    _d = setup_inputs()
    print(jax.jit(kernel)(*tuple(_d.values())))

</pallas_src>

<mosaic_0001>
#map = affine_map<(d0, d1) -> (0)>
#map1 = affine_map<(d0, d1) -> (0, 0, 0)>
module attributes {stable_mosaic.version = 14 : i64} {
  func.func @_cf_kernel(%arg0: i32, %arg1: i32, %arg2: memref<16384xi32, #tpu.memory_space<hbm>>, %arg3: memref<16384xi32, #tpu.memory_space<hbm>>, %arg4: memref<125000x8x64xf32, #tpu.memory_space<hbm>>, %arg5: memref<12500x8x64xf32, #tpu.memory_space<hbm>>, %arg6: memref<1000000xf32, #tpu.memory_space<hbm>>, %arg7: memref<100000xf32, #tpu.memory_space<hbm>>, %arg8: memref<16384xf32, #tpu.memory_space<hbm>>, %arg9: memref<512xi32, #tpu.memory_space<vmem>>, %arg10: memref<512xi32, #tpu.memory_space<vmem>>, %arg11: memref<2x16x8x64xf32, #tpu.memory_space<vmem>>, %arg12: memref<2x16x8x64xf32, #tpu.memory_space<vmem>>, %arg13: memref<512xf32, #tpu.memory_space<vmem>>, %arg14: memref<512xf32, #tpu.memory_space<vmem>>, %arg15: memref<512xf32, #tpu.memory_space<vmem>>, %arg16: memref<!tpu.dma_semaphore, #tpu.memory_space<semaphore_mem>>, %arg17: memref<!tpu.dma_semaphore, #tpu.memory_space<semaphore_mem>>, %arg18: memref<!tpu.dma_semaphore, #tpu.memory_space<semaphore_mem>>) attributes {dimension_semantics = [#tpu.dimension_semantics<core_parallel>, #tpu.dimension_semantics<subcore_parallel>], iteration_bounds = array<i64: 2, 16>, scalar_prefetch = 0 : i64, scratch_operands = 10 : i64, tpu.core_type = #tpu.core_type<sc_vector_subcore>, window_params = [{transform_indices = #map}, {transform_indices = #map}, {transform_indices = #map1}, {transform_indices = #map1}, {transform_indices = #map}, {transform_indices = #map}, {transform_indices = #map}]} {
    %mul3A = arith.constant 2 : i32
    %mul3A_0 = arith.muli %arg1, %mul3A : i32
    %add3A = arith.addi %mul3A_0, %arg0 : i32
    %mul3A_1 = arith.constant 512 : i32
    %mul3A_2 = arith.muli %add3A, %mul3A_1 : i32
    "tpu.region"() ({
      %run_scoped3A = tpu.sem_alloc : memref<!tpu.dma_semaphore, #tpu.memory_space<semaphore_mem>>
      %dma_start3A_660 = tpu.memref_slice %arg2[%mul3A_2] : memref<16384xi32, #tpu.memory_space<hbm>> -> memref<512xi32, #tpu.memory_space<hbm>>
      %dma_start3A_661 = tpu.memref_slice %arg2[%mul3A_2] : memref<16384xi32, #tpu.memory_space<hbm>> -> memref<512xi32, #tpu.memory_space<hbm>>
      tpu.enqueue_dma source(%dma_start3A_661 : memref<512xi32, #tpu.memory_space<hbm>>) target(%arg9 : memref<512xi32, #tpu.memory_space<vmem>>) target_semaphore(%run_scoped3A : memref<!tpu.dma_semaphore, #tpu.memory_space<semaphore_mem>>)
      %dma_wait3A_662 = tpu.memref_slice %arg2[%mul3A_2] : memref<16384xi32, #tpu.memory_space<hbm>> -> memref<512xi32, #tpu.memory_space<hbm>>
      %dma_wait3A_663 = tpu.memref_slice %arg2[%mul3A_2] : memref<16384xi32, #tpu.memory_space<hbm>> -> memref<512xi32, #tpu.memory_space<hbm>>
      tpu.wait_dma2 semaphore(%run_scoped3A : memref<!tpu.dma_semaphore, #tpu.memory_space<semaphore_mem>>) src(%dma_wait3A_663 : memref<512xi32, #tpu.memory_space<hbm>>) dst(%arg9 : memref<512xi32, #tpu.memory_space<vmem>>)
      tpu.yield
    }) : () -> ()
    "tpu.region"() ({
      %run_scoped3A = tpu.sem_alloc : memref<!tpu.dma_semaphore, #tpu.memory_space<semaphore_mem>>
      %dma_start3A_660 = tpu.memref_slice %arg3[%mul3A_2] : memref<16384xi32, #tpu.memory_space<hbm>> -> memref<512xi32, #tpu.memory_space<hbm>>
      %dma_start3A_661 = tpu.memref_slice %arg3[%mul3A_2] : memref<16384xi32, #tpu.memory_space<hbm>> -> memref<512xi32, #tpu.memory_space<hbm>>
      tpu.enqueue_dma source(%dma_start3A_661 : memref<512xi32, #tpu.memory_space<hbm>>) target(%arg10 : memref<512xi32, #tpu.memory_space<vmem>>) target_semaphore(%run_scoped3A : memref<!tpu.dma_semaphore, #tpu.memory_space<semaphore_mem>>)
      %dma_wait3A_662 = tpu.memref_slice %arg3[%mul3A_2] : memref<16384xi32, #tpu.memory_space<hbm>> -> memref<512xi32, #tpu.memory_space<hbm>>
      %dma_wait3A_663 = tpu.memref_slice %arg3[%mul3A_2] : memref<16384xi32, #tpu.memory_space<hbm>> -> memref<512xi32, #tpu.memory_space<hbm>>
      tpu.wait_dma2 semaphore(%run_scoped3A : memref<!tpu.dma_semaphore, #tpu.memory_space<semaphore_mem>>) src(%dma_wait3A_663 : memref<512xi32, #tpu.memory_space<hbm>>) dst(%arg10 : memref<512xi32, #tpu.memory_space<vmem>>)
      tpu.yield
    }) : () -> ()
    %dma_start3A = arith.constant 0 : i32
    %dma_start3A_3 = tpu.memref_slice %arg6[%dma_start3A] : memref<1000000xf32, #tpu.memory_space<hbm>> -> memref<1000000xf32, #tpu.memory_space<hbm>>
    tpu.enqueue_indirect_dma source(%dma_start3A_3 : memref<1000000xf32, #tpu.memory_space<hbm>>) target(%arg13 : memref<512xf32, #tpu.memory_space<vmem>>) offsets(%arg9 : memref<512xi32, #tpu.memory_space<vmem>>) semaphore(%arg18 : memref<!tpu.dma_semaphore, #tpu.memory_space<semaphore_mem>>)
    %dma_start3A_4 = arith.constant 0 : i32
    %dma_start3A_5 = tpu.memref_slice %arg7[%dma_start3A_4] : memref<100000xf32, #tpu.memory_space<hbm>> -> memref<100000xf32, #tpu.memory_space<hbm>>
    tpu.enqueue_indirect_dma source(%dma_start3A_5 : memref<100000xf32, #tpu.memory_space<hbm>>) target(%arg14 : memref<512xf32, #tpu.memory_space<vmem>>) offsets(%arg10 : memref<512xi32, #tpu.memory_space<vmem>>) semaphore(%arg18 : memref<!tpu.dma_semaphore, #tpu.memory_space<semaphore_mem>>)
    %dma_wait3A = arith.constant 0 : i32
    %dma_wait3A_6 = tpu.memref_slice %arg6[%dma_wait3A] : memref<1000000xf32, #tpu.memory_space<hbm>> -> memref<1000000xf32, #tpu.memory_space<hbm>>
    tpu.wait_indirect_dma semaphore(%arg18 : memref<!tpu.dma_semaphore, #tpu.memory_space<semaphore_mem>>) src(%dma_wait3A_6 : memref<1000000xf32, #tpu.memory_space<hbm>>) dst(%arg13 : memref<512xf32, #tpu.memory_space<vmem>>)
    %dma_wait3A_7 = arith.constant 0 : i32
    %dma_wait3A_8 = tpu.memref_slice %arg7[%dma_wait3A_7] : memref<100000xf32, #tpu.memory_space<hbm>> -> memref<100000xf32, #tpu.memory_space<hbm>>
    tpu.wait_indirect_dma semaphore(%arg18 : memref<!tpu.dma_semaphore, #tpu.memory_space<semaphore_mem>>) src(%dma_wait3A_8 : memref<100000xf32, #tpu.memory_space<hbm>>) dst(%arg14 : memref<512xf32, #tpu.memory_space<vmem>>)
    %iota3A = tpu.iota {dimensions = array<i32: 0>} : vector<16xi32>
    %get3A = arith.constant 0 : index
    %get3A_9 = tpu.vector_load %arg9[%get3A] {strides = array<i32>} : memref<512xi32, #tpu.memory_space<vmem>>, vector<16xi32>,
    %shift_right_arithmetic3A = arith.constant 3 : i32
    %shift_right_arithmetic3A_10 = vector.broadcast %shift_right_arithmetic3A : i32 to vector<16xi32>
    %shift_right_arithmetic3A_11 = arith.shrsi %get3A_9, %shift_right_arithmetic3A_10 : vector<16xi32>
    %get3A_12 = arith.constant 0 : index
    %get3A_13 = tpu.vector_load %arg10[%get3A_12] {strides = array<i32>} : memref<512xi32, #tpu.memory_space<vmem>>, vector<16xi32>,
    %shift_right_arithmetic3A_14 = arith.constant 3 : i32
    %shift_right_arithmetic3A_15 = vector.broadcast %shift_right_arithmetic3A_14 : i32 to vector<16xi32>
    %shift_right_arithmetic3A_16 = arith.shrsi %get3A_13, %shift_right_arithmetic3A_15 : vector<16xi32>
    %slice3A = vector.extract_strided_slice %shift_right_arithmetic3A_11 {offsets = [0], sizes = [1], strides = [1]} : vector<16xi32> to vector<1xi32>
    %squeeze3A = vector.extract %slice3A[0] : i32 from vector<1xi32>
    %dma_start3A_17 = arith.constant 0 : i32
    %dma_start3A_18 = arith.constant 0 : i32
    %dma_start3A_19 = arith.constant 0 : i32
    %dma_start3A_20 = arith.constant 0 : i32
    %dma_start3A_21 = tpu.memref_slice %arg11[%dma_start3A_17, %dma_start3A_18, %dma_start3A_19, %dma_start3A_20] : memref<2x16x8x64xf32, #tpu.memory_space<vmem>> -> memref<1x1x8x64xf32, #tpu.memory_space<vmem>>
    %dma_start3A_22 = tpu.memref_squeeze %dma_start3A_21 : memref<1x1x8x64xf32, #tpu.memory_space<vmem>> -> memref<8x64xf32, #tpu.memory_space<vmem>>
    %dma_start3A_23 = arith.constant 0 : i32
    %dma_start3A_24 = arith.constant 0 : i32
    %dma_start3A_25 = tpu.memref_slice %arg4[%squeeze3A, %dma_start3A_23, %dma_start3A_24] : memref<125000x8x64xf32, #tpu.memory_space<hbm>> -> memref<1x8x64xf32, #tpu.memory_space<hbm>>
    %dma_start3A_26 = tpu.memref_squeeze %dma_start3A_25 : memref<1x8x64xf32, #tpu.memory_space<hbm>> -> memref<8x64xf32, #tpu.memory_space<hbm>>
    %dma_start3A_27 = arith.constant 0 : i32
    %dma_start3A_28 = arith.constant 0 : i32
    %dma_start3A_29 = tpu.memref_slice %arg11[%dma_start3A_17, %dma_start3A_18, %dma_start3A_27, %dma_start3A_28] : memref<2x16x8x64xf32, #tpu.memory_space<vmem>> -> memref<1x1x8x64xf32, #tpu.memory_space<vmem>>
    %dma_start3A_30 = tpu.memref_squeeze %dma_start3A_29 : memref<1x1x8x64xf32, #tpu.memory_space<vmem>> -> memref<8x64xf32, #tpu.memory_space<vmem>>
    %dma_start3A_31 = arith.constant 0 : i32
    %dma_start3A_32 = arith.constant 0 : i32
    %dma_start3A_33 = tpu.memref_slice %arg4[%squeeze3A, %dma_start3A_31, %dma_start3A_32] : memref<125000x8x64xf32, #tpu.memory_space<hbm>> -> memref<1x8x64xf32, #tpu.memory_space<hbm>>
    %dma_start3A_34 = tpu.memref_squeeze %dma_start3A_33 : memref<1x8x64xf32, #tpu.memory_space<hbm>> -> memref<8x64xf32, #tpu.memory_space<hbm>>
    tpu.enqueue_dma source(%dma_start3A_34 : memref<8x64xf32, #tpu.memory_space<hbm>>) target(%dma_start3A_30 : memref<8x64xf32, #tpu.memory_space<vmem>>) target_semaphore(%arg16 : memref<!tpu.dma_semaphore, #tpu.memory_space<semaphore_mem>>)
    %slice3A_35 = vector.extract_strided_slice %shift_right_arithmetic3A_16 {offsets = [0], sizes = [1], strides = [1]} : vector<16xi32> to vector<1xi32>
    %squeeze3A_36 = vector.extract %slice3A_35[0] : i32 from vector<1xi32>
    %dma_start3A_37 = arith.constant 0 : i32
    %dma_start3A_38 = arith.constant 0 : i32
    %dma_start3A_39 = arith.constant 0 : i32
    %dma_start3A_40 = arith.constant 0 : i32
    %dma_start3A_41 = tpu.memref_slice %arg12[%dma_start3A_37, %dma_start3A_38, %dma_start3A_39, %dma_start3A_40] : memref<2x16x8x64xf32, #tpu.memory_space<vmem>> -> memref<1x1x8x64xf32, #tpu.memory_space<vmem>>
    %dma_start3A_42 = tpu.memref_squeeze %dma_start3A_41 : memref<1x1x8x64xf32, #tpu.memory_space<vmem>> -> memref<8x64xf32, #tpu.memory_space<vmem>>
    %dma_start3A_43 = arith.constant 0 : i32
    %dma_start3A_44 = arith.constant 0 : i32
    %dma_start3A_45 = tpu.memref_slice %arg5[%squeeze3A_36, %dma_start3A_43, %dma_start3A_44] : memref<12500x8x64xf32, #tpu.memory_space<hbm>> -> memref<1x8x64xf32, #tpu.memory_space<hbm>>
    %dma_start3A_46 = tpu.memref_squeeze %dma_start3A_45 : memref<1x8x64xf32, #tpu.memory_space<hbm>> -> memref<8x64xf32, #tpu.memory_space<hbm>>
    %dma_start3A_47 = arith.constant 0 : i32
    %dma_start3A_48 = arith.constant 0 : i32
    %dma_start3A_49 = tpu.memref_slice %arg12[%dma_start3A_37, %dma_start3A_38, %dma_start3A_47, %dma_start3A_48] : memref<2x16x8x64xf32, #tpu.memory_space<vmem>> -> memref<1x1x8x64xf32, #tpu.memory_space<vmem>>
    %dma_start3A_50 = tpu.memref_squeeze %dma_start3A_49 : memref<1x1x8x64xf32, #tpu.memory_space<vmem>> -> memref<8x64xf32, #tpu.memory_space<vmem>>
    %dma_start3A_51 = arith.constant 0 : i32
    %dma_start3A_52 = arith.constant 0 : i32
    %dma_start3A_53 = tpu.memref_slice %arg5[%squeeze3A_36, %dma_start3A_51, %dma_start3A_52] : memref<12500x8x64xf32, #tpu.memory_space<hbm>> -> memref<1x8x64xf32, #tpu.memory_space<hbm>>
    %dma_start3A_54 = tpu.memref_squeeze %dma_start3A_53 : memref<1x8x64xf32, #tpu.memory_space<hbm>> -> memref<8x64xf32, #tpu.memory_space<hbm>>
    tpu.enqueue_dma source(%dma_start3A_54 : memref<8x64xf32, #tpu.memory_space<hbm>>) target(%dma_start3A_50 : memref<8x64xf32, #tpu.memory_space<vmem>>) target_semaphore(%arg17 : memref<!tpu.dma_semaphore, #tpu.memory_space<semaphore_mem>>)
    %slice3A_55 = vector.extract_strided_slice %shift_right_arithmetic3A_11 {offsets = [1], sizes = [1], strides = [1]} : vector<16xi32> to vector<1xi32>
    %squeeze3A_56 = vector.extract %slice3A_55[0] : i32 from vector<1xi32>
    %dma_start3A_57 = arith.constant 0 : i32
    %dma_start3A_58 = arith.constant 1 : i32
    %dma_start3A_59 = arith.constant 0 : i32
    %dma_start3A_60 = arith.constant 0 : i32
    %dma_start3A_61 = tpu.memref_slice %arg11[%dma_start3A_57, %dma_start3A_58, %dma_start3A_59, %dma_start3A_60] : memref<2x16x8x64xf32, #tpu.memory_space<vmem>> -> memref<1x1x8x64xf32, #tpu.memory_space<vmem>>
    %dma_start3A_62 = tpu.memref_squeeze %dma_start3A_61 : memref<1x1x8x64xf32, #tpu.memory_space<vmem>> -> memref<8x64xf32, #tpu.memory_space<vmem>>
    %dma_start3A_63 = arith.constant 0 : i32
    %dma_start3A_64 = arith.constant 0 : i32
    %dma_start3A_65 = tpu.memref_slice %arg4[%squeeze3A_56, %dma_start3A_63, %dma_start3A_64] : memref<125000x8x64xf32, #tpu.memory_space<hbm>> -> memref<1x8x64xf32, #tpu.memory_space<hbm>>
    %dma_start3A_66 = tpu.memref_squeeze %dma_start3A_65 : memref<1x8x64xf32, #tpu.memory_space<hbm>> -> memref<8x64xf32, #tpu.memory_space<hbm>>
    %dma_start3A_67 = arith.constant 0 : i32
    %dma_start3A_68 = arith.constant 0 : i32
    %dma_start3A_69 = tpu.memref_slice %arg11[%dma_start3A_57, %dma_start3A_58, %dma_start3A_67, %dma_start3A_68] : memref<2x16x8x64xf32, #tpu.memory_space<vmem>> -> memref<1x1x8x64xf32, #tpu.memory_space<vmem>>
    %dma_start3A_70 = tpu.memref_squeeze %dma_start3A_69 : memref<1x1x8x64xf32, #tpu.memory_space<vmem>> -> memref<8x64xf32, #tpu.memory_space<vmem>>
    %dma_start3A_71 = arith.constant 0 : i32
    %dma_start3A_72 = arith.constant 0 : i32
    %dma_start3A_73 = tpu.memref_slice %arg4[%squeeze3A_56, %dma_start3A_71, %dma_start3A_72] : memref<125000x8x64xf32, #tpu.memory_space<hbm>> -> memref<1x8x64xf32, #tpu.memory_space<hbm>>
    %dma_start3A_74 = tpu.memref_squeeze %dma_start3A_73 : memref<1x8x64xf32, #tpu.memory_space<hbm>> -> memref<8x64xf32, #tpu.memory_space<hbm>>
    tpu.enqueue_dma source(%dma_start3A_74 : memref<8x64xf32, #tpu.memory_space<hbm>>) target(%dma_start3A_70 : memref<8x64xf32, #tpu.memory_space<vmem>>) target_semaphore(%arg16 : memref<!tpu.dma_semaphore, #tpu.memory_space<semaphore_mem>>)
    %slice3A_75 = vector.extract_strided_slice %shift_right_arithmetic3A_16 {offsets = [1], sizes = [1], strides = [1]} : vector<16xi32> to vector<1xi32>
    %squeeze3A_76 = vector.extract %slice3A_75[0] : i32 from vector<1xi32>
    %dma_start3A_77 = arith.constant 0 : i32
    %dma_start3A_78 = arith.constant 1 : i32
    %dma_start3A_79 = arith.constant 0 : i32
    %dma_start3A_80 = arith.constant 0 : i32
    %dma_start3A_81 = tpu.memref_slice %arg12[%dma_start3A_77, %dma_start3A_78, %dma_start3A_79, %dma_start3A_80] : memref<2x16x8x64xf32, #tpu.memory_space<vmem>> -> memref<1x1x8x64xf32, #tpu.memory_space<vmem>>
    %dma_start3A_82 = tpu.memref_squeeze %dma_start3A_81 : memref<1x1x8x64xf32, #tpu.memory_space<vmem>> -> memref<8x64xf32, #tpu.memory_space<vmem>>
    %dma_start3A_83 = arith.constant 0 : i32
    %dma_start3A_84 = arith.constant 0 : i32
    %dma_start3A_85 = tpu.memref_slice %arg5[%squeeze3A_76, %dma_start3A_83, %dma_start3A_84] : memref<12500x8x64xf32, #tpu.memory_space<hbm>> -> memref<1x8x64xf32, #tpu.memory_space<hbm>>
    %dma_start3A_86 = tpu.memref_squeeze %dma_start3A_85 : memref<1x8x64xf32, #tpu.memory_space<hbm>> -> memref<8x64xf32, #tpu.memory_space<hbm>>
    %dma_start3A_87 = arith.constant 0 : i32
    %dma_start3A_88 = arith.constant 0 : i32
    %dma_start3A_89 = tpu.memref_slice %arg12[%dma_start3A_77, %dma_start3A_78, %dma_start3A_87, %dma_start3A_88] : memref<2x16x8x64xf32, #tpu.memory_space<vmem>> -> memref<1x1x8x64xf32, #tpu.memory_space<vmem>>
    %dma_start3A_90 = tpu.memref_squeeze %dma_start3A_89 : memref<1x1x8x64xf32, #tpu.memory_space<vmem>> -> memref<8x64xf32, #tpu.memory_space<vmem>>
    %dma_start3A_91 = arith.constant 0 : i32
    %dma_start3A_92 = arith.constant 0 : i32
    %dma_start3A_93 = tpu.memref_slice %arg5[%squeeze3A_76, %dma_start3A_91, %dma_start3A_92] : memref<12500x8x64xf32, #tpu.memory_space<hbm>> -> memref<1x8x64xf32, #tpu.memory_space<hbm>>
    %dma_start3A_94 = tpu.memref_squeeze %dma_start3A_93 : memref<1x8x64xf32, #tpu.memory_space<hbm>> -> memref<8x64xf32, #tpu.memory_space<hbm>>
    tpu.enqueue_dma source(%dma_start3A_94 : memref<8x64xf32, #tpu.memory_space<hbm>>) target(%dma_start3A_90 : memref<8x64xf32, #tpu.memory_space<vmem>>) target_semaphore(%arg17 : memref<!tpu.dma_semaphore, #tpu.memory_space<semaphore_mem>>)
    %slice3A_95 = vector.extract_strided_slice %shift_right_arithmetic3A_11 {offsets = [2], sizes = [1], strides = [1]} : vector<16xi32> to vector<1xi32>
    %squeeze3A_96 = vector.extract %slice3A_95[0] : i32 from vector<1xi32>
    %dma_start3A_97 = arith.constant 0 : i32
    %dma_start3A_98 = arith.constant 2 : i32
    %dma_start3A_99 = arith.constant 0 : i32
    %dma_start3A_100 = arith.constant 0 : i32
    %dma_start3A_101 = tpu.memref_slice %arg11[%dma_start3A_97, %dma_start3A_98, %dma_start3A_99, %dma_start3A_100] : memref<2x16x8x64xf32, #tpu.memory_space<vmem>> -> memref<1x1x8x64xf32, #tpu.memory_space<vmem>>
    %dma_start3A_102 = tpu.memref_squeeze %dma_start3A_101 : memref<1x1x8x64xf32, #tpu.memory_space<vmem>> -> memref<8x64xf32, #tpu.memory_space<vmem>>
    %dma_start3A_103 = arith.constant 0 : i32
    %dma_start3A_104 = arith.constant 0 : i32
    %dma_start3A_105 = tpu.memref_slice %arg4[%squeeze3A_96, %dma_start3A_103, %dma_start3A_104] : memref<125000x8x64xf32, #tpu.memory_space<hbm>> -> memref<1x8x64xf32, #tpu.memory_space<hbm>>
    %dma_start3A_106 = tpu.memref_squeeze %dma_start3A_105 : memref<1x8x64xf32, #tpu.memory_space<hbm>> -> memref<8x64xf32, #tpu.memory_space<hbm>>
    %dma_start3A_107 = arith.constant 0 : i32
    %dma_start3A_108 = arith.constant 0 : i32
    %dma_start3A_109 = tpu.memref_slice %arg11[%dma_start3A_97, %dma_start3A_98, %dma_start3A_107, %dma_start3A_108] : memref<2x16x8x64xf32, #tpu.memory_space<vmem>> -> memref<1x1x8x64xf32, #tpu.memory_space<vmem>>
    %dma_start3A_110 = tpu.memref_squeeze %dma_start3A_109 : memref<1x1x8x64xf32, #tpu.memory_space<vmem>> -> memref<8x64xf32, #tpu.memory_space<vmem>>
    %dma_start3A_111 = arith.constant 0 : i32
    %dma_start3A_112 = arith.constant 0 : i32
    %dma_start3A_113 = tpu.memref_slice %arg4[%squeeze3A_96, %dma_start3A_111, %dma_start3A_112] : memref<125000x8x64xf32, #tpu.memory_space<hbm>> -> memref<1x8x64xf32, #tpu.memory_space<hbm>>
    %dma_start3A_114 = tpu.memref_squeeze %dma_start3A_113 : memref<1x8x64xf32, #tpu.memory_space<hbm>> -> memref<8x64xf32, #tpu.memory_space<hbm>>
    tpu.enqueue_dma source(%dma_start3A_114 : memref<8x64xf32, #tpu.memory_space<hbm>>) target(%dma_start3A_110 : memref<8x64xf32, #tpu.memory_space<vmem>>) target_semaphore(%arg16 : memref<!tpu.dma_semaphore, #tpu.memory_space<semaphore_mem>>)
    %slice3A_115 = vector.extract_strided_slice %shift_right_arithmetic3A_16 {offsets = [2], sizes = [1], strides = [1]} : vector<16xi32> to vector<1xi32>
    %squeeze3A_116 = vector.extract %slice3A_115[0] : i32 from vector<1xi32>
    %dma_start3A_117 = arith.constant 0 : i32
    %dma_start3A_118 = arith.constant 2 : i32
    %dma_start3A_119 = arith.constant 0 : i32
    %dma_start3A_120 = arith.constant 0 : i32
    %dma_start3A_121 = tpu.memref_slice %arg12[%dma_start3A_117, %dma_start3A_118, %dma_start3A_119, %dma_start3A_120] : memref<2x16x8x64xf32, #tpu.memory_space<vmem>> -> memref<1x1x8x64xf32, #tpu.memory_space<vmem>>
    %dma_start3A_122 = tpu.memref_squeeze %dma_start3A_121 : memref<1x1x8x64xf32, #tpu.memory_space<vmem>> -> memref<8x64xf32, #tpu.memory_space<vmem>>
    %dma_start3A_123 = arith.constant 0 : i32
    %dma_start3A_124 = arith.constant 0 : i32
    %dma_start3A_125 = tpu.memref_slice %arg5[%squeeze3A_116, %dma_start3A_123, %dma_start3A_124] : memref<12500x8x64xf32, #tpu.memory_space<hbm>> -> memref<1x8x64xf32, #tpu.memory_space<hbm>>
    %dma_start3A_126 = tpu.memref_squeeze %dma_start3A_125 : memref<1x8x64xf32, #tpu.memory_space<hbm>> -> memref<8x64xf32, #tpu.memory_space<hbm>>
    %dma_start3A_127 = arith.constant 0 : i32
    %dma_start3A_128 = arith.constant 0 : i32
    %dma_start3A_129 = tpu.memref_slice %arg12[%dma_start3A_117, %dma_start3A_118, %dma_start3A_127, %dma_start3A_128] : memref<2x16x8x64xf32, #tpu.memory_space<vmem>> -> memref<1x1x8x64xf32, #tpu.memory_space<vmem>>
    %dma_start3A_130 = tpu.memref_squeeze %dma_start3A_129 : memref<1x1x8x64xf32, #tpu.memory_space<vmem>> -> memref<8x64xf32, #tpu.memory_space<vmem>>
    %dma_start3A_131 = arith.constant 0 : i32
    %dma_start3A_132 = arith.constant 0 : i32
    %dma_start3A_133 = tpu.memref_slice %arg5[%squeeze3A_116, %dma_start3A_131, %dma_start3A_132] : memref<12500x8x64xf32, #tpu.memory_space<hbm>> -> memref<1x8x64xf32, #tpu.memory_space<hbm>>
    %dma_start3A_134 = tpu.memref_squeeze %dma_start3A_133 : memref<1x8x64xf32, #tpu.memory_space<hbm>> -> memref<8x64xf32, #tpu.memory_space<hbm>>
    tpu.enqueue_dma source(%dma_start3A_134 : memref<8x64xf32, #tpu.memory_space<hbm>>) target(%dma_start3A_130 : memref<8x64xf32, #tpu.memory_space<vmem>>) target_semaphore(%arg17 : memref<!tpu.dma_semaphore, #tpu.memory_space<semaphore_mem>>)
    %slice3A_135 = vector.extract_strided_slice %shift_right_arithmetic3A_11 {offsets = [3], sizes = [1], strides = [1]} : vector<16xi32> to vector<1xi32>
    %squeeze3A_136 = vector.extract %slice3A_135[0] : i32 from vector<1xi32>
    %dma_start3A_137 = arith.constant 0 : i32
    %dma_start3A_138 = arith.constant 3 : i32
    %dma_start3A_139 = arith.constant 0 : i32
    %dma_start3A_140 = arith.constant 0 : i32
    %dma_start3A_141 = tpu.memref_slice %arg11[%dma_start3A_137, %dma_start3A_138, %dma_start3A_139, %dma_start3A_140] : memref<2x16x8x64xf32, #tpu.memory_space<vmem>> -> memref<1x1x8x64xf32, #tpu.memory_space<vmem>>
    %dma_start3A_142 = tpu.memref_squeeze %dma_start3A_141 : memref<1x1x8x64xf32, #tpu.memory_space<vmem>> -> memref<8x64xf32, #tpu.memory_space<vmem>>
    %dma_start3A_143 = arith.constant 0 : i32
    %dma_start3A_144 = arith.constant 0 : i32
    %dma_start3A_145 = tpu.memref_slice %arg4[%squeeze3A_136, %dma_start3A_143, %dma_start3A_144] : memref<125000x8x64xf32, #tpu.memory_space<hbm>> -> memref<1x8x64xf32, #tpu.memory_space<hbm>>
    %dma_start3A_146 = tpu.memref_squeeze %dma_start3A_145 : memref<1x8x64xf32, #tpu.memory_space<hbm>> -> memref<8x64xf32, #tpu.memory_space<hbm>>
    %dma_start3A_147 = arith.constant 0 : i32
    %dma_start3A_148 = arith.constant 0 : i32
    %dma_start3A_149 = tpu.memref_slice %arg11[%dma_start3A_137, %dma_start3A_138, %dma_start3A_147, %dma_start3A_148] : memref<2x16x8x64xf32, #tpu.memory_space<vmem>> -> memref<1x1x8x64xf32, #tpu.memory_space<vmem>>
    %dma_start3A_150 = tpu.memref_squeeze %dma_start3A_149 : memref<1x1x8x64xf32, #tpu.memory_space<vmem>> -> memref<8x64xf32, #tpu.memory_space<vmem>>
    %dma_start3A_151 = arith.constant 0 : i32
    %dma_start3A_152 = arith.constant 0 : i32
    %dma_start3A_153 = tpu.memref_slice %arg4[%squeeze3A_136, %dma_start3A_151, %dma_start3A_152] : memref<125000x8x64xf32, #tpu.memory_space<hbm>> -> memref<1x8x64xf32, #tpu.memory_space<hbm>>
    %dma_start3A_154 = tpu.memref_squeeze %dma_start3A_153 : memref<1x8x64xf32, #tpu.memory_space<hbm>> -> memref<8x64xf32, #tpu.memory_space<hbm>>
    tpu.enqueue_dma source(%dma_start3A_154 : memref<8x64xf32, #tpu.memory_space<hbm>>) target(%dma_start3A_150 : memref<8x64xf32, #tpu.memory_space<vmem>>) target_semaphore(%arg16 : memref<!tpu.dma_semaphore, #tpu.memory_space<semaphore_mem>>)
    %slice3A_155 = vector.extract_strided_slice %shift_right_arithmetic3A_16 {offsets = [3], sizes = [1], strides = [1]} : vector<16xi32> to vector<1xi32>
    %squeeze3A_156 = vector.extract %slice3A_155[0] : i32 from vector<1xi32>
    %dma_start3A_157 = arith.constant 0 : i32
    %dma_start3A_158 = arith.constant 3 : i32
    %dma_start3A_159 = arith.constant 0 : i32
    %dma_start3A_160 = arith.constant 0 : i32
    %dma_start3A_161 = tpu.memref_slice %arg12[%dma_start3A_157, %dma_start3A_158, %dma_start3A_159, %dma_start3A_160] : memref<2x16x8x64xf32, #tpu.memory_space<vmem>> -> memref<1x1x8x64xf32, #tpu.memory_space<vmem>>
    %dma_start3A_162 = tpu.memref_squeeze %dma_start3A_161 : memref<1x1x8x64xf32, #tpu.memory_space<vmem>> -> memref<8x64xf32, #tpu.memory_space<vmem>>
    %dma_start3A_163 = arith.constant 0 : i32
    %dma_start3A_164 = arith.constant 0 : i32
    %dma_start3A_165 = tpu.memref_slice %arg5[%squeeze3A_156, %dma_start3A_163, %dma_start3A_164] : memref<12500x8x64xf32, #tpu.memory_space<hbm>> -> memref<1x8x64xf32, #tpu.memory_space<hbm>>
    %dma_start3A_166 = tpu.memref_squeeze %dma_start3A_165 : memref<1x8x64xf32, #tpu.memory_space<hbm>> -> memref<8x64xf32, #tpu.memory_space<hbm>>
    %dma_start3A_167 = arith.constant 0 : i32
    %dma_start3A_168 = arith.constant 0 : i32
    %dma_start3A_169 = tpu.memref_slice %arg12[%dma_start3A_157, %dma_start3A_158, %dma_start3A_167, %dma_start3A_168] : memref<2x16x8x64xf32, #tpu.memory_space<vmem>> -> memref<1x1x8x64xf32, #tpu.memory_space<vmem>>
    %dma_start3A_170 = tpu.memref_squeeze %dma_start3A_169 : memref<1x1x8x64xf32, #tpu.memory_space<vmem>> -> memref<8x64xf32, #tpu.memory_space<vmem>>
    %dma_start3A_171 = arith.constant 0 : i32
    %dma_start3A_172 = arith.constant 0 : i32
    %dma_start3A_173 = tpu.memref_slice %arg5[%squeeze3A_156, %dma_start3A_171, %dma_start3A_172] : memref<12500x8x64xf32, #tpu.memory_space<hbm>> -> memref<1x8x64xf32, #tpu.memory_space<hbm>>
    %dma_start3A_174 = tpu.memref_squeeze %dma_start3A_173 : memref<1x8x64xf32, #tpu.memory_space<hbm>> -> memref<8x64xf32, #tpu.memory_space<hbm>>
    tpu.enqueue_dma source(%dma_start3A_174 : memref<8x64xf32, #tpu.memory_space<hbm>>) target(%dma_start3A_170 : memref<8x64xf32, #tpu.memory_space<vmem>>) target_semaphore(%arg17 : memref<!tpu.dma_semaphore, #tpu.memory_space<semaphore_mem>>)
    %slice3A_175 = vector.extract_strided_slice %shift_right_arithmetic3A_11 {offsets = [4], sizes = [1], strides = [1]} : vector<16xi32> to vector<1xi32>
    %squeeze3A_176 = vector.extract %slice3A_175[0] : i32 from vector<1xi32>
    %dma_start3A_177 = arith.constant 0 : i32
    %dma_start3A_178 = arith.constant 4 : i32
    %dma_start3A_179 = arith.constant 0 : i32
    %dma_start3A_180 = arith.constant 0 : i32
    %dma_start3A_181 = tpu.memref_slice %arg11[%dma_start3A_177, %dma_start3A_178, %dma_start3A_179, %dma_start3A_180] : memref<2x16x8x64xf32, #tpu.memory_space<vmem>> -> memref<1x1x8x64xf32, #tpu.memory_space<vmem>>
    %dma_start3A_182 = tpu.memref_squeeze %dma_start3A_181 : memref<1x1x8x64xf32, #tpu.memory_space<vmem>> -> memref<8x64xf32, #tpu.memory_space<vmem>>
    %dma_start3A_183 = arith.constant 0 : i32
    %dma_start3A_184 = arith.constant 0 : i32
    %dma_start3A_185 = tpu.memref_slice %arg4[%squeeze3A_176, %dma_start3A_183, %dma_start3A_184] : memref<125000x8x64xf32, #tpu.memory_space<hbm>> -> memref<1x8x64xf32, #tpu.memory_space<hbm>>
    %dma_start3A_186 = tpu.memref_squeeze %dma_start3A_185 : memref<1x8x64xf32, #tpu.memory_space<hbm>> -> memref<8x64xf32, #tpu.memory_space<hbm>>
    %dma_start3A_187 = arith.constant 0 : i32
    %dma_start3A_188 = arith.constant 0 : i32
    %dma_start3A_189 = tpu.memref_slice %arg11[%dma_start3A_177, %dma_start3A_178, %dma_start3A_187, %dma_start3A_188] : memref<2x16x8x64xf32, #tpu.memory_space<vmem>> -> memref<1x1x8x64xf32, #tpu.memory_space<vmem>>
    %dma_start3A_190 = tpu.memref_squeeze %dma_start3A_189 : memref<1x1x8x64xf32, #tpu.memory_space<vmem>> -> memref<8x64xf32, #tpu.memory_space<vmem>>
    %dma_start3A_191 = arith.constant 0 : i32
    %dma_start3A_192 = arith.constant 0 : i32
    %dma_start3A_193 = tpu.memref_slice %arg4[%squeeze3A_176, %dma_start3A_191, %dma_start3A_192] : memref<125000x8x64xf32, #tpu.memory_space<hbm>> -> memref<1x8x64xf32, #tpu.memory_space<hbm>>
    %dma_start3A_194 = tpu.memref_squeeze %dma_start3A_193 : memref<1x8x64xf32, #tpu.memory_space<hbm>> -> memref<8x64xf32, #tpu.memory_space<hbm>>
    tpu.enqueue_dma source(%dma_start3A_194 : memref<8x64xf32, #tpu.memory_space<hbm>>) target(%dma_start3A_190 : memref<8x64xf32, #tpu.memory_space<vmem>>) target_semaphore(%arg16 : memref<!tpu.dma_semaphore, #tpu.memory_space<semaphore_mem>>)
    %slice3A_195 = vector.extract_strided_slice %shift_right_arithmetic3A_16 {offsets = [4], sizes = [1], strides = [1]} : vector<16xi32> to vector<1xi32>
    %squeeze3A_196 = vector.extract %slice3A_195[0] : i32 from vector<1xi32>
    %dma_start3A_197 = arith.constant 0 : i32
    %dma_start3A_198 = arith.constant 4 : i32
    %dma_start3A_199 = arith.constant 0 : i32
    %dma_start3A_200 = arith.constant 0 : i32
    %dma_start3A_201 = tpu.memref_slice %arg12[%dma_start3A_197, %dma_start3A_198, %dma_start3A_199, %dma_start3A_200] : memref<2x16x8x64xf32, #tpu.memory_space<vmem>> -> memref<1x1x8x64xf32, #tpu.memory_space<vmem>>
    %dma_start3A_202 = tpu.memref_squeeze %dma_start3A_201 : memref<1x1x8x64xf32, #tpu.memory_space<vmem>> -> memref<8x64xf32, #tpu.memory_space<vmem>>
    %dma_start3A_203 = arith.constant 0 : i32
    %dma_start3A_204 = arith.constant 0 : i32
    %dma_start3A_205 = tpu.memref_slice %arg5[%squeeze3A_196, %dma_start3A_203, %dma_start3A_204] : memref<12500x8x64xf32, #tpu.memory_space<hbm>> -> memref<1x8x64xf32, #tpu.memory_space<hbm>>
    %dma_start3A_206 = tpu.memref_squeeze %dma_start3A_205 : memref<1x8x64xf32, #tpu.memory_space<hbm>> -> memref<8x64xf32, #tpu.memory_space<hbm>>
    %dma_start3A_207 = arith.constant 0 : i32
    %dma_start3A_208 = arith.constant 0 : i32
    %dma_start3A_209 = tpu.memref_slice %arg12[%dma_start3A_197, %dma_start3A_198, %dma_start3A_207, %dma_start3A_208] : memref<2x16x8x64xf32, #tpu.memory_space<vmem>> -> memref<1x1x8x64xf32, #tpu.memory_space<vmem>>
    %dma_start3A_210 = tpu.memref_squeeze %dma_start3A_209 : memref<1x1x8x64xf32, #tpu.memory_space<vmem>> -> memref<8x64xf32, #tpu.memory_space<vmem>>
    %dma_start3A_211 = arith.constant 0 : i32
    %dma_start3A_212 = arith.constant 0 : i32
    %dma_start3A_213 = tpu.memref_slice %arg5[%squeeze3A_196, %dma_start3A_211, %dma_start3A_212] : memref<12500x8x64xf32, #tpu.memory_space<hbm>> -> memref<1x8x64xf32, #tpu.memory_space<hbm>>
    %dma_start3A_214 = tpu.memref_squeeze %dma_start3A_213 : memref<1x8x64xf32, #tpu.memory_space<hbm>> -> memref<8x64xf32, #tpu.memory_space<hbm>>
    tpu.enqueue_dma source(%dma_start3A_214 : memref<8x64xf32, #tpu.memory_space<hbm>>) target(%dma_start3A_210 : memref<8x64xf32, #tpu.memory_space<vmem>>) target_semaphore(%arg17 : memref<!tpu.dma_semaphore, #tpu.memory_space<semaphore_mem>>)
    %slice3A_215 = vector.extract_strided_slice %shift_right_arithmetic3A_11 {offsets = [5], sizes = [1], strides = [1]} : vector<16xi32> to vector<1xi32>
    %squeeze3A_216 = vector.extract %slice3A_215[0] : i32 from vector<1xi32>
    %dma_start3A_217 = arith.constant 0 : i32
    %dma_start3A_218 = arith.constant 5 : i32
    %dma_start3A_219 = arith.constant 0 : i32
    %dma_start3A_220 = arith.constant 0 : i32
    %dma_start3A_221 = tpu.memref_slice %arg11[%dma_start3A_217, %dma_start3A_218, %dma_start3A_219, %dma_start3A_220] : memref<2x16x8x64xf32, #tpu.memory_space<vmem>> -> memref<1x1x8x64xf32, #tpu.memory_space<vmem>>
    %dma_start3A_222 = tpu.memref_squeeze %dma_start3A_221 : memref<1x1x8x64xf32, #tpu.memory_space<vmem>> -> memref<8x64xf32, #tpu.memory_space<vmem>>
    %dma_start3A_223 = arith.constant 0 : i32
    %dma_start3A_224 = arith.constant 0 : i32
    %dma_start3A_225 = tpu.memref_slice %arg4[%squeeze3A_216, %dma_start3A_223, %dma_start3A_224] : memref<125000x8x64xf32, #tpu.memory_space<hbm>> -> memref<1x8x64xf32, #tpu.memory_space<hbm>>
    %dma_start3A_226 = tpu.memref_squeeze %dma_start3A_225 : memref<1x8x64xf32, #tpu.memory_space<hbm>> -> memref<8x64xf32, #tpu.memory_space<hbm>>
    %dma_start3A_227 = arith.constant 0 : i32
    %dma_start3A_228 = arith.constant 0 : i32
    %dma_start3A_229 = tpu.memref_slice %arg11[%dma_start3A_217, %dma_start3A_218, %dma_start3A_227, %dma_start3A_228] : memref<2x16x8x64xf32, #tpu.memory_space<vmem>> -> memref<1x1x8x64xf32, #tpu.memory_space<vmem>>
    %dma_start3A_230 = tpu.memref_squeeze %dma_start3A_229 : memref<1x1x8x64xf32, #tpu.memory_space<vmem>> -> memref<8x64xf32, #tpu.memory_space<vmem>>
    %dma_start3A_231 = arith.constant 0 : i32
    %dma_start3A_232 = arith.constant 0 : i32
    %dma_start3A_233 = tpu.memref_slice %arg4[%squeeze3A_216, %dma_start3A_231, %dma_start3A_232] : memref<125000x8x64xf32, #tpu.memory_space<hbm>> -> memref<1x8x64xf32, #tpu.memory_space<hbm>>
    %dma_start3A_234 = tpu.memref_squeeze %dma_start3A_233 : memref<1x8x64xf32, #tpu.memory_space<hbm>> -> memref<8x64xf32, #tpu.memory_space<hbm>>
    tpu.enqueue_dma source(%dma_start3A_234 : memref<8x64xf32, #tpu.memory_space<hbm>>) target(%dma_start3A_230 : memref<8x64xf32, #tpu.memory_space<vmem>>) target_semaphore(%arg16 : memref<!tpu.dma_semaphore, #tpu.memory_space<semaphore_mem>>)
    %slice3A_235 = vector.extract_strided_slice %shift_right_arithmetic3A_16 {offsets = [5], sizes = [1], strides = [1]} : vector<16xi32> to vector<1xi32>
    %squeeze3A_236 = vector.extract %slice3A_235[0] : i32 from vector<1xi32>
    %dma_start3A_237 = arith.constant 0 : i32
    %dma_start3A_238 = arith.constant 5 : i32
    %dma_start3A_239 = arith.constant 0 : i32
    %dma_start3A_240 = arith.constant 0 : i32
    %dma_start3A_241 = tpu.memref_slice %arg12[%dma_start3A_237, %dma_start3A_238, %dma_start3A_239, %dma_start3A_240] : memref<2x16x8x64xf32, #tpu.memory_space<vmem>> -> memref<1x1x8x64xf32, #tpu.memory_space<vmem>>
    %dma_start3A_242 = tpu.memref_squeeze %dma_start3A_241 : memref<1x1x8x64xf32, #tpu.memory_space<vmem>> -> memref<8x64xf32, #tpu.memory_space<vmem>>
    %dma_start3A_243 = arith.constant 0 : i32
    %dma_start3A_244 = arith.constant 0 : i32
    %dma_start3A_245 = tpu.memref_slice %arg5[%squeeze3A_236, %dma_start3A_243, %dma_start3A_244] : memref<12500x8x64xf32, #tpu.memory_space<hbm>> -> memref<1x8x64xf32, #tpu.memory_space<hbm>>
    %dma_start3A_246 = tpu.memref_squeeze %dma_start3A_245 : memref<1x8x64xf32, #tpu.memory_space<hbm>> -> memref<8x64xf32, #tpu.memory_space<hbm>>
    %dma_start3A_247 = arith.constant 0 : i32
    %dma_start3A_248 = arith.constant 0 : i32
    %dma_start3A_249 = tpu.memref_slice %arg12[%dma_start3A_237, %dma_start3A_238, %dma_start3A_247, %dma_start3A_248] : memref<2x16x8x64xf32, #tpu.memory_space<vmem>> -> memref<1x1x8x64xf32, #tpu.memory_space<vmem>>
    %dma_start3A_250 = tpu.memref_squeeze %dma_start3A_249 : memref<1x1x8x64xf32, #tpu.memory_space<vmem>> -> memref<8x64xf32, #tpu.memory_space<vmem>>
    %dma_start3A_251 = arith.constant 0 : i32
    %dma_start3A_252 = arith.constant 0 : i32
    %dma_start3A_253 = tpu.memref_slice %arg5[%squeeze3A_236, %dma_start3A_251, %dma_start3A_252] : memref<12500x8x64xf32, #tpu.memory_space<hbm>> -> memref<1x8x64xf32, #tpu.memory_space<hbm>>
    %dma_start3A_254 = tpu.memref_squeeze %dma_start3A_253 : memref<1x8x64xf32, #tpu.memory_space<hbm>> -> memref<8x64xf32, #tpu.memory_space<hbm>>
    tpu.enqueue_dma source(%dma_start3A_254 : memref<8x64xf32, #tpu.memory_space<hbm>>) target(%dma_start3A_250 : memref<8x64xf32, #tpu.memory_space<vmem>>) target_semaphore(%arg17 : memref<!tpu.dma_semaphore, #tpu.memory_space<semaphore_mem>>)
    %slice3A_255 = vector.extract_strided_slice %shift_right_arithmetic3A_11 {offsets = [6], sizes = [1], strides = [1]} : vector<16xi32> to vector<1xi32>
    %squeeze3A_256 = vector.extract %slice3A_255[0] : i32 from vector<1xi32>
    %dma_start3A_257 = arith.constant 0 : i32
    %dma_start3A_258 = arith.constant 6 : i32
    %dma_start3A_259 = arith.constant 0 : i32
    %dma_start3A_260 = arith.constant 0 : i32
    %dma_start3A_261 = tpu.memref_slice %arg11[%dma_start3A_257, %dma_start3A_258, %dma_start3A_259, %dma_start3A_260] : memref<2x16x8x64xf32, #tpu.memory_space<vmem>> -> memref<1x1x8x64xf32, #tpu.memory_space<vmem>>
    %dma_start3A_262 = tpu.memref_squeeze %dma_start3A_261 : memref<1x1x8x64xf32, #tpu.memory_space<vmem>> -> memref<8x64xf32, #tpu.memory_space<vmem>>
    %dma_start3A_263 = arith.constant 0 : i32
    %dma_start3A_264 = arith.constant 0 : i32
    %dma_start3A_265 = tpu.memref_slice %arg4[%squeeze3A_256, %dma_start3A_263, %dma_start3A_264] : memref<125000x8x64xf32, #tpu.memory_space<hbm>> -> memref<1x8x64xf32, #tpu.memory_space<hbm>>
    %dma_start3A_266 = tpu.memref_squeeze %dma_start3A_265 : memref<1x8x64xf32, #tpu.memory_space<hbm>> -> memref<8x64xf32, #tpu.memory_space<hbm>>
    %dma_start3A_267 = arith.constant 0 : i32
    %dma_start3A_268 = arith.constant 0 : i32
    %dma_start3A_269 = tpu.memref_slice %arg11[%dma_start3A_257, %dma_start3A_258, %dma_start3A_267, %dma_start3A_268] : memref<2x16x8x64xf32, #tpu.memory_space<vmem>> -> memref<1x1x8x64xf32, #tpu.memory_space<vmem>>
    %dma_start3A_270 = tpu.memref_squeeze %dma_start3A_269 : memref<1x1x8x64xf32, #tpu.memory_space<vmem>> -> memref<8x64xf32, #tpu.memory_space<vmem>>
    %dma_start3A_271 = arith.constant 0 : i32
    %dma_start3A_272 = arith.constant 0 : i32
    %dma_start3A_273 = tpu.memref_slice %arg4[%squeeze3A_256, %dma_start3A_271, %dma_start3A_272] : memref<125000x8x64xf32, #tpu.memory_space<hbm>> -> memref<1x8x64xf32, #tpu.memory_space<hbm>>
    %dma_start3A_274 = tpu.memref_squeeze %dma_start3A_273 : memref<1x8x64xf32, #tpu.memory_space<hbm>> -> memref<8x64xf32, #tpu.memory_space<hbm>>
    tpu.enqueue_dma source(%dma_start3A_274 : memref<8x64xf32, #tpu.memory_space<hbm>>) target(%dma_start3A_270 : memref<8x64xf32, #tpu.memory_space<vmem>>) target_semaphore(%arg16 : memref<!tpu.dma_semaphore, #tpu.memory_space<semaphore_mem>>)
    %slice3A_275 = vector.extract_strided_slice %shift_right_arithmetic3A_16 {offsets = [6], sizes = [1], strides = [1]} : vector<16xi32> to vector<1xi32>
    %squeeze3A_276 = vector.extract %slice3A_275[0] : i32 from vector<1xi32>
    %dma_start3A_277 = arith.constant 0 : i32
    %dma_start3A_278 = arith.constant 6 : i32
    %dma_start3A_279 = arith.constant 0 : i32
    %dma_start3A_280 = arith.constant 0 : i32
    %dma_start3A_281 = tpu.memref_slice %arg12[%dma_start3A_277, %dma_start3A_278, %dma_start3A_279, %dma_start3A_280] : memref<2x16x8x64xf32, #tpu.memory_space<vmem>> -> memref<1x1x8x64xf32, #tpu.memory_space<vmem>>
    %dma_start3A_282 = tpu.memref_squeeze %dma_start3A_281 : memref<1x1x8x64xf32, #tpu.memory_space<vmem>> -> memref<8x64xf32, #tpu.memory_space<vmem>>
    %dma_start3A_283 = arith.constant 0 : i32
    %dma_start3A_284 = arith.constant 0 : i32
    %dma_start3A_285 = tpu.memref_slice %arg5[%squeeze3A_276, %dma_start3A_283, %dma_start3A_284] : memref<12500x8x64xf32, #tpu.memory_space<hbm>> -> memref<1x8x64xf32, #tpu.memory_space<hbm>>
    %dma_start3A_286 = tpu.memref_squeeze %dma_start3A_285 : memref<1x8x64xf32, #tpu.memory_space<hbm>> -> memref<8x64xf32, #tpu.memory_space<hbm>>
    %dma_start3A_287 = arith.constant 0 : i32
    %dma_start3A_288 = arith.constant 0 : i32
    %dma_start3A_289 = tpu.memref_slice %arg12[%dma_start3A_277, %dma_start3A_278, %dma_start3A_287, %dma_start3A_288] : memref<2x16x8x64xf32, #tpu.memory_space<vmem>> -> memref<1x1x8x64xf32, #tpu.memory_space<vmem>>
    %dma_start3A_290 = tpu.memref_squeeze %dma_start3A_289 : memref<1x1x8x64xf32, #tpu.memory_space<vmem>> -> memref<8x64xf32, #tpu.memory_space<vmem>>
    %dma_start3A_291 = arith.constant 0 : i32
    %dma_start3A_292 = arith.constant 0 : i32
    %dma_start3A_293 = tpu.memref_slice %arg5[%squeeze3A_276, %dma_start3A_291, %dma_start3A_292] : memref<12500x8x64xf32, #tpu.memory_space<hbm>> -> memref<1x8x64xf32, #tpu.memory_space<hbm>>
    %dma_start3A_294 = tpu.memref_squeeze %dma_start3A_293 : memref<1x8x64xf32, #tpu.memory_space<hbm>> -> memref<8x64xf32, #tpu.memory_space<hbm>>
    tpu.enqueue_dma source(%dma_start3A_294 : memref<8x64xf32, #tpu.memory_space<hbm>>) target(%dma_start3A_290 : memref<8x64xf32, #tpu.memory_space<vmem>>) target_semaphore(%arg17 : memref<!tpu.dma_semaphore, #tpu.memory_space<semaphore_mem>>)
    %slice3A_295 = vector.extract_strided_slice %shift_right_arithmetic3A_11 {offsets = [7], sizes = [1], strides = [1]} : vector<16xi32> to vector<1xi32>
    %squeeze3A_296 = vector.extract %slice3A_295[0] : i32 from vector<1xi32>
    %dma_start3A_297 = arith.constant 0 : i32
    %dma_start3A_298 = arith.constant 7 : i32
    %dma_start3A_299 = arith.constant 0 : i32
    %dma_start3A_300 = arith.constant 0 : i32
    %dma_start3A_301 = tpu.memref_slice %arg11[%dma_start3A_297, %dma_start3A_298, %dma_start3A_299, %dma_start3A_300] : memref<2x16x8x64xf32, #tpu.memory_space<vmem>> -> memref<1x1x8x64xf32, #tpu.memory_space<vmem>>
    %dma_start3A_302 = tpu.memref_squeeze %dma_start3A_301 : memref<1x1x8x64xf32, #tpu.memory_space<vmem>> -> memref<8x64xf32, #tpu.memory_space<vmem>>
    %dma_start3A_303 = arith.constant 0 : i32
    %dma_start3A_304 = arith.constant 0 : i32
    %dma_start3A_305 = tpu.memref_slice %arg4[%squeeze3A_296, %dma_start3A_303, %dma_start3A_304] : memref<125000x8x64xf32, #tpu.memory_space<hbm>> -> memref<1x8x64xf32, #tpu.memory_space<hbm>>
    %dma_start3A_306 = tpu.memref_squeeze %dma_start3A_305 : memref<1x8x64xf32, #tpu.memory_space<hbm>> -> memref<8x64xf32, #tpu.memory_space<hbm>>
    %dma_start3A_307 = arith.constant 0 : i32
    %dma_start3A_308 = arith.constant 0 : i32
    %dma_start3A_309 = tpu.memref_slice %arg11[%dma_start3A_297, %dma_start3A_298, %dma_start3A_307, %dma_start3A_308] : memref<2x16x8x64xf32, #tpu.memory_space<vmem>> -> memref<1x1x8x64xf32, #tpu.memory_space<vmem>>
    %dma_start3A_310 = tpu.memref_squeeze %dma_start3A_309 : memref<1x1x8x64xf32, #tpu.memory_space<vmem>> -> memref<8x64xf32, #tpu.memory_space<vmem>>
    %dma_start3A_311 = arith.constant 0 : i32
    %dma_start3A_312 = arith.constant 0 : i32
    %dma_start3A_313 = tpu.memref_slice %arg4[%squeeze3A_296, %dma_start3A_311, %dma_start3A_312] : memref<125000x8x64xf32, #tpu.memory_space<hbm>> -> memref<1x8x64xf32, #tpu.memory_space<hbm>>
    %dma_start3A_314 = tpu.memref_squeeze %dma_start3A_313 : memref<1x8x64xf32, #tpu.memory_space<hbm>> -> memref<8x64xf32, #tpu.memory_space<hbm>>
    tpu.enqueue_dma source(%dma_start3A_314 : memref<8x64xf32, #tpu.memory_space<hbm>>) target(%dma_start3A_310 : memref<8x64xf32, #tpu.memory_space<vmem>>) target_semaphore(%arg16 : memref<!tpu.dma_semaphore, #tpu.memory_space<semaphore_mem>>)
    %slice3A_315 = vector.extract_strided_slice %shift_right_arithmetic3A_16 {offsets = [7], sizes = [1], strides = [1]} : vector<16xi32> to vector<1xi32>
    %squeeze3A_316 = vector.extract %slice3A_315[0] : i32 from vector<1xi32>
    %dma_start3A_317 = arith.constant 0 : i32
    %dma_start3A_318 = arith.constant 7 : i32
    %dma_start3A_319 = arith.constant 0 : i32
    %dma_start3A_320 = arith.constant 0 : i32
    %dma_start3A_321 = tpu.memref_slice %arg12[%dma_start3A_317, %dma_start3A_318, %dma_start3A_319, %dma_start3A_320] : memref<2x16x8x64xf32, #tpu.memory_space<vmem>> -> memref<1x1x8x64xf32, #tpu.memory_space<vmem>>
    %dma_start3A_322 = tpu.memref_squeeze %dma_start3A_321 : memref<1x1x8x64xf32, #tpu.memory_space<vmem>> -> memref<8x64xf32, #tpu.memory_space<vmem>>
    %dma_start3A_323 = arith.constant 0 : i32
    %dma_start3A_324 = arith.constant 0 : i32
    %dma_start3A_325 = tpu.memref_slice %arg5[%squeeze3A_316, %dma_start3A_323, %dma_start3A_324] : memref<12500x8x64xf32, #tpu.memory_space<hbm>> -> memref<1x8x64xf32, #tpu.memory_space<hbm>>
    %dma_start3A_326 = tpu.memref_squeeze %dma_start3A_325 : memref<1x8x64xf32, #tpu.memory_space<hbm>> -> memref<8x64xf32, #tpu.memory_space<hbm>>
    %dma_start3A_327 = arith.constant 0 : i32
    %dma_start3A_328 = arith.constant 0 : i32
    %dma_start3A_329 = tpu.memref_slice %arg12[%dma_start3A_317, %dma_start3A_318, %dma_start3A_327, %dma_start3A_328] : memref<2x16x8x64xf32, #tpu.memory_space<vmem>> -> memref<1x1x8x64xf32, #tpu.memory_space<vmem>>
    %dma_start3A_330 = tpu.memref_squeeze %dma_start3A_329 : memref<1x1x8x64xf32, #tpu.memory_space<vmem>> -> memref<8x64xf32, #tpu.memory_space<vmem>>
    %dma_start3A_331 = arith.constant 0 : i32
    %dma_start3A_332 = arith.constant 0 : i32
    %dma_start3A_333 = tpu.memref_slice %arg5[%squeeze3A_316, %dma_start3A_331, %dma_start3A_332] : memref<12500x8x64xf32, #tpu.memory_space<hbm>> -> memref<1x8x64xf32, #tpu.memory_space<hbm>>
    %dma_start3A_334 = tpu.memref_squeeze %dma_start3A_333 : memref<1x8x64xf32, #tpu.memory_space<hbm>> -> memref<8x64xf32, #tpu.memory_space<hbm>>
    tpu.enqueue_dma source(%dma_start3A_334 : memref<8x64xf32, #tpu.memory_space<hbm>>) target(%dma_start3A_330 : memref<8x64xf32, #tpu.memory_space<vmem>>) target_semaphore(%arg17 : memref<!tpu.dma_semaphore, #tpu.memory_space<semaphore_mem>>)
    %slice3A_335 = vector.extract_strided_slice %shift_right_arithmetic3A_11 {offsets = [8], sizes = [1], strides = [1]} : vector<16xi32> to vector<1xi32>
    %squeeze3A_336 = vector.extract %slice3A_335[0] : i32 from vector<1xi32>
    %dma_start3A_337 = arith.constant 0 : i32
    %dma_start3A_338 = arith.constant 8 : i32
    %dma_start3A_339 = arith.constant 0 : i32
    %dma_start3A_340 = arith.constant 0 : i32
    %dma_start3A_341 = tpu.memref_slice %arg11[%dma_start3A_337, %dma_start3A_338, %dma_start3A_339, %dma_start3A_340] : memref<2x16x8x64xf32, #tpu.memory_space<vmem>> -> memref<1x1x8x64xf32, #tpu.memory_space<vmem>>
    %dma_start3A_342 = tpu.memref_squeeze %dma_start3A_341 : memref<1x1x8x64xf32, #tpu.memory_space<vmem>> -> memref<8x64xf32, #tpu.memory_space<vmem>>
    %dma_start3A_343 = arith.constant 0 : i32
    %dma_start3A_344 = arith.constant 0 : i32
    %dma_start3A_345 = tpu.memref_slice %arg4[%squeeze3A_336, %dma_start3A_343, %dma_start3A_344] : memref<125000x8x64xf32, #tpu.memory_space<hbm>> -> memref<1x8x64xf32, #tpu.memory_space<hbm>>
    %dma_start3A_346 = tpu.memref_squeeze %dma_start3A_345 : memref<1x8x64xf32, #tpu.memory_space<hbm>> -> memref<8x64xf32, #tpu.memory_space<hbm>>
    %dma_start3A_347 = arith.constant 0 : i32
    %dma_start3A_348 = arith.constant 0 : i32
    %dma_start3A_349 = tpu.memref_slice %arg11[%dma_start3A_337, %dma_start3A_338, %dma_start3A_347, %dma_start3A_348] : memref<2x16x8x64xf32, #tpu.memory_space<vmem>> -> memref<1x1x8x64xf32, #tpu.memory_space<vmem>>
    %dma_start3A_350 = tpu.memref_squeeze %dma_start3A_349 : memref<1x1x8x64xf32, #tpu.memory_space<vmem>> -> memref<8x64xf32, #tpu.memory_space<vmem>>
    %dma_start3A_351 = arith.constant 0 : i32
    %dma_start3A_352 = arith.constant 0 : i32
    %dma_start3A_353 = tpu.memref_slice %arg4[%squeeze3A_336, %dma_start3A_351, %dma_start3A_352] : memref<125000x8x64xf32, #tpu.memory_space<hbm>> -> memref<1x8x64xf32, #tpu.memory_space<hbm>>
    %dma_start3A_354 = tpu.memref_squeeze %dma_start3A_353 : memref<1x8x64xf32, #tpu.memory_space<hbm>> -> memref<8x64xf32, #tpu.memory_space<hbm>>
    tpu.enqueue_dma source(%dma_start3A_354 : memref<8x64xf32, #tpu.memory_space<hbm>>) target(%dma_start3A_350 : memref<8x64xf32, #tpu.memory_space<vmem>>) target_semaphore(%arg16 : memref<!tpu.dma_semaphore, #tpu.memory_space<semaphore_mem>>)
    %slice3A_355 = vector.extract_strided_slice %shift_right_arithmetic3A_16 {offsets = [8], sizes = [1], strides = [1]} : vector<16xi32> to vector<1xi32>
    %squeeze3A_356 = vector.extract %slice3A_355[0] : i32 from vector<1xi32>
    %dma_start3A_357 = arith.constant 0 : i32
    %dma_start3A_358 = arith.constant 8 : i32
    %dma_start3A_359 = arith.constant 0 : i32
    %dma_start3A_360 = arith.constant 0 : i32
    %dma_start3A_361 = tpu.memref_slice %arg12[%dma_start3A_357, %dma_start3A_358, %dma_start3A_359, %dma_start3A_360] : memref<2x16x8x64xf32, #tpu.memory_space<vmem>> -> memref<1x1x8x64xf32, #tpu.memory_space<vmem>>
    %dma_start3A_362 = tpu.memref_squeeze %dma_start3A_361 : memref<1x1x8x64xf32, #tpu.memory_space<vmem>> -> memref<8x64xf32, #tpu.memory_space<vmem>>
    %dma_start3A_363 = arith.constant 0 : i32
    %dma_start3A_364 = arith.constant 0 : i32
    %dma_start3A_365 = tpu.memref_slice %arg5[%squeeze3A_356, %dma_start3A_363, %dma_start3A_364] : memref<12500x8x64xf32, #tpu.memory_space<hbm>> -> memref<1x8x64xf32, #tpu.memory_space<hbm>>
    %dma_start3A_366 = tpu.memref_squeeze %dma_start3A_365 : memref<1x8x64xf32, #tpu.memory_space<hbm>> -> memref<8x64xf32, #tpu.memory_space<hbm>>
    %dma_start3A_367 = arith.constant 0 : i32
    %dma_start3A_368 = arith.constant 0 : i32
    %dma_start3A_369 = tpu.memref_slice %arg12[%dma_start3A_357, %dma_start3A_358, %dma_start3A_367, %dma_start3A_368] : memref<2x16x8x64xf32, #tpu.memory_space<vmem>> -> memref<1x1x8x64xf32, #tpu.memory_space<vmem>>
    %dma_start3A_370 = tpu.memref_squeeze %dma_start3A_369 : memref<1x1x8x64xf32, #tpu.memory_space<vmem>> -> memref<8x64xf32, #tpu.memory_space<vmem>>
    %dma_start3A_371 = arith.constant 0 : i32
    %dma_start3A_372 = arith.constant 0 : i32
    %dma_start3A_373 = tpu.memref_slice %arg5[%squeeze3A_356, %dma_start3A_371, %dma_start3A_372] : memref<12500x8x64xf32, #tpu.memory_space<hbm>> -> memref<1x8x64xf32, #tpu.memory_space<hbm>>
    %dma_start3A_374 = tpu.memref_squeeze %dma_start3A_373 : memref<1x8x64xf32, #tpu.memory_space<hbm>> -> memref<8x64xf32, #tpu.memory_space<hbm>>
    tpu.enqueue_dma source(%dma_start3A_374 : memref<8x64xf32, #tpu.memory_space<hbm>>) target(%dma_start3A_370 : memref<8x64xf32, #tpu.memory_space<vmem>>) target_semaphore(%arg17 : memref<!tpu.dma_semaphore, #tpu.memory_space<semaphore_mem>>)
    %slice3A_375 = vector.extract_strided_slice %shift_right_arithmetic3A_11 {offsets = [9], sizes = [1], strides = [1]} : vector<16xi32> to vector<1xi32>
    %squeeze3A_376 = vector.extract %slice3A_375[0] : i32 from vector<1xi32>
    %dma_start3A_377 = arith.constant 0 : i32
    %dma_start3A_378 = arith.constant 9 : i32
    %dma_start3A_379 = arith.constant 0 : i32
    %dma_start3A_380 = arith.constant 0 : i32
    %dma_start3A_381 = tpu.memref_slice %arg11[%dma_start3A_377, %dma_start3A_378, %dma_start3A_379, %dma_start3A_380] : memref<2x16x8x64xf32, #tpu.memory_space<vmem>> -> memref<1x1x8x64xf32, #tpu.memory_space<vmem>>
    %dma_start3A_382 = tpu.memref_squeeze %dma_start3A_381 : memref<1x1x8x64xf32, #tpu.memory_space<vmem>> -> memref<8x64xf32, #tpu.memory_space<vmem>>
    %dma_start3A_383 = arith.constant 0 : i32
    %dma_start3A_384 = arith.constant 0 : i32
    %dma_start3A_385 = tpu.memref_slice %arg4[%squeeze3A_376, %dma_start3A_383, %dma_start3A_384] : memref<125000x8x64xf32, #tpu.memory_space<hbm>> -> memref<1x8x64xf32, #tpu.memory_space<hbm>>
    %dma_start3A_386 = tpu.memref_squeeze %dma_start3A_385 : memref<1x8x64xf32, #tpu.memory_space<hbm>> -> memref<8x64xf32, #tpu.memory_space<hbm>>
    %dma_start3A_387 = arith.constant 0 : i32
    %dma_start3A_388 = arith.constant 0 : i32
    %dma_start3A_389 = tpu.memref_slice %arg11[%dma_start3A_377, %dma_start3A_378, %dma_start3A_387, %dma_start3A_388] : memref<2x16x8x64xf32, #tpu.memory_space<vmem>> -> memref<1x1x8x64xf32, #tpu.memory_space<vmem>>
    %dma_start3A_390 = tpu.memref_squeeze %dma_start3A_389 : memref<1x1x8x64xf32, #tpu.memory_space<vmem>> -> memref<8x64xf32, #tpu.memory_space<vmem>>
    %dma_start3A_391 = arith.constant 0 : i32
    %dma_start3A_392 = arith.constant 0 : i32
    %dma_start3A_393 = tpu.memref_slice %arg4[%squeeze3A_376, %dma_start3A_391, %dma_start3A_392] : memref<125000x8x64xf32, #tpu.memory_space<hbm>> -> memref<1x8x64xf32, #tpu.memory_space<hbm>>
    %dma_start3A_394 = tpu.memref_squeeze %dma_start3A_393 : memref<1x8x64xf32, #tpu.memory_space<hbm>> -> memref<8x64xf32, #tpu.memory_space<hbm>>
    tpu.enqueue_dma source(%dma_start3A_394 : memref<8x64xf32, #tpu.memory_space<hbm>>) target(%dma_start3A_390 : memref<8x64xf32, #tpu.memory_space<vmem>>) target_semaphore(%arg16 : memref<!tpu.dma_semaphore, #tpu.memory_space<semaphore_mem>>)
    %slice3A_395 = vector.extract_strided_slice %shift_right_arithmetic3A_16 {offsets = [9], sizes = [1], strides = [1]} : vector<16xi32> to vector<1xi32>
    %squeeze3A_396 = vector.extract %slice3A_395[0] : i32 from vector<1xi32>
    %dma_start3A_397 = arith.constant 0 : i32
    %dma_start3A_398 = arith.constant 9 : i32
    %dma_start3A_399 = arith.constant 0 : i32
    %dma_start3A_400 = arith.constant 0 : i32
    %dma_start3A_401 = tpu.memref_slice %arg12[%dma_start3A_397, %dma_start3A_398, %dma_start3A_399, %dma_start3A_400] : memref<2x16x8x64xf32, #tpu.memory_space<vmem>> -> memref<1x1x8x64xf32, #tpu.memory_space<vmem>>
    %dma_start3A_402 = tpu.memref_squeeze %dma_start3A_401 : memref<1x1x8x64xf32, #tpu.memory_space<vmem>> -> memref<8x64xf32, #tpu.memory_space<vmem>>
    %dma_start3A_403 = arith.constant 0 : i32
    %dma_start3A_404 = arith.constant 0 : i32
    %dma_start3A_405 = tpu.memref_slice %arg5[%squeeze3A_396, %dma_start3A_403, %dma_start3A_404] : memref<12500x8x64xf32, #tpu.memory_space<hbm>> -> memref<1x8x64xf32, #tpu.memory_space<hbm>>
    %dma_start3A_406 = tpu.memref_squeeze %dma_start3A_405 : memref<1x8x64xf32, #tpu.memory_space<hbm>> -> memref<8x64xf32, #tpu.memory_space<hbm>>
    %dma_start3A_407 = arith.constant 0 : i32
    %dma_start3A_408 = arith.constant 0 : i32
    %dma_start3A_409 = tpu.memref_slice %arg12[%dma_start3A_397, %dma_start3A_398, %dma_start3A_407, %dma_start3A_408] : memref<2x16x8x64xf32, #tpu.memory_space<vmem>> -> memref<1x1x8x64xf32, #tpu.memory_space<vmem>>
    %dma_start3A_410 = tpu.memref_squeeze %dma_start3A_409 : memref<1x1x8x64xf32, #tpu.memory_space<vmem>> -> memref<8x64xf32, #tpu.memory_space<vmem>>
    %dma_start3A_411 = arith.constant 0 : i32
    %dma_start3A_412 = arith.constant 0 : i32
    %dma_start3A_413 = tpu.memref_slice %arg5[%squeeze3A_396, %dma_start3A_411, %dma_start3A_412] : memref<12500x8x64xf32, #tpu.memory_space<hbm>> -> memref<1x8x64xf32, #tpu.memory_space<hbm>>
    %dma_start3A_414 = tpu.memref_squeeze %dma_start3A_413 : memref<1x8x64xf32, #tpu.memory_space<hbm>> -> memref<8x64xf32, #tpu.memory_space<hbm>>
    tpu.enqueue_dma source(%dma_start3A_414 : memref<8x64xf32, #tpu.memory_space<hbm>>) target(%dma_start3A_410 : memref<8x64xf32, #tpu.memory_space<vmem>>) target_semaphore(%arg17 : memref<!tpu.dma_semaphore, #tpu.memory_space<semaphore_mem>>)
    %slice3A_415 = vector.extract_strided_slice %shift_right_arithmetic3A_11 {offsets = [10], sizes = [1], strides = [1]} : vector<16xi32> to vector<1xi32>
    %squeeze3A_416 = vector.extract %slice3A_415[0] : i32 from vector<1xi32>
    %dma_start3A_417 = arith.constant 0 : i32
    %dma_start3A_418 = arith.constant 10 : i32
    %dma_start3A_419 = arith.constant 0 : i32
    %dma_start3A_420 = arith.constant 0 : i32
    %dma_start3A_421 = tpu.memref_slice %arg11[%dma_start3A_417, %dma_start3A_418, %dma_start3A_419, %dma_start3A_420] : memref<2x16x8x64xf32, #tpu.memory_space<vmem>> -> memref<1x1x8x64xf32, #tpu.memory_space<vmem>>
    %dma_start3A_422 = tpu.memref_squeeze %dma_start3A_421 : memref<1x1x8x64xf32, #tpu.memory_space<vmem>> -> memref<8x64xf32, #tpu.memory_space<vmem>>
    %dma_start3A_423 = arith.constant 0 : i32
    %dma_start3A_424 = arith.constant 0 : i32
    %dma_start3A_425 = tpu.memref_slice %arg4[%squeeze3A_416, %dma_start3A_423, %dma_start3A_424] : memref<125000x8x64xf32, #tpu.memory_space<hbm>> -> memref<1x8x64xf32, #tpu.memory_space<hbm>>
    %dma_start3A_426 = tpu.memref_squeeze %dma_start3A_425 : memref<1x8x64xf32, #tpu.memory_space<hbm>> -> memref<8x64xf32, #tpu.memory_space<hbm>>
    %dma_start3A_427 = arith.constant 0 : i32
    %dma_start3A_428 = arith.constant 0 : i32
    %dma_start3A_429 = tpu.memref_slice %arg11[%dma_start3A_417, %dma_start3A_418, %dma_start3A_427, %dma_start3A_428] : memref<2x16x8x64xf32, #tpu.memory_space<vmem>> -> memref<1x1x8x64xf32, #tpu.memory_space<vmem>>
    %dma_start3A_430 = tpu.memref_squeeze %dma_start3A_429 : memref<1x1x8x64xf32, #tpu.memory_space<vmem>> -> memref<8x64xf32, #tpu.memory_space<vmem>>
    %dma_start3A_431 = arith.constant 0 : i32
    %dma_start3A_432 = arith.constant 0 : i32
    %dma_start3A_433 = tpu.memref_slice %arg4[%squeeze3A_416, %dma_start3A_431, %dma_start3A_432] : memref<125000x8x64xf32, #tpu.memory_space<hbm>> -> memref<1x8x64xf32, #tpu.memory_space<hbm>>
    %dma_start3A_434 = tpu.memref_squeeze %dma_start3A_433 : memref<1x8x64xf32, #tpu.memory_space<hbm>> -> memref<8x64xf32, #tpu.memory_space<hbm>>
    tpu.enqueue_dma source(%dma_start3A_434 : memref<8x64xf32, #tpu.memory_space<hbm>>) target(%dma_start3A_430 : memref<8x64xf32, #tpu.memory_space<vmem>>) target_semaphore(%arg16 : memref<!tpu.dma_semaphore, #tpu.memory_space<semaphore_mem>>)
    %slice3A_435 = vector.extract_strided_slice %shift_right_arithmetic3A_16 {offsets = [10], sizes = [1], strides = [1]} : vector<16xi32> to vector<1xi32>
    %squeeze3A_436 = vector.extract %slice3A_435[0] : i32 from vector<1xi32>
    %dma_start3A_437 = arith.constant 0 : i32
    %dma_start3A_438 = arith.constant 10 : i32
    %dma_start3A_439 = arith.constant 0 : i32
    %dma_start3A_440 = arith.constant 0 : i32
    %dma_start3A_441 = tpu.memref_slice %arg12[%dma_start3A_437, %dma_start3A_438, %dma_start3A_439, %dma_start3A_440] : memref<2x16x8x64xf32, #tpu.memory_space<vmem>> -> memref<1x1x8x64xf32, #tpu.memory_space<vmem>>
    %dma_start3A_442 = tpu.memref_squeeze %dma_start3A_441 : memref<1x1x8x64xf32, #tpu.memory_space<vmem>> -> memref<8x64xf32, #tpu.memory_space<vmem>>
    %dma_start3A_443 = arith.constant 0 : i32
    %dma_start3A_444 = arith.constant 0 : i32
    %dma_start3A_445 = tpu.memref_slice %arg5[%squeeze3A_436, %dma_start3A_443, %dma_start3A_444] : memref<12500x8x64xf32, #tpu.memory_space<hbm>> -> memref<1x8x64xf32, #tpu.memory_space<hbm>>
    %dma_start3A_446 = tpu.memref_squeeze %dma_start3A_445 : memref<1x8x64xf32, #tpu.memory_space<hbm>> -> memref<8x64xf32, #tpu.memory_space<hbm>>
    %dma_start3A_447 = arith.constant 0 : i32
    %dma_start3A_448 = arith.constant 0 : i32
    %dma_start3A_449 = tpu.memref_slice %arg12[%dma_start3A_437, %dma_start3A_438, %dma_start3A_447, %dma_start3A_448] : memref<2x16x8x64xf32, #tpu.memory_space<vmem>> -> memref<1x1x8x64xf32, #tpu.memory_space<vmem>>
    %dma_start3A_450 = tpu.memref_squeeze %dma_start3A_449 : memref<1x1x8x64xf32, #tpu.memory_space<vmem>> -> memref<8x64xf32, #tpu.memory_space<vmem>>
    %dma_start3A_451 = arith.constant 0 : i32
    %dma_start3A_452 = arith.constant 0 : i32
    %dma_start3A_453 = tpu.memref_slice %arg5[%squeeze3A_436, %dma_start3A_451, %dma_start3A_452] : memref<12500x8x64xf32, #tpu.memory_space<hbm>> -> memref<1x8x64xf32, #tpu.memory_space<hbm>>
    %dma_start3A_454 = tpu.memref_squeeze %dma_start3A_453 : memref<1x8x64xf32, #tpu.memory_space<hbm>> -> memref<8x64xf32, #tpu.memory_space<hbm>>
    tpu.enqueue_dma source(%dma_start3A_454 : memref<8x64xf32, #tpu.memory_space<hbm>>) target(%dma_start3A_450 : memref<8x64xf32, #tpu.memory_space<vmem>>) target_semaphore(%arg17 : memref<!tpu.dma_semaphore, #tpu.memory_space<semaphore_mem>>)
    %slice3A_455 = vector.extract_strided_slice %shift_right_arithmetic3A_11 {offsets = [11], sizes = [1], strides = [1]} : vector<16xi32> to vector<1xi32>
    %squeeze3A_456 = vector.extract %slice3A_455[0] : i32 from vector<1xi32>
    %dma_start3A_457 = arith.constant 0 : i32
    %dma_start3A_458 = arith.constant 11 : i32
    %dma_start3A_459 = arith.constant 0 : i32
    %dma_start3A_460 = arith.constant 0 : i32
    %dma_start3A_461 = tpu.memref_slice %arg11[%dma_start3A_457, %dma_start3A_458, %dma_start3A_459, %dma_start3A_460] : memref<2x16x8x64xf32, #tpu.memory_space<vmem>> -> memref<1x1x8x64xf32, #tpu.memory_space<vmem>>
    %dma_start3A_462 = tpu.memref_squeeze %dma_start3A_461 : memref<1x1x8x64xf32, #tpu.memory_space<vmem>> -> memref<8x64xf32, #tpu.memory_space<vmem>>
    %dma_start3A_463 = arith.constant 0 : i32
    %dma_start3A_464 = arith.constant 0 : i32
    %dma_start3A_465 = tpu.memref_slice %arg4[%squeeze3A_456, %dma_start3A_463, %dma_start3A_464] : memref<125000x8x64xf32, #tpu.memory_space<hbm>> -> memref<1x8x64xf32, #tpu.memory_space<hbm>>
    %dma_start3A_466 = tpu.memref_squeeze %dma_start3A_465 : memref<1x8x64xf32, #tpu.memory_space<hbm>> -> memref<8x64xf32, #tpu.memory_space<hbm>>
    %dma_start3A_467 = arith.constant 0 : i32
    %dma_start3A_468 = arith.constant 0 : i32
    %dma_start3A_469 = tpu.memref_slice %arg11[%dma_start3A_457, %dma_start3A_458, %dma_start3A_467, %dma_start3A_468] : memref<2x16x8x64xf32, #tpu.memory_space<vmem>> -> memref<1x1x8x64xf32, #tpu.memory_space<vmem>>
    %dma_start3A_470 = tpu.memref_squeeze %dma_start3A_469 : memref<1x1x8x64xf32, #tpu.memory_space<vmem>> -> memref<8x64xf32, #tpu.memory_space<vmem>>
    %dma_start3A_471 = arith.constant 0 : i32
    %dma_start3A_472 = arith.constant 0 : i32
    %dma_start3A_473 = tpu.memref_slice %arg4[%squeeze3A_456, %dma_start3A_471, %dma_start3A_472] : memref<125000x8x64xf32, #tpu.memory_space<hbm>> -> memref<1x8x64xf32, #tpu.memory_space<hbm>>
    %dma_start3A_474 = tpu.memref_squeeze %dma_start3A_473 : memref<1x8x64xf32, #tpu.memory_space<hbm>> -> memref<8x64xf32, #tpu.memory_space<hbm>>
    tpu.enqueue_dma source(%dma_start3A_474 : memref<8x64xf32, #tpu.memory_space<hbm>>) target(%dma_start3A_470 : memref<8x64xf32, #tpu.memory_space<vmem>>) target_semaphore(%arg16 : memref<!tpu.dma_semaphore, #tpu.memory_space<semaphore_mem>>)
    %slice3A_475 = vector.extract_strided_slice %shift_right_arithmetic3A_16 {offsets = [11], sizes = [1], strides = [1]} : vector<16xi32> to vector<1xi32>
    %squeeze3A_476 = vector.extract %slice3A_475[0] : i32 from vector<1xi32>
    %dma_start3A_477 = arith.constant 0 : i32
    %dma_start3A_478 = arith.constant 11 : i32
    %dma_start3A_479 = arith.constant 0 : i32
    %dma_start3A_480 = arith.constant 0 : i32
    %dma_start3A_481 = tpu.memref_slice %arg12[%dma_start3A_477, %dma_start3A_478, %dma_start3A_479, %dma_start3A_480] : memref<2x16x8x64xf32, #tpu.memory_space<vmem>> -> memref<1x1x8x64xf32, #tpu.memory_space<vmem>>
    %dma_start3A_482 = tpu.memref_squeeze %dma_start3A_481 : memref<1x1x8x64xf32, #tpu.memory_space<vmem>> -> memref<8x64xf32, #tpu.memory_space<vmem>>
    %dma_start3A_483 = arith.constant 0 : i32
    %dma_start3A_484 = arith.constant 0 : i32
    %dma_start3A_485 = tpu.memref_slice %arg5[%squeeze3A_476, %dma_start3A_483, %dma_start3A_484] : memref<12500x8x64xf32, #tpu.memory_space<hbm>> -> memref<1x8x64xf32, #tpu.memory_space<hbm>>
    %dma_start3A_486 = tpu.memref_squeeze %dma_start3A_485 : memref<1x8x64xf32, #tpu.memory_space<hbm>> -> memref<8x64xf32, #tpu.memory_space<hbm>>
    %dma_start3A_487 = arith.constant 0 : i32
    %dma_start3A_488 = arith.constant 0 : i32
    %dma_start3A_489 = tpu.memref_slice %arg12[%dma_start3A_477, %dma_start3A_478, %dma_start3A_487, %dma_start3A_488] : memref<2x16x8x64xf32, #tpu.memory_space<vmem>> -> memref<1x1x8x64xf32, #tpu.memory_space<vmem>>
    %dma_start3A_490 = tpu.memref_squeeze %dma_start3A_489 : memref<1x1x8x64xf32, #tpu.memory_space<vmem>> -> memref<8x64xf32, #tpu.memory_space<vmem>>
    %dma_start3A_491 = arith.constant 0 : i32
    %dma_start3A_492 = arith.constant 0 : i32
    %dma_start3A_493 = tpu.memref_slice %arg5[%squeeze3A_476, %dma_start3A_491, %dma_start3A_492] : memref<12500x8x64xf32, #tpu.memory_space<hbm>> -> memref<1x8x64xf32, #tpu.memory_space<hbm>>
    %dma_start3A_494 = tpu.memref_squeeze %dma_start3A_493 : memref<1x8x64xf32, #tpu.memory_space<hbm>> -> memref<8x64xf32, #tpu.memory_space<hbm>>
    tpu.enqueue_dma source(%dma_start3A_494 : memref<8x64xf32, #tpu.memory_space<hbm>>) target(%dma_start3A_490 : memref<8x64xf32, #tpu.memory_space<vmem>>) target_semaphore(%arg17 : memref<!tpu.dma_semaphore, #tpu.memory_space<semaphore_mem>>)
    %slice3A_495 = vector.extract_strided_slice %shift_right_arithmetic3A_11 {offsets = [12], sizes = [1], strides = [1]} : vector<16xi32> to vector<1xi32>
    %squeeze3A_496 = vector.extract %slice3A_495[0] : i32 from vector<1xi32>
    %dma_start3A_497 = arith.constant 0 : i32
    %dma_start3A_498 = arith.constant 12 : i32
    %dma_start3A_499 = arith.constant 0 : i32
    %dma_start3A_500 = arith.constant 0 : i32
    %dma_start3A_501 = tpu.memref_slice %arg11[%dma_start3A_497, %dma_start3A_498, %dma_start3A_499, %dma_start3A_500] : memref<2x16x8x64xf32, #tpu.memory_space<vmem>> -> memref<1x1x8x64xf32, #tpu.memory_space<vmem>>
    %dma_start3A_502 = tpu.memref_squeeze %dma_start3A_501 : memref<1x1x8x64xf32, #tpu.memory_space<vmem>> -> memref<8x64xf32, #tpu.memory_space<vmem>>
    %dma_start3A_503 = arith.constant 0 : i32
    %dma_start3A_504 = arith.constant 0 : i32
    %dma_start3A_505 = tpu.memref_slice %arg4[%squeeze3A_496, %dma_start3A_503, %dma_start3A_504] : memref<125000x8x64xf32, #tpu.memory_space<hbm>> -> memref<1x8x64xf32, #tpu.memory_space<hbm>>
    %dma_start3A_506 = tpu.memref_squeeze %dma_start3A_505 : memref<1x8x64xf32, #tpu.memory_space<hbm>> -> memref<8x64xf32, #tpu.memory_space<hbm>>
    %dma_start3A_507 = arith.constant 0 : i32
    %dma_start3A_508 = arith.constant 0 : i32
    %dma_start3A_509 = tpu.memref_slice %arg11[%dma_start3A_497, %dma_start3A_498, %dma_start3A_507, %dma_start3A_508] : memref<2x16x8x64xf32, #tpu.memory_space<vmem>> -> memref<1x1x8x64xf32, #tpu.memory_space<vmem>>
    %dma_start3A_510 = tpu.memref_squeeze %dma_start3A_509 : memref<1x1x8x64xf32, #tpu.memory_space<vmem>> -> memref<8x64xf32, #tpu.memory_space<vmem>>
    %dma_start3A_511 = arith.constant 0 : i32
    %dma_start3A_512 = arith.constant 0 : i32
    %dma_start3A_513 = tpu.memref_slice %arg4[%squeeze3A_496, %dma_start3A_511, %dma_start3A_512] : memref<125000x8x64xf32, #tpu.memory_space<hbm>> -> memref<1x8x64xf32, #tpu.memory_space<hbm>>
    %dma_start3A_514 = tpu.memref_squeeze %dma_start3A_513 : memref<1x8x64xf32, #tpu.memory_space<hbm>> -> memref<8x64xf32, #tpu.memory_space<hbm>>
    tpu.enqueue_dma source(%dma_start3A_514 : memref<8x64xf32, #tpu.memory_space<hbm>>) target(%dma_start3A_510 : memref<8x64xf32, #tpu.memory_space<vmem>>) target_semaphore(%arg16 : memref<!tpu.dma_semaphore, #tpu.memory_space<semaphore_mem>>)
    %slice3A_515 = vector.extract_strided_slice %shift_right_arithmetic3A_16 {offsets = [12], sizes = [1], strides = [1]} : vector<16xi32> to vector<1xi32>
    %squeeze3A_516 = vector.extract %slice3A_515[0] : i32 from vector<1xi32>
    %dma_start3A_517 = arith.constant 0 : i32
    %dma_start3A_518 = arith.constant 12 : i32
    %dma_start3A_519 = arith.constant 0 : i32
    %dma_start3A_520 = arith.constant 0 : i32
    %dma_start3A_521 = tpu.memref_slice %arg12[%dma_start3A_517, %dma_start3A_518, %dma_start3A_519, %dma_start3A_520] : memref<2x16x8x64xf32, #tpu.memory_space<vmem>> -> memref<1x1x8x64xf32, #tpu.memory_space<vmem>>
    %dma_start3A_522 = tpu.memref_squeeze %dma_start3A_521 : memref<1x1x8x64xf32, #tpu.memory_space<vmem>> -> memref<8x64xf32, #tpu.memory_space<vmem>>
    %dma_start3A_523 = arith.constant 0 : i32
    %dma_start3A_524 = arith.constant 0 : i32
    %dma_start3A_525 = tpu.memref_slice %arg5[%squeeze3A_516, %dma_start3A_523, %dma_start3A_524] : memref<12500x8x64xf32, #tpu.memory_space<hbm>> -> memref<1x8x64xf32, #tpu.memory_space<hbm>>
    %dma_start3A_526 = tpu.memref_squeeze %dma_start3A_525 : memref<1x8x64xf32, #tpu.memory_space<hbm>> -> memref<8x64xf32, #tpu.memory_space<hbm>>
    %dma_start3A_527 = arith.constant 0 : i32
    %dma_start3A_528 = arith.constant 0 : i32
    %dma_start3A_529 = tpu.memref_slice %arg12[%dma_start3A_517, %dma_start3A_518, %dma_start3A_527, %dma_start3A_528] : memref<2x16x8x64xf32, #tpu.memory_space<vmem>> -> memref<1x1x8x64xf32, #tpu.memory_space<vmem>>
    %dma_start3A_530 = tpu.memref_squeeze %dma_start3A_529 : memref<1x1x8x64xf32, #tpu.memory_space<vmem>> -> memref<8x64xf32, #tpu.memory_space<vmem>>
    %dma_start3A_531 = arith.constant 0 : i32
    %dma_start3A_532 = arith.constant 0 : i32
    %dma_start3A_533 = tpu.memref_slice %arg5[%squeeze3A_516, %dma_start3A_531, %dma_start3A_532] : memref<12500x8x64xf32, #tpu.memory_space<hbm>> -> memref<1x8x64xf32, #tpu.memory_space<hbm>>
    %dma_start3A_534 = tpu.memref_squeeze %dma_start3A_533 : memref<1x8x64xf32, #tpu.memory_space<hbm>> -> memref<8x64xf32, #tpu.memory_space<hbm>>
    tpu.enqueue_dma source(%dma_start3A_534 : memref<8x64xf32, #tpu.memory_space<hbm>>) target(%dma_start3A_530 : memref<8x64xf32, #tpu.memory_space<vmem>>) target_semaphore(%arg17 : memref<!tpu.dma_semaphore, #tpu.memory_space<semaphore_mem>>)
    %slice3A_535 = vector.extract_strided_slice %shift_right_arithmetic3A_11 {offsets = [13], sizes = [1], strides = [1]} : vector<16xi32> to vector<1xi32>
    %squeeze3A_536 = vector.extract %slice3A_535[0] : i32 from vector<1xi32>
    %dma_start3A_537 = arith.constant 0 : i32
    %dma_start3A_538 = arith.constant 13 : i32
    %dma_start3A_539 = arith.constant 0 : i32
    %dma_start3A_540 = arith.constant 0 : i32
    %dma_start3A_541 = tpu.memref_slice %arg11[%dma_start3A_537, %dma_start3A_538, %dma_start3A_539, %dma_start3A_540] : memref<2x16x8x64xf32, #tpu.memory_space<vmem>> -> memref<1x1x8x64xf32, #tpu.memory_space<vmem>>
    %dma_start3A_542 = tpu.memref_squeeze %dma_start3A_541 : memref<1x1x8x64xf32, #tpu.memory_space<vmem>> -> memref<8x64xf32, #tpu.memory_space<vmem>>
    %dma_start3A_543 = arith.constant 0 : i32
    %dma_start3A_544 = arith.constant 0 : i32
    %dma_start3A_545 = tpu.memref_slice %arg4[%squeeze3A_536, %dma_start3A_543, %dma_start3A_544] : memref<125000x8x64xf32, #tpu.memory_space<hbm>> -> memref<1x8x64xf32, #tpu.memory_space<hbm>>
    %dma_start3A_546 = tpu.memref_squeeze %dma_start3A_545 : memref<1x8x64xf32, #tpu.memory_space<hbm>> -> memref<8x64xf32, #tpu.memory_space<hbm>>
    %dma_start3A_547 = arith.constant 0 : i32
    %dma_start3A_548 = arith.constant 0 : i32
    %dma_start3A_549 = tpu.memref_slice %arg11[%dma_start3A_537, %dma_start3A_538, %dma_start3A_547, %dma_start3A_548] : memref<2x16x8x64xf32, #tpu.memory_space<vmem>> -> memref<1x1x8x64xf32, #tpu.memory_space<vmem>>
    %dma_start3A_550 = tpu.memref_squeeze %dma_start3A_549 : memref<1x1x8x64xf32, #tpu.memory_space<vmem>> -> memref<8x64xf32, #tpu.memory_space<vmem>>
    %dma_start3A_551 = arith.constant 0 : i32
    %dma_start3A_552 = arith.constant 0 : i32
    %dma_start3A_553 = tpu.memref_slice %arg4[%squeeze3A_536, %dma_start3A_551, %dma_start3A_552] : memref<125000x8x64xf32, #tpu.memory_space<hbm>> -> memref<1x8x64xf32, #tpu.memory_space<hbm>>
    %dma_start3A_554 = tpu.memref_squeeze %dma_start3A_553 : memref<1x8x64xf32, #tpu.memory_space<hbm>> -> memref<8x64xf32, #tpu.memory_space<hbm>>
    tpu.enqueue_dma source(%dma_start3A_554 : memref<8x64xf32, #tpu.memory_space<hbm>>) target(%dma_start3A_550 : memref<8x64xf32, #tpu.memory_space<vmem>>) target_semaphore(%arg16 : memref<!tpu.dma_semaphore, #tpu.memory_space<semaphore_mem>>)
    %slice3A_555 = vector.extract_strided_slice %shift_right_arithmetic3A_16 {offsets = [13], sizes = [1], strides = [1]} : vector<16xi32> to vector<1xi32>
    %squeeze3A_556 = vector.extract %slice3A_555[0] : i32 from vector<1xi32>
    %dma_start3A_557 = arith.constant 0 : i32
    %dma_start3A_558 = arith.constant 13 : i32
    %dma_start3A_559 = arith.constant 0 : i32
    %dma_start3A_560 = arith.constant 0 : i32
    %dma_start3A_561 = tpu.memref_slice %arg12[%dma_start3A_557, %dma_start3A_558, %dma_start3A_559, %dma_start3A_560] : memref<2x16x8x64xf32, #tpu.memory_space<vmem>> -> memref<1x1x8x64xf32, #tpu.memory_space<vmem>>
    %dma_start3A_562 = tpu.memref_squeeze %dma_start3A_561 : memref<1x1x8x64xf32, #tpu.memory_space<vmem>> -> memref<8x64xf32, #tpu.memory_space<vmem>>
    %dma_start3A_563 = arith.constant 0 : i32
    %dma_start3A_564 = arith.constant 0 : i32
    %dma_start3A_565 = tpu.memref_slice %arg5[%squeeze3A_556, %dma_start3A_563, %dma_start3A_564] : memref<12500x8x64xf32, #tpu.memory_space<hbm>> -> memref<1x8x64xf32, #tpu.memory_space<hbm>>
    %dma_start3A_566 = tpu.memref_squeeze %dma_start3A_565 : memref<1x8x64xf32, #tpu.memory_space<hbm>> -> memref<8x64xf32, #tpu.memory_space<hbm>>
    %dma_start3A_567 = arith.constant 0 : i32
    %dma_start3A_568 = arith.constant 0 : i32
    %dma_start3A_569 = tpu.memref_slice %arg12[%dma_start3A_557, %dma_start3A_558, %dma_start3A_567, %dma_start3A_568] : memref<2x16x8x64xf32, #tpu.memory_space<vmem>> -> memref<1x1x8x64xf32, #tpu.memory_space<vmem>>
    %dma_start3A_570 = tpu.memref_squeeze %dma_start3A_569 : memref<1x1x8x64xf32, #tpu.memory_space<vmem>> -> memref<8x64xf32, #tpu.memory_space<vmem>>
    %dma_start3A_571 = arith.constant 0 : i32
    %dma_start3A_572 = arith.constant 0 : i32
    %dma_start3A_573 = tpu.memref_slice %arg5[%squeeze3A_556, %dma_start3A_571, %dma_start3A_572] : memref<12500x8x64xf32, #tpu.memory_space<hbm>> -> memref<1x8x64xf32, #tpu.memory_space<hbm>>
    %dma_start3A_574 = tpu.memref_squeeze %dma_start3A_573 : memref<1x8x64xf32, #tpu.memory_space<hbm>> -> memref<8x64xf32, #tpu.memory_space<hbm>>
    tpu.enqueue_dma source(%dma_start3A_574 : memref<8x64xf32, #tpu.memory_space<hbm>>) target(%dma_start3A_570 : memref<8x64xf32, #tpu.memory_space<vmem>>) target_semaphore(%arg17 : memref<!tpu.dma_semaphore, #tpu.memory_space<semaphore_mem>>)
    %slice3A_575 = vector.extract_strided_slice %shift_right_arithmetic3A_11 {offsets = [14], sizes = [1], strides = [1]} : vector<16xi32> to vector<1xi32>
    %squeeze3A_576 = vector.extract %slice3A_575[0] : i32 from vector<1xi32>
    %dma_start3A_577 = arith.constant 0 : i32
    %dma_start3A_578 = arith.constant 14 : i32
    %dma_start3A_579 = arith.constant 0 : i32
    %dma_start3A_580 = arith.constant 0 : i32
    %dma_start3A_581 = tpu.memref_slice %arg11[%dma_start3A_577, %dma_start3A_578, %dma_start3A_579, %dma_start3A_580] : memref<2x16x8x64xf32, #tpu.memory_space<vmem>> -> memref<1x1x8x64xf32, #tpu.memory_space<vmem>>
    %dma_start3A_582 = tpu.memref_squeeze %dma_start3A_581 : memref<1x1x8x64xf32, #tpu.memory_space<vmem>> -> memref<8x64xf32, #tpu.memory_space<vmem>>
    %dma_start3A_583 = arith.constant 0 : i32
    %dma_start3A_584 = arith.constant 0 : i32
    %dma_start3A_585 = tpu.memref_slice %arg4[%squeeze3A_576, %dma_start3A_583, %dma_start3A_584] : memref<125000x8x64xf32, #tpu.memory_space<hbm>> -> memref<1x8x64xf32, #tpu.memory_space<hbm>>
    %dma_start3A_586 = tpu.memref_squeeze %dma_start3A_585 : memref<1x8x64xf32, #tpu.memory_space<hbm>> -> memref<8x64xf32, #tpu.memory_space<hbm>>
    %dma_start3A_587 = arith.constant 0 : i32
    %dma_start3A_588 = arith.constant 0 : i32
    %dma_start3A_589 = tpu.memref_slice %arg11[%dma_start3A_577, %dma_start3A_578, %dma_start3A_587, %dma_start3A_588] : memref<2x16x8x64xf32, #tpu.memory_space<vmem>> -> memref<1x1x8x64xf32, #tpu.memory_space<vmem>>
    %dma_start3A_590 = tpu.memref_squeeze %dma_start3A_589 : memref<1x1x8x64xf32, #tpu.memory_space<vmem>> -> memref<8x64xf32, #tpu.memory_space<vmem>>
    %dma_start3A_591 = arith.constant 0 : i32
    %dma_start3A_592 = arith.constant 0 : i32
    %dma_start3A_593 = tpu.memref_slice %arg4[%squeeze3A_576, %dma_start3A_591, %dma_start3A_592] : memref<125000x8x64xf32, #tpu.memory_space<hbm>> -> memref<1x8x64xf32, #tpu.memory_space<hbm>>
    %dma_start3A_594 = tpu.memref_squeeze %dma_start3A_593 : memref<1x8x64xf32, #tpu.memory_space<hbm>> -> memref<8x64xf32, #tpu.memory_space<hbm>>
    tpu.enqueue_dma source(%dma_start3A_594 : memref<8x64xf32, #tpu.memory_space<hbm>>) target(%dma_start3A_590 : memref<8x64xf32, #tpu.memory_space<vmem>>) target_semaphore(%arg16 : memref<!tpu.dma_semaphore, #tpu.memory_space<semaphore_mem>>)
    %slice3A_595 = vector.extract_strided_slice %shift_right_arithmetic3A_16 {offsets = [14], sizes = [1], strides = [1]} : vector<16xi32> to vector<1xi32>
    %squeeze3A_596 = vector.extract %slice3A_595[0] : i32 from vector<1xi32>
    %dma_start3A_597 = arith.constant 0 : i32
    %dma_start3A_598 = arith.constant 14 : i32
    %dma_start3A_599 = arith.constant 0 : i32
    %dma_start3A_600 = arith.constant 0 : i32
    %dma_start3A_601 = tpu.memref_slice %arg12[%dma_start3A_597, %dma_start3A_598, %dma_start3A_599, %dma_start3A_600] : memref<2x16x8x64xf32, #tpu.memory_space<vmem>> -> memref<1x1x8x64xf32, #tpu.memory_space<vmem>>
    %dma_start3A_602 = tpu.memref_squeeze %dma_start3A_601 : memref<1x1x8x64xf32, #tpu.memory_space<vmem>> -> memref<8x64xf32, #tpu.memory_space<vmem>>
    %dma_start3A_603 = arith.constant 0 : i32
    %dma_start3A_604 = arith.constant 0 : i32
    %dma_start3A_605 = tpu.memref_slice %arg5[%squeeze3A_596, %dma_start3A_603, %dma_start3A_604] : memref<12500x8x64xf32, #tpu.memory_space<hbm>> -> memref<1x8x64xf32, #tpu.memory_space<hbm>>
    %dma_start3A_606 = tpu.memref_squeeze %dma_start3A_605 : memref<1x8x64xf32, #tpu.memory_space<hbm>> -> memref<8x64xf32, #tpu.memory_space<hbm>>
    %dma_start3A_607 = arith.constant 0 : i32
    %dma_start3A_608 = arith.constant 0 : i32
    %dma_start3A_609 = tpu.memref_slice %arg12[%dma_start3A_597, %dma_start3A_598, %dma_start3A_607, %dma_start3A_608] : memref<2x16x8x64xf32, #tpu.memory_space<vmem>> -> memref<1x1x8x64xf32, #tpu.memory_space<vmem>>
    %dma_start3A_610 = tpu.memref_squeeze %dma_start3A_609 : memref<1x1x8x64xf32, #tpu.memory_space<vmem>> -> memref<8x64xf32, #tpu.memory_space<vmem>>
    %dma_start3A_611 = arith.constant 0 : i32
    %dma_start3A_612 = arith.constant 0 : i32
    %dma_start3A_613 = tpu.memref_slice %arg5[%squeeze3A_596, %dma_start3A_611, %dma_start3A_612] : memref<12500x8x64xf32, #tpu.memory_space<hbm>> -> memref<1x8x64xf32, #tpu.memory_space<hbm>>
    %dma_start3A_614 = tpu.memref_squeeze %dma_start3A_613 : memref<1x8x64xf32, #tpu.memory_space<hbm>> -> memref<8x64xf32, #tpu.memory_space<hbm>>
    tpu.enqueue_dma source(%dma_start3A_614 : memref<8x64xf32, #tpu.memory_space<hbm>>) target(%dma_start3A_610 : memref<8x64xf32, #tpu.memory_space<vmem>>) target_semaphore(%arg17 : memref<!tpu.dma_semaphore, #tpu.memory_space<semaphore_mem>>)
    %slice3A_615 = vector.extract_strided_slice %shift_right_arithmetic3A_11 {offsets = [15], sizes = [1], strides = [1]} : vector<16xi32> to vector<1xi32>
    %squeeze3A_616 = vector.extract %slice3A_615[0] : i32 from vector<1xi32>
    %dma_start3A_617 = arith.constant 0 : i32
    %dma_start3A_618 = arith.constant 15 : i32
    %dma_start3A_619 = arith.constant 0 : i32
    %dma_start3A_620 = arith.constant 0 : i32
    %dma_start3A_621 = tpu.memref_slice %arg11[%dma_start3A_617, %dma_start3A_618, %dma_start3A_619, %dma_start3A_620] : memref<2x16x8x64xf32, #tpu.memory_space<vmem>> -> memref<1x1x8x64xf32, #tpu.memory_space<vmem>>
    %dma_start3A_622 = tpu.memref_squeeze %dma_start3A_621 : memref<1x1x8x64xf32, #tpu.memory_space<vmem>> -> memref<8x64xf32, #tpu.memory_space<vmem>>
    %dma_start3A_623 = arith.constant 0 : i32
    %dma_start3A_624 = arith.constant 0 : i32
    %dma_start3A_625 = tpu.memref_slice %arg4[%squeeze3A_616, %dma_start3A_623, %dma_start3A_624] : memref<125000x8x64xf32, #tpu.memory_space<hbm>> -> memref<1x8x64xf32, #tpu.memory_space<hbm>>
    %dma_start3A_626 = tpu.memref_squeeze %dma_start3A_625 : memref<1x8x64xf32, #tpu.memory_space<hbm>> -> memref<8x64xf32, #tpu.memory_space<hbm>>
    %dma_start3A_627 = arith.constant 0 : i32
    %dma_start3A_628 = arith.constant 0 : i32
    %dma_start3A_629 = tpu.memref_slice %arg11[%dma_start3A_617, %dma_start3A_618, %dma_start3A_627, %dma_start3A_628] : memref<2x16x8x64xf32, #tpu.memory_space<vmem>> -> memref<1x1x8x64xf32, #tpu.memory_space<vmem>>
    %dma_start3A_630 = tpu.memref_squeeze %dma_start3A_629 : memref<1x1x8x64xf32, #tpu.memory_space<vmem>> -> memref<8x64xf32, #tpu.memory_space<vmem>>
    %dma_start3A_631 = arith.constant 0 : i32
    %dma_start3A_632 = arith.constant 0 : i32
    %dma_start3A_633 = tpu.memref_slice %arg4[%squeeze3A_616, %dma_start3A_631, %dma_start3A_632] : memref<125000x8x64xf32, #tpu.memory_space<hbm>> -> memref<1x8x64xf32, #tpu.memory_space<hbm>>
    %dma_start3A_634 = tpu.memref_squeeze %dma_start3A_633 : memref<1x8x64xf32, #tpu.memory_space<hbm>> -> memref<8x64xf32, #tpu.memory_space<hbm>>
    tpu.enqueue_dma source(%dma_start3A_634 : memref<8x64xf32, #tpu.memory_space<hbm>>) target(%dma_start3A_630 : memref<8x64xf32, #tpu.memory_space<vmem>>) target_semaphore(%arg16 : memref<!tpu.dma_semaphore, #tpu.memory_space<semaphore_mem>>)
    %slice3A_635 = vector.extract_strided_slice %shift_right_arithmetic3A_16 {offsets = [15], sizes = [1], strides = [1]} : vector<16xi32> to vector<1xi32>
    %squeeze3A_636 = vector.extract %slice3A_635[0] : i32 from vector<1xi32>
    %dma_start3A_637 = arith.constant 0 : i32
    %dma_start3A_638 = arith.constant 15 : i32
    %dma_start3A_639 = arith.constant 0 : i32
    %dma_start3A_640 = arith.constant 0 : i32
    %dma_start3A_641 = tpu.memref_slice %arg12[%dma_start3A_637, %dma_start3A_638, %dma_start3A_639, %dma_start3A_640] : memref<2x16x8x64xf32, #tpu.memory_space<vmem>> -> memref<1x1x8x64xf32, #tpu.memory_space<vmem>>
    %dma_start3A_642 = tpu.memref_squeeze %dma_start3A_641 : memref<1x1x8x64xf32, #tpu.memory_space<vmem>> -> memref<8x64xf32, #tpu.memory_space<vmem>>
    %dma_start3A_643 = arith.constant 0 : i32
    %dma_start3A_644 = arith.constant 0 : i32
    %dma_start3A_645 = tpu.memref_slice %arg5[%squeeze3A_636, %dma_start3A_643, %dma_start3A_644] : memref<12500x8x64xf32, #tpu.memory_space<hbm>> -> memref<1x8x64xf32, #tpu.memory_space<hbm>>
    %dma_start3A_646 = tpu.memref_squeeze %dma_start3A_645 : memref<1x8x64xf32, #tpu.memory_space<hbm>> -> memref<8x64xf32, #tpu.memory_space<hbm>>
    %dma_start3A_647 = arith.constant 0 : i32
    %dma_start3A_648 = arith.constant 0 : i32
    %dma_start3A_649 = tpu.memref_slice %arg12[%dma_start3A_637, %dma_start3A_638, %dma_start3A_647, %dma_start3A_648] : memref<2x16x8x64xf32, #tpu.memory_space<vmem>> -> memref<1x1x8x64xf32, #tpu.memory_space<vmem>>
    %dma_start3A_650 = tpu.memref_squeeze %dma_start3A_649 : memref<1x1x8x64xf32, #tpu.memory_space<vmem>> -> memref<8x64xf32, #tpu.memory_space<vmem>>
    %dma_start3A_651 = arith.constant 0 : i32
    %dma_start3A_652 = arith.constant 0 : i32
    %dma_start3A_653 = tpu.memref_slice %arg5[%squeeze3A_636, %dma_start3A_651, %dma_start3A_652] : memref<12500x8x64xf32, #tpu.memory_space<hbm>> -> memref<1x8x64xf32, #tpu.memory_space<hbm>>
    %dma_start3A_654 = tpu.memref_squeeze %dma_start3A_653 : memref<1x8x64xf32, #tpu.memory_space<hbm>> -> memref<8x64xf32, #tpu.memory_space<hbm>>
    tpu.enqueue_dma source(%dma_start3A_654 : memref<8x64xf32, #tpu.memory_space<hbm>>) target(%dma_start3A_650 : memref<8x64xf32, #tpu.memory_space<vmem>>) target_semaphore(%arg17 : memref<!tpu.dma_semaphore, #tpu.memory_space<semaphore_mem>>)
    %scan3A = arith.constant 0 : i32
    %scan3A_655 = arith.constant 0 : i32
    %scan3A_656 = arith.constant 32 : i32
    %scan3A_657 = arith.addi %scan3A_655, %scan3A_656 : i32
    %scan3A_658 = arith.constant 1 : i32
    scf.for %scan3A_660 = %scan3A_655 to %scan3A_657 step %scan3A_658  : i32 {
      %and3A = arith.constant 1 : i32
      %and3A_661 = arith.andi %scan3A_660, %and3A : i32
      %lt3A = arith.constant 31 : i32
      %lt3A_662 = arith.cmpi slt, %scan3A_660, %lt3A : i32
      %convert_element_type3A = arith.extui %lt3A_662 : i1 to i32
      %cond3A = arith.constant 0 : i32
      %cond3A_663 = arith.cmpi ne, %convert_element_type3A, %cond3A : i32
      scf.if %cond3A_663 {
        %add3A_1817 = arith.constant 1 : i32
        %add3A_1818 = arith.addi %scan3A_660, %add3A_1817 : i32
        %sub3A_1819 = arith.constant 1 : i32
        %sub3A_1820 = arith.subi %sub3A_1819, %and3A_661 : i32
        %mul3A_1821 = arith.constant 16 : i32
        %mul3A_1822 = arith.muli %add3A_1818, %mul3A_1821 : i32
        %get3A_1823 = arith.index_cast %mul3A_1822 : i32 to index
        %get3A_1824 = tpu.vector_load %arg9[%get3A_1823] {strides = array<i32>} : memref<512xi32, #tpu.memory_space<vmem>>, vector<16xi32>,
        %shift_right_arithmetic3A_1825 = arith.constant 3 : i32
        %shift_right_arithmetic3A_1826 = vector.broadcast %shift_right_arithmetic3A_1825 : i32 to vector<16xi32>
        %shift_right_arithmetic3A_1827 = arith.shrsi %get3A_1824, %shift_right_arithmetic3A_1826 : vector<16xi32>
        %get3A_1828 = arith.index_cast %mul3A_1822 : i32 to index
        %get3A_1829 = tpu.vector_load %arg10[%get3A_1828] {strides = array<i32>} : memref<512xi32, #tpu.memory_space<vmem>>, vector<16xi32>,
        %shift_right_arithmetic3A_1830 = arith.constant 3 : i32
        %shift_right_arithmetic3A_1831 = vector.broadcast %shift_right_arithmetic3A_1830 : i32 to vector<16xi32>
        %shift_right_arithmetic3A_1832 = arith.shrsi %get3A_1829, %shift_right_arithmetic3A_1831 : vector<16xi32>
        %slice3A_1833 = vector.extract_strided_slice %shift_right_arithmetic3A_1827 {offsets = [0], sizes = [1], strides = [1]} : vector<16xi32> to vector<1xi32>
        %squeeze3A_1834 = vector.extract %slice3A_1833[0] : i32 from vector<1xi32>
        %dma_start3A_1835 = arith.constant 0 : i32
        %dma_start3A_1836 = arith.constant 0 : i32
        %dma_start3A_1837 = arith.constant 0 : i32
        %dma_start3A_1838 = tpu.memref_slice %arg11[%sub3A_1820, %dma_start3A_1835, %dma_start3A_1836, %dma_start3A_1837] : memref<2x16x8x64xf32, #tpu.memory_space<vmem>> -> memref<1x1x8x64xf32, #tpu.memory_space<vmem>>
        %dma_start3A_1839 = tpu.memref_squeeze %dma_start3A_1838 : memref<1x1x8x64xf32, #tpu.memory_space<vmem>> -> memref<8x64xf32, #tpu.memory_space<vmem>>
        %dma_start3A_1840 = arith.constant 0 : i32
        %dma_start3A_1841 = arith.constant 0 : i32
        %dma_start3A_1842 = tpu.memref_slice %arg4[%squeeze3A_1834, %dma_start3A_1840, %dma_start3A_1841] : memref<125000x8x64xf32, #tpu.memory_space<hbm>> -> memref<1x8x64xf32, #tpu.memory_space<hbm>>
        %dma_start3A_1843 = tpu.memref_squeeze %dma_start3A_1842 : memref<1x8x64xf32, #tpu.memory_space<hbm>> -> memref<8x64xf32, #tpu.memory_space<hbm>>
        %dma_start3A_1844 = arith.constant 0 : i32
        %dma_start3A_1845 = arith.constant 0 : i32
        %dma_start3A_1846 = tpu.memref_slice %arg11[%sub3A_1820, %dma_start3A_1835, %dma_start3A_1844, %dma_start3A_1845] : memref<2x16x8x64xf32, #tpu.memory_space<vmem>> -> memref<1x1x8x64xf32, #tpu.memory_space<vmem>>
        %dma_start3A_1847 = tpu.memref_squeeze %dma_start3A_1846 : memref<1x1x8x64xf32, #tpu.memory_space<vmem>> -> memref<8x64xf32, #tpu.memory_space<vmem>>
        %dma_start3A_1848 = arith.constant 0 : i32
        %dma_start3A_1849 = arith.constant 0 : i32
        %dma_start3A_1850 = tpu.memref_slice %arg4[%squeeze3A_1834, %dma_start3A_1848, %dma_start3A_1849] : memref<125000x8x64xf32, #tpu.memory_space<hbm>> -> memref<1x8x64xf32, #tpu.memory_space<hbm>>
        %dma_start3A_1851 = tpu.memref_squeeze %dma_start3A_1850 : memref<1x8x64xf32, #tpu.memory_space<hbm>> -> memref<8x64xf32, #tpu.memory_space<hbm>>
        tpu.enqueue_dma source(%dma_start3A_1851 : memref<8x64xf32, #tpu.memory_space<hbm>>) target(%dma_start3A_1847 : memref<8x64xf32, #tpu.memory_space<vmem>>) target_semaphore(%arg16 : memref<!tpu.dma_semaphore, #tpu.memory_space<semaphore_mem>>)
        %slice3A_1852 = vector.extract_strided_slice %shift_right_arithmetic3A_1832 {offsets = [0], sizes = [1], strides = [1]} : vector<16xi32> to vector<1xi32>
        %squeeze3A_1853 = vector.extract %slice3A_1852[0] : i32 from vector<1xi32>
        %dma_start3A_1854 = arith.constant 0 : i32
        %dma_start3A_1855 = arith.constant 0 : i32
        %dma_start3A_1856 = arith.constant 0 : i32
        %dma_start3A_1857 = tpu.memref_slice %arg12[%sub3A_1820, %dma_start3A_1854, %dma_start3A_1855, %dma_start3A_1856] : memref<2x16x8x64xf32, #tpu.memory_space<vmem>> -> memref<1x1x8x64xf32, #tpu.memory_space<vmem>>
        %dma_start3A_1858 = tpu.memref_squeeze %dma_start3A_1857 : memref<1x1x8x64xf32, #tpu.memory_space<vmem>> -> memref<8x64xf32, #tpu.memory_space<vmem>>
        %dma_start3A_1859 = arith.constant 0 : i32
        %dma_start3A_1860 = arith.constant 0 : i32
        %dma_start3A_1861 = tpu.memref_slice %arg5[%squeeze3A_1853, %dma_start3A_1859, %dma_start3A_1860] : memref<12500x8x64xf32, #tpu.memory_space<hbm>> -> memref<1x8x64xf32, #tpu.memory_space<hbm>>
        %dma_start3A_1862 = tpu.memref_squeeze %dma_start3A_1861 : memref<1x8x64xf32, #tpu.memory_space<hbm>> -> memref<8x64xf32, #tpu.memory_space<hbm>>
        %dma_start3A_1863 = arith.constant 0 : i32
        %dma_start3A_1864 = arith.constant 0 : i32
        %dma_start3A_1865 = tpu.memref_slice %arg12[%sub3A_1820, %dma_start3A_1854, %dma_start3A_1863, %dma_start3A_1864] : memref<2x16x8x64xf32, #tpu.memory_space<vmem>> -> memref<1x1x8x64xf32, #tpu.memory_space<vmem>>
        %dma_start3A_1866 = tpu.memref_squeeze %dma_start3A_1865 : memref<1x1x8x64xf32, #tpu.memory_space<vmem>> -> memref<8x64xf32, #tpu.memory_space<vmem>>
        %dma_start3A_1867 = arith.constant 0 : i32
        %dma_start3A_1868 = arith.constant 0 : i32
        %dma_start3A_1869 = tpu.memref_slice %arg5[%squeeze3A_1853, %dma_start3A_1867, %dma_start3A_1868] : memref<12500x8x64xf32, #tpu.memory_space<hbm>> -> memref<1x8x64xf32, #tpu.memory_space<hbm>>
        %dma_start3A_1870 = tpu.memref_squeeze %dma_start3A_1869 : memref<1x8x64xf32, #tpu.memory_space<hbm>> -> memref<8x64xf32, #tpu.memory_space<hbm>>
        tpu.enqueue_dma source(%dma_start3A_1870 : memref<8x64xf32, #tpu.memory_space<hbm>>) target(%dma_start3A_1866 : memref<8x64xf32, #tpu.memory_space<vmem>>) target_semaphore(%arg17 : memref<!tpu.dma_semaphore, #tpu.memory_space<semaphore_mem>>)
        %slice3A_1871 = vector.extract_strided_slice %shift_right_arithmetic3A_1827 {offsets = [1], sizes = [1], strides = [1]} : vector<16xi32> to vector<1xi32>
        %squeeze3A_1872 = vector.extract %slice3A_1871[0] : i32 from vector<1xi32>
        %dma_start3A_1873 = arith.constant 1 : i32
        %dma_start3A_1874 = arith.constant 0 : i32
        %dma_start3A_1875 = arith.constant 0 : i32
        %dma_start3A_1876 = tpu.memref_slice %arg11[%sub3A_1820, %dma_start3A_1873, %dma_start3A_1874, %dma_start3A_1875] : memref<2x16x8x64xf32, #tpu.memory_space<vmem>> -> memref<1x1x8x64xf32, #tpu.memory_space<vmem>>
        %dma_start3A_1877 = tpu.memref_squeeze %dma_start3A_1876 : memref<1x1x8x64xf32, #tpu.memory_space<vmem>> -> memref<8x64xf32, #tpu.memory_space<vmem>>
        %dma_start3A_1878 = arith.constant 0 : i32
        %dma_start3A_1879 = arith.constant 0 : i32
        %dma_start3A_1880 = tpu.memref_slice %arg4[%squeeze3A_1872, %dma_start3A_1878, %dma_start3A_1879] : memref<125000x8x64xf32, #tpu.memory_space<hbm>> -> memref<1x8x64xf32, #tpu.memory_space<hbm>>
        %dma_start3A_1881 = tpu.memref_squeeze %dma_start3A_1880 : memref<1x8x64xf32, #tpu.memory_space<hbm>> -> memref<8x64xf32, #tpu.memory_space<hbm>>
        %dma_start3A_1882 = arith.constant 0 : i32
        %dma_start3A_1883 = arith.constant 0 : i32
        %dma_start3A_1884 = tpu.memref_slice %arg11[%sub3A_1820, %dma_start3A_1873, %dma_start3A_1882, %dma_start3A_1883] : memref<2x16x8x64xf32, #tpu.memory_space<vmem>> -> memref<1x1x8x64xf32, #tpu.memory_space<vmem>>
        %dma_start3A_1885 = tpu.memref_squeeze %dma_start3A_1884 : memref<1x1x8x64xf32, #tpu.memory_space<vmem>> -> memref<8x64xf32, #tpu.memory_space<vmem>>
        %dma_start3A_1886 = arith.constant 0 : i32
        %dma_start3A_1887 = arith.constant 0 : i32
        %dma_start3A_1888 = tpu.memref_slice %arg4[%squeeze3A_1872, %dma_start3A_1886, %dma_start3A_1887] : memref<125000x8x64xf32, #tpu.memory_space<hbm>> -> memref<1x8x64xf32, #tpu.memory_space<hbm>>
        %dma_start3A_1889 = tpu.memref_squeeze %dma_start3A_1888 : memref<1x8x64xf32, #tpu.memory_space<hbm>> -> memref<8x64xf32, #tpu.memory_space<hbm>>
        tpu.enqueue_dma source(%dma_start3A_1889 : memref<8x64xf32, #tpu.memory_space<hbm>>) target(%dma_start3A_1885 : memref<8x64xf32, #tpu.memory_space<vmem>>) target_semaphore(%arg16 : memref<!tpu.dma_semaphore, #tpu.memory_space<semaphore_mem>>)
        %slice3A_1890 = vector.extract_strided_slice %shift_right_arithmetic3A_1832 {offsets = [1], sizes = [1], strides = [1]} : vector<16xi32> to vector<1xi32>
        %squeeze3A_1891 = vector.extract %slice3A_1890[0] : i32 from vector<1xi32>
        %dma_start3A_1892 = arith.constant 1 : i32
        %dma_start3A_1893 = arith.constant 0 : i32
        %dma_start3A_1894 = arith.constant 0 : i32
        %dma_start3A_1895 = tpu.memref_slice %arg12[%sub3A_1820, %dma_start3A_1892, %dma_start3A_1893, %dma_start3A_1894] : memref<2x16x8x64xf32, #tpu.memory_space<vmem>> -> memref<1x1x8x64xf32, #tpu.memory_space<vmem>>
        %dma_start3A_1896 = tpu.memref_squeeze %dma_start3A_1895 : memref<1x1x8x64xf32, #tpu.memory_space<vmem>> -> memref<8x64xf32, #tpu.memory_space<vmem>>
        %dma_start3A_1897 = arith.constant 0 : i32
        %dma_start3A_1898 = arith.constant 0 : i32
        %dma_start3A_1899 = tpu.memref_slice %arg5[%squeeze3A_1891, %dma_start3A_1897, %dma_start3A_1898] : memref<12500x8x64xf32, #tpu.memory_space<hbm>> -> memref<1x8x64xf32, #tpu.memory_space<hbm>>
        %dma_start3A_1900 = tpu.memref_squeeze %dma_start3A_1899 : memref<1x8x64xf32, #tpu.memory_space<hbm>> -> memref<8x64xf32, #tpu.memory_space<hbm>>
        %dma_start3A_1901 = arith.constant 0 : i32
        %dma_start3A_1902 = arith.constant 0 : i32
        %dma_start3A_1903 = tpu.memref_slice %arg12[%sub3A_1820, %dma_start3A_1892, %dma_start3A_1901, %dma_start3A_1902] : memref<2x16x8x64xf32, #tpu.memory_space<vmem>> -> memref<1x1x8x64xf32, #tpu.memory_space<vmem>>
        %dma_start3A_1904 = tpu.memref_squeeze %dma_start3A_1903 : memref<1x1x8x64xf32, #tpu.memory_space<vmem>> -> memref<8x64xf32, #tpu.memory_space<vmem>>
        %dma_start3A_1905 = arith.constant 0 : i32
        %dma_start3A_1906 = arith.constant 0 : i32
        %dma_start3A_1907 = tpu.memref_slice %arg5[%squeeze3A_1891, %dma_start3A_1905, %dma_start3A_1906] : memref<12500x8x64xf32, #tpu.memory_space<hbm>> -> memref<1x8x64xf32, #tpu.memory_space<hbm>>
        %dma_start3A_1908 = tpu.memref_squeeze %dma_start3A_1907 : memref<1x8x64xf32, #tpu.memory_space<hbm>> -> memref<8x64xf32, #tpu.memory_space<hbm>>
        tpu.enqueue_dma source(%dma_start3A_1908 : memref<8x64xf32, #tpu.memory_space<hbm>>) target(%dma_start3A_1904 : memref<8x64xf32, #tpu.memory_space<vmem>>) target_semaphore(%arg17 : memref<!tpu.dma_semaphore, #tpu.memory_space<semaphore_mem>>)
        %slice3A_1909 = vector.extract_strided_slice %shift_right_arithmetic3A_1827 {offsets = [2], sizes = [1], strides = [1]} : vector<16xi32> to vector<1xi32>
        %squeeze3A_1910 = vector.extract %slice3A_1909[0] : i32 from vector<1xi32>
        %dma_start3A_1911 = arith.constant 2 : i32
        %dma_start3A_1912 = arith.constant 0 : i32
        %dma_start3A_1913 = arith.constant 0 : i32
        %dma_start3A_1914 = tpu.memref_slice %arg11[%sub3A_1820, %dma_start3A_1911, %dma_start3A_1912, %dma_start3A_1913] : memref<2x16x8x64xf32, #tpu.memory_space<vmem>> -> memref<1x1x8x64xf32, #tpu.memory_space<vmem>>
        %dma_start3A_1915 = tpu.memref_squeeze %dma_start3A_1914 : memref<1x1x8x64xf32, #tpu.memory_space<vmem>> -> memref<8x64xf32, #tpu.memory_space<vmem>>
        %dma_start3A_1916 = arith.constant 0 : i32
        %dma_start3A_1917 = arith.constant 0 : i32
        %dma_start3A_1918 = tpu.memref_slice %arg4[%squeeze3A_1910, %dma_start3A_1916, %dma_start3A_1917] : memref<125000x8x64xf32, #tpu.memory_space<hbm>> -> memref<1x8x64xf32, #tpu.memory_space<hbm>>
        %dma_start3A_1919 = tpu.memref_squeeze %dma_start3A_1918 : memref<1x8x64xf32, #tpu.memory_space<hbm>> -> memref<8x64xf32, #tpu.memory_space<hbm>>
        %dma_start3A_1920 = arith.constant 0 : i32
        %dma_start3A_1921 = arith.constant 0 : i32
        %dma_start3A_1922 = tpu.memref_slice %arg11[%sub3A_1820, %dma_start3A_1911, %dma_start3A_1920, %dma_start3A_1921] : memref<2x16x8x64xf32, #tpu.memory_space<vmem>> -> memref<1x1x8x64xf32, #tpu.memory_space<vmem>>
        %dma_start3A_1923 = tpu.memref_squeeze %dma_start3A_1922 : memref<1x1x8x64xf32, #tpu.memory_space<vmem>> -> memref<8x64xf32, #tpu.memory_space<vmem>>
        %dma_start3A_1924 = arith.constant 0 : i32
        %dma_start3A_1925 = arith.constant 0 : i32
        %dma_start3A_1926 = tpu.memref_slice %arg4[%squeeze3A_1910, %dma_start3A_1924, %dma_start3A_1925] : memref<125000x8x64xf32, #tpu.memory_space<hbm>> -> memref<1x8x64xf32, #tpu.memory_space<hbm>>
        %dma_start3A_1927 = tpu.memref_squeeze %dma_start3A_1926 : memref<1x8x64xf32, #tpu.memory_space<hbm>> -> memref<8x64xf32, #tpu.memory_space<hbm>>
        tpu.enqueue_dma source(%dma_start3A_1927 : memref<8x64xf32, #tpu.memory_space<hbm>>) target(%dma_start3A_1923 : memref<8x64xf32, #tpu.memory_space<vmem>>) target_semaphore(%arg16 : memref<!tpu.dma_semaphore, #tpu.memory_space<semaphore_mem>>)
        %slice3A_1928 = vector.extract_strided_slice %shift_right_arithmetic3A_1832 {offsets = [2], sizes = [1], strides = [1]} : vector<16xi32> to vector<1xi32>
        %squeeze3A_1929 = vector.extract %slice3A_1928[0] : i32 from vector<1xi32>
        %dma_start3A_1930 = arith.constant 2 : i32
        %dma_start3A_1931 = arith.constant 0 : i32
        %dma_start3A_1932 = arith.constant 0 : i32
        %dma_start3A_1933 = tpu.memref_slice %arg12[%sub3A_1820, %dma_start3A_1930, %dma_start3A_1931, %dma_start3A_1932] : memref<2x16x8x64xf32, #tpu.memory_space<vmem>> -> memref<1x1x8x64xf32, #tpu.memory_space<vmem>>
        %dma_start3A_1934 = tpu.memref_squeeze %dma_start3A_1933 : memref<1x1x8x64xf32, #tpu.memory_space<vmem>> -> memref<8x64xf32, #tpu.memory_space<vmem>>
        %dma_start3A_1935 = arith.constant 0 : i32
        %dma_start3A_1936 = arith.constant 0 : i32
        %dma_start3A_1937 = tpu.memref_slice %arg5[%squeeze3A_1929, %dma_start3A_1935, %dma_start3A_1936] : memref<12500x8x64xf32, #tpu.memory_space<hbm>> -> memref<1x8x64xf32, #tpu.memory_space<hbm>>
        %dma_start3A_1938 = tpu.memref_squeeze %dma_start3A_1937 : memref<1x8x64xf32, #tpu.memory_space<hbm>> -> memref<8x64xf32, #tpu.memory_space<hbm>>
        %dma_start3A_1939 = arith.constant 0 : i32
        %dma_start3A_1940 = arith.constant 0 : i32
        %dma_start3A_1941 = tpu.memref_slice %arg12[%sub3A_1820, %dma_start3A_1930, %dma_start3A_1939, %dma_start3A_1940] : memref<2x16x8x64xf32, #tpu.memory_space<vmem>> -> memref<1x1x8x64xf32, #tpu.memory_space<vmem>>
        %dma_start3A_1942 = tpu.memref_squeeze %dma_start3A_1941 : memref<1x1x8x64xf32, #tpu.memory_space<vmem>> -> memref<8x64xf32, #tpu.memory_space<vmem>>
        %dma_start3A_1943 = arith.constant 0 : i32
        %dma_start3A_1944 = arith.constant 0 : i32
        %dma_start3A_1945 = tpu.memref_slice %arg5[%squeeze3A_1929, %dma_start3A_1943, %dma_start3A_1944] : memref<12500x8x64xf32, #tpu.memory_space<hbm>> -> memref<1x8x64xf32, #tpu.memory_space<hbm>>
        %dma_start3A_1946 = tpu.memref_squeeze %dma_start3A_1945 : memref<1x8x64xf32, #tpu.memory_space<hbm>> -> memref<8x64xf32, #tpu.memory_space<hbm>>
        tpu.enqueue_dma source(%dma_start3A_1946 : memref<8x64xf32, #tpu.memory_space<hbm>>) target(%dma_start3A_1942 : memref<8x64xf32, #tpu.memory_space<vmem>>) target_semaphore(%arg17 : memref<!tpu.dma_semaphore, #tpu.memory_space<semaphore_mem>>)
        %slice3A_1947 = vector.extract_strided_slice %shift_right_arithmetic3A_1827 {offsets = [3], sizes = [1], strides = [1]} : vector<16xi32> to vector<1xi32>
        %squeeze3A_1948 = vector.extract %slice3A_1947[0] : i32 from vector<1xi32>
        %dma_start3A_1949 = arith.constant 3 : i32
        %dma_start3A_1950 = arith.constant 0 : i32
        %dma_start3A_1951 = arith.constant 0 : i32
        %dma_start3A_1952 = tpu.memref_slice %arg11[%sub3A_1820, %dma_start3A_1949, %dma_start3A_1950, %dma_start3A_1951] : memref<2x16x8x64xf32, #tpu.memory_space<vmem>> -> memref<1x1x8x64xf32, #tpu.memory_space<vmem>>
        %dma_start3A_1953 = tpu.memref_squeeze %dma_start3A_1952 : memref<1x1x8x64xf32, #tpu.memory_space<vmem>> -> memref<8x64xf32, #tpu.memory_space<vmem>>
        %dma_start3A_1954 = arith.constant 0 : i32
        %dma_start3A_1955 = arith.constant 0 : i32
        %dma_start3A_1956 = tpu.memref_slice %arg4[%squeeze3A_1948, %dma_start3A_1954, %dma_start3A_1955] : memref<125000x8x64xf32, #tpu.memory_space<hbm>> -> memref<1x8x64xf32, #tpu.memory_space<hbm>>
        %dma_start3A_1957 = tpu.memref_squeeze %dma_start3A_1956 : memref<1x8x64xf32, #tpu.memory_space<hbm>> -> memref<8x64xf32, #tpu.memory_space<hbm>>
        %dma_start3A_1958 = arith.constant 0 : i32
        %dma_start3A_1959 = arith.constant 0 : i32
        %dma_start3A_1960 = tpu.memref_slice %arg11[%sub3A_1820, %dma_start3A_1949, %dma_start3A_1958, %dma_start3A_1959] : memref<2x16x8x64xf32, #tpu.memory_space<vmem>> -> memref<1x1x8x64xf32, #tpu.memory_space<vmem>>
        %dma_start3A_1961 = tpu.memref_squeeze %dma_start3A_1960 : memref<1x1x8x64xf32, #tpu.memory_space<vmem>> -> memref<8x64xf32, #tpu.memory_space<vmem>>
        %dma_start3A_1962 = arith.constant 0 : i32
        %dma_start3A_1963 = arith.constant 0 : i32
        %dma_start3A_1964 = tpu.memref_slice %arg4[%squeeze3A_1948, %dma_start3A_1962, %dma_start3A_1963] : memref<125000x8x64xf32, #tpu.memory_space<hbm>> -> memref<1x8x64xf32, #tpu.memory_space<hbm>>
        %dma_start3A_1965 = tpu.memref_squeeze %dma_start3A_1964 : memref<1x8x64xf32, #tpu.memory_space<hbm>> -> memref<8x64xf32, #tpu.memory_space<hbm>>
        tpu.enqueue_dma source(%dma_start3A_1965 : memref<8x64xf32, #tpu.memory_space<hbm>>) target(%dma_start3A_1961 : memref<8x64xf32, #tpu.memory_space<vmem>>) target_semaphore(%arg16 : memref<!tpu.dma_semaphore, #tpu.memory_space<semaphore_mem>>)
        %slice3A_1966 = vector.extract_strided_slice %shift_right_arithmetic3A_1832 {offsets = [3], sizes = [1], strides = [1]} : vector<16xi32> to vector<1xi32>
        %squeeze3A_1967 = vector.extract %slice3A_1966[0] : i32 from vector<1xi32>
        %dma_start3A_1968 = arith.constant 3 : i32
        %dma_start3A_1969 = arith.constant 0 : i32
        %dma_start3A_1970 = arith.constant 0 : i32
        %dma_start3A_1971 = tpu.memref_slice %arg12[%sub3A_1820, %dma_start3A_1968, %dma_start3A_1969, %dma_start3A_1970] : memref<2x16x8x64xf32, #tpu.memory_space<vmem>> -> memref<1x1x8x64xf32, #tpu.memory_space<vmem>>
        %dma_start3A_1972 = tpu.memref_squeeze %dma_start3A_1971 : memref<1x1x8x64xf32, #tpu.memory_space<vmem>> -> memref<8x64xf32, #tpu.memory_space<vmem>>
        %dma_start3A_1973 = arith.constant 0 : i32
        %dma_start3A_1974 = arith.constant 0 : i32
        %dma_start3A_1975 = tpu.memref_slice %arg5[%squeeze3A_1967, %dma_start3A_1973, %dma_start3A_1974] : memref<12500x8x64xf32, #tpu.memory_space<hbm>> -> memref<1x8x64xf32, #tpu.memory_space<hbm>>
        %dma_start3A_1976 = tpu.memref_squeeze %dma_start3A_1975 : memref<1x8x64xf32, #tpu.memory_space<hbm>> -> memref<8x64xf32, #tpu.memory_space<hbm>>
        %dma_start3A_1977 = arith.constant 0 : i32
        %dma_start3A_1978 = arith.constant 0 : i32
        %dma_start3A_1979 = tpu.memref_slice %arg12[%sub3A_1820, %dma_start3A_1968, %dma_start3A_1977, %dma_start3A_1978] : memref<2x16x8x64xf32, #tpu.memory_space<vmem>> -> memref<1x1x8x64xf32, #tpu.memory_space<vmem>>
        %dma_start3A_1980 = tpu.memref_squeeze %dma_start3A_1979 : memref<1x1x8x64xf32, #tpu.memory_space<vmem>> -> memref<8x64xf32, #tpu.memory_space<vmem>>
        %dma_start3A_1981 = arith.constant 0 : i32
        %dma_start3A_1982 = arith.constant 0 : i32
        %dma_start3A_1983 = tpu.memref_slice %arg5[%squeeze3A_1967, %dma_start3A_1981, %dma_start3A_1982] : memref<12500x8x64xf32, #tpu.memory_space<hbm>> -> memref<1x8x64xf32, #tpu.memory_space<hbm>>
        %dma_start3A_1984 = tpu.memref_squeeze %dma_start3A_1983 : memref<1x8x64xf32, #tpu.memory_space<hbm>> -> memref<8x64xf32, #tpu.memory_space<hbm>>
        tpu.enqueue_dma source(%dma_start3A_1984 : memref<8x64xf32, #tpu.memory_space<hbm>>) target(%dma_start3A_1980 : memref<8x64xf32, #tpu.memory_space<vmem>>) target_semaphore(%arg17 : memref<!tpu.dma_semaphore, #tpu.memory_space<semaphore_mem>>)
        %slice3A_1985 = vector.extract_strided_slice %shift_right_arithmetic3A_1827 {offsets = [4], sizes = [1], strides = [1]} : vector<16xi32> to vector<1xi32>
        %squeeze3A_1986 = vector.extract %slice3A_1985[0] : i32 from vector<1xi32>
        %dma_start3A_1987 = arith.constant 4 : i32
        %dma_start3A_1988 = arith.constant 0 : i32
        %dma_start3A_1989 = arith.constant 0 : i32
        %dma_start3A_1990 = tpu.memref_slice %arg11[%sub3A_1820, %dma_start3A_1987, %dma_start3A_1988, %dma_start3A_1989] : memref<2x16x8x64xf32, #tpu.memory_space<vmem>> -> memref<1x1x8x64xf32, #tpu.memory_space<vmem>>
        %dma_start3A_1991 = tpu.memref_squeeze %dma_start3A_1990 : memref<1x1x8x64xf32, #tpu.memory_space<vmem>> -> memref<8x64xf32, #tpu.memory_space<vmem>>
        %dma_start3A_1992 = arith.constant 0 : i32
        %dma_start3A_1993 = arith.constant 0 : i32
        %dma_start3A_1994 = tpu.memref_slice %arg4[%squeeze3A_1986, %dma_start3A_1992, %dma_start3A_1993] : memref<125000x8x64xf32, #tpu.memory_space<hbm>> -> memref<1x8x64xf32, #tpu.memory_space<hbm>>
        %dma_start3A_1995 = tpu.memref_squeeze %dma_start3A_1994 : memref<1x8x64xf32, #tpu.memory_space<hbm>> -> memref<8x64xf32, #tpu.memory_space<hbm>>
        %dma_start3A_1996 = arith.constant 0 : i32
        %dma_start3A_1997 = arith.constant 0 : i32
        %dma_start3A_1998 = tpu.memref_slice %arg11[%sub3A_1820, %dma_start3A_1987, %dma_start3A_1996, %dma_start3A_1997] : memref<2x16x8x64xf32, #tpu.memory_space<vmem>> -> memref<1x1x8x64xf32, #tpu.memory_space<vmem>>
        %dma_start3A_1999 = tpu.memref_squeeze %dma_start3A_1998 : memref<1x1x8x64xf32, #tpu.memory_space<vmem>> -> memref<8x64xf32, #tpu.memory_space<vmem>>
        %dma_start3A_2000 = arith.constant 0 : i32
        %dma_start3A_2001 = arith.constant 0 : i32
        %dma_start3A_2002 = tpu.memref_slice %arg4[%squeeze3A_1986, %dma_start3A_2000, %dma_start3A_2001] : memref<125000x8x64xf32, #tpu.memory_space<hbm>> -> memref<1x8x64xf32, #tpu.memory_space<hbm>>
        %dma_start3A_2003 = tpu.memref_squeeze %dma_start3A_2002 : memref<1x8x64xf32, #tpu.memory_space<hbm>> -> memref<8x64xf32, #tpu.memory_space<hbm>>
        tpu.enqueue_dma source(%dma_start3A_2003 : memref<8x64xf32, #tpu.memory_space<hbm>>) target(%dma_start3A_1999 : memref<8x64xf32, #tpu.memory_space<vmem>>) target_semaphore(%arg16 : memref<!tpu.dma_semaphore, #tpu.memory_space<semaphore_mem>>)
        %slice3A_2004 = vector.extract_strided_slice %shift_right_arithmetic3A_1832 {offsets = [4], sizes = [1], strides = [1]} : vector<16xi32> to vector<1xi32>
        %squeeze3A_2005 = vector.extract %slice3A_2004[0] : i32 from vector<1xi32>
        %dma_start3A_2006 = arith.constant 4 : i32
        %dma_start3A_2007 = arith.constant 0 : i32
        %dma_start3A_2008 = arith.constant 0 : i32
        %dma_start3A_2009 = tpu.memref_slice %arg12[%sub3A_1820, %dma_start3A_2006, %dma_start3A_2007, %dma_start3A_2008] : memref<2x16x8x64xf32, #tpu.memory_space<vmem>> -> memref<1x1x8x64xf32, #tpu.memory_space<vmem>>
        %dma_start3A_2010 = tpu.memref_squeeze %dma_start3A_2009 : memref<1x1x8x64xf32, #tpu.memory_space<vmem>> -> memref<8x64xf32, #tpu.memory_space<vmem>>
        %dma_start3A_2011 = arith.constant 0 : i32
        %dma_start3A_2012 = arith.constant 0 : i32
        %dma_start3A_2013 = tpu.memref_slice %arg5[%squeeze3A_2005, %dma_start3A_2011, %dma_start3A_2012] : memref<12500x8x64xf32, #tpu.memory_space<hbm>> -> memref<1x8x64xf32, #tpu.memory_space<hbm>>
        %dma_start3A_2014 = tpu.memref_squeeze %dma_start3A_2013 : memref<1x8x64xf32, #tpu.memory_space<hbm>> -> memref<8x64xf32, #tpu.memory_space<hbm>>
        %dma_start3A_2015 = arith.constant 0 : i32
        %dma_start3A_2016 = arith.constant 0 : i32
        %dma_start3A_2017 = tpu.memref_slice %arg12[%sub3A_1820, %dma_start3A_2006, %dma_start3A_2015, %dma_start3A_2016] : memref<2x16x8x64xf32, #tpu.memory_space<vmem>> -> memref<1x1x8x64xf32, #tpu.memory_space<vmem>>
        %dma_start3A_2018 = tpu.memref_squeeze %dma_start3A_2017 : memref<1x1x8x64xf32, #tpu.memory_space<vmem>> -> memref<8x64xf32, #tpu.memory_space<vmem>>
        %dma_start3A_2019 = arith.constant 0 : i32
        %dma_start3A_2020 = arith.constant 0 : i32
        %dma_start3A_2021 = tpu.memref_slice %arg5[%squeeze3A_2005, %dma_start3A_2019, %dma_start3A_2020] : memref<12500x8x64xf32, #tpu.memory_space<hbm>> -> memref<1x8x64xf32, #tpu.memory_space<hbm>>
        %dma_start3A_2022 = tpu.memref_squeeze %dma_start3A_2021 : memref<1x8x64xf32, #tpu.memory_space<hbm>> -> memref<8x64xf32, #tpu.memory_space<hbm>>
        tpu.enqueue_dma source(%dma_start3A_2022 : memref<8x64xf32, #tpu.memory_space<hbm>>) target(%dma_start3A_2018 : memref<8x64xf32, #tpu.memory_space<vmem>>) target_semaphore(%arg17 : memref<!tpu.dma_semaphore, #tpu.memory_space<semaphore_mem>>)
        %slice3A_2023 = vector.extract_strided_slice %shift_right_arithmetic3A_1827 {offsets = [5], sizes = [1], strides = [1]} : vector<16xi32> to vector<1xi32>
        %squeeze3A_2024 = vector.extract %slice3A_2023[0] : i32 from vector<1xi32>
        %dma_start3A_2025 = arith.constant 5 : i32
        %dma_start3A_2026 = arith.constant 0 : i32
        %dma_start3A_2027 = arith.constant 0 : i32
        %dma_start3A_2028 = tpu.memref_slice %arg11[%sub3A_1820, %dma_start3A_2025, %dma_start3A_2026, %dma_start3A_2027] : memref<2x16x8x64xf32, #tpu.memory_space<vmem>> -> memref<1x1x8x64xf32, #tpu.memory_space<vmem>>
        %dma_start3A_2029 = tpu.memref_squeeze %dma_start3A_2028 : memref<1x1x8x64xf32, #tpu.memory_space<vmem>> -> memref<8x64xf32, #tpu.memory_space<vmem>>
        %dma_start3A_2030 = arith.constant 0 : i32
        %dma_start3A_2031 = arith.constant 0 : i32
        %dma_start3A_2032 = tpu.memref_slice %arg4[%squeeze3A_2024, %dma_start3A_2030, %dma_start3A_2031] : memref<125000x8x64xf32, #tpu.memory_space<hbm>> -> memref<1x8x64xf32, #tpu.memory_space<hbm>>
        %dma_start3A_2033 = tpu.memref_squeeze %dma_start3A_2032 : memref<1x8x64xf32, #tpu.memory_space<hbm>> -> memref<8x64xf32, #tpu.memory_space<hbm>>
        %dma_start3A_2034 = arith.constant 0 : i32
        %dma_start3A_2035 = arith.constant 0 : i32
        %dma_start3A_2036 = tpu.memref_slice %arg11[%sub3A_1820, %dma_start3A_2025, %dma_start3A_2034, %dma_start3A_2035] : memref<2x16x8x64xf32, #tpu.memory_space<vmem>> -> memref<1x1x8x64xf32, #tpu.memory_space<vmem>>
        %dma_start3A_2037 = tpu.memref_squeeze %dma_start3A_2036 : memref<1x1x8x64xf32, #tpu.memory_space<vmem>> -> memref<8x64xf32, #tpu.memory_space<vmem>>
        %dma_start3A_2038 = arith.constant 0 : i32
        %dma_start3A_2039 = arith.constant 0 : i32
        %dma_start3A_2040 = tpu.memref_slice %arg4[%squeeze3A_2024, %dma_start3A_2038, %dma_start3A_2039] : memref<125000x8x64xf32, #tpu.memory_space<hbm>> -> memref<1x8x64xf32, #tpu.memory_space<hbm>>
        %dma_start3A_2041 = tpu.memref_squeeze %dma_start3A_2040 : memref<1x8x64xf32, #tpu.memory_space<hbm>> -> memref<8x64xf32, #tpu.memory_space<hbm>>
        tpu.enqueue_dma source(%dma_start3A_2041 : memref<8x64xf32, #tpu.memory_space<hbm>>) target(%dma_start3A_2037 : memref<8x64xf32, #tpu.memory_space<vmem>>) target_semaphore(%arg16 : memref<!tpu.dma_semaphore, #tpu.memory_space<semaphore_mem>>)
        %slice3A_2042 = vector.extract_strided_slice %shift_right_arithmetic3A_1832 {offsets = [5], sizes = [1], strides = [1]} : vector<16xi32> to vector<1xi32>
        %squeeze3A_2043 = vector.extract %slice3A_2042[0] : i32 from vector<1xi32>
        %dma_start3A_2044 = arith.constant 5 : i32
        %dma_start3A_2045 = arith.constant 0 : i32
        %dma_start3A_2046 = arith.constant 0 : i32
        %dma_start3A_2047 = tpu.memref_slice %arg12[%sub3A_1820, %dma_start3A_2044, %dma_start3A_2045, %dma_start3A_2046] : memref<2x16x8x64xf32, #tpu.memory_space<vmem>> -> memref<1x1x8x64xf32, #tpu.memory_space<vmem>>
        %dma_start3A_2048 = tpu.memref_squeeze %dma_start3A_2047 : memref<1x1x8x64xf32, #tpu.memory_space<vmem>> -> memref<8x64xf32, #tpu.memory_space<vmem>>
        %dma_start3A_2049 = arith.constant 0 : i32
        %dma_start3A_2050 = arith.constant 0 : i32
        %dma_start3A_2051 = tpu.memref_slice %arg5[%squeeze3A_2043, %dma_start3A_2049, %dma_start3A_2050] : memref<12500x8x64xf32, #tpu.memory_space<hbm>> -> memref<1x8x64xf32, #tpu.memory_space<hbm>>
        %dma_start3A_2052 = tpu.memref_squeeze %dma_start3A_2051 : memref<1x8x64xf32, #tpu.memory_space<hbm>> -> memref<8x64xf32, #tpu.memory_space<hbm>>
        %dma_start3A_2053 = arith.constant 0 : i32
        %dma_start3A_2054 = arith.constant 0 : i32
        %dma_start3A_2055 = tpu.memref_slice %arg12[%sub3A_1820, %dma_start3A_2044, %dma_start3A_2053, %dma_start3A_2054] : memref<2x16x8x64xf32, #tpu.memory_space<vmem>> -> memref<1x1x8x64xf32, #tpu.memory_space<vmem>>
        %dma_start3A_2056 = tpu.memref_squeeze %dma_start3A_2055 : memref<1x1x8x64xf32, #tpu.memory_space<vmem>> -> memref<8x64xf32, #tpu.memory_space<vmem>>
        %dma_start3A_2057 = arith.constant 0 : i32
        %dma_start3A_2058 = arith.constant 0 : i32
        %dma_start3A_2059 = tpu.memref_slice %arg5[%squeeze3A_2043, %dma_start3A_2057, %dma_start3A_2058] : memref<12500x8x64xf32, #tpu.memory_space<hbm>> -> memref<1x8x64xf32, #tpu.memory_space<hbm>>
        %dma_start3A_2060 = tpu.memref_squeeze %dma_start3A_2059 : memref<1x8x64xf32, #tpu.memory_space<hbm>> -> memref<8x64xf32, #tpu.memory_space<hbm>>
        tpu.enqueue_dma source(%dma_start3A_2060 : memref<8x64xf32, #tpu.memory_space<hbm>>) target(%dma_start3A_2056 : memref<8x64xf32, #tpu.memory_space<vmem>>) target_semaphore(%arg17 : memref<!tpu.dma_semaphore, #tpu.memory_space<semaphore_mem>>)
        %slice3A_2061 = vector.extract_strided_slice %shift_right_arithmetic3A_1827 {offsets = [6], sizes = [1], strides = [1]} : vector<16xi32> to vector<1xi32>
        %squeeze3A_2062 = vector.extract %slice3A_2061[0] : i32 from vector<1xi32>
        %dma_start3A_2063 = arith.constant 6 : i32
        %dma_start3A_2064 = arith.constant 0 : i32
        %dma_start3A_2065 = arith.constant 0 : i32
        %dma_start3A_2066 = tpu.memref_slice %arg11[%sub3A_1820, %dma_start3A_2063, %dma_start3A_2064, %dma_start3A_2065] : memref<2x16x8x64xf32, #tpu.memory_space<vmem>> -> memref<1x1x8x64xf32, #tpu.memory_space<vmem>>
        %dma_start3A_2067 = tpu.memref_squeeze %dma_start3A_2066 : memref<1x1x8x64xf32, #tpu.memory_space<vmem>> -> memref<8x64xf32, #tpu.memory_space<vmem>>
        %dma_start3A_2068 = arith.constant 0 : i32
        %dma_start3A_2069 = arith.constant 0 : i32
        %dma_start3A_2070 = tpu.memref_slice %arg4[%squeeze3A_2062, %dma_start3A_2068, %dma_start3A_2069] : memref<125000x8x64xf32, #tpu.memory_space<hbm>> -> memref<1x8x64xf32, #tpu.memory_space<hbm>>
        %dma_start3A_2071 = tpu.memref_squeeze %dma_start3A_2070 : memref<1x8x64xf32, #tpu.memory_space<hbm>> -> memref<8x64xf32, #tpu.memory_space<hbm>>
        %dma_start3A_2072 = arith.constant 0 : i32
        %dma_start3A_2073 = arith.constant 0 : i32
        %dma_start3A_2074 = tpu.memref_slice %arg11[%sub3A_1820, %dma_start3A_2063, %dma_start3A_2072, %dma_start3A_2073] : memref<2x16x8x64xf32, #tpu.memory_space<vmem>> -> memref<1x1x8x64xf32, #tpu.memory_space<vmem>>
        %dma_start3A_2075 = tpu.memref_squeeze %dma_start3A_2074 : memref<1x1x8x64xf32, #tpu.memory_space<vmem>> -> memref<8x64xf32, #tpu.memory_space<vmem>>
        %dma_start3A_2076 = arith.constant 0 : i32
        %dma_start3A_2077 = arith.constant 0 : i32
        %dma_start3A_2078 = tpu.memref_slice %arg4[%squeeze3A_2062, %dma_start3A_2076, %dma_start3A_2077] : memref<125000x8x64xf32, #tpu.memory_space<hbm>> -> memref<1x8x64xf32, #tpu.memory_space<hbm>>
        %dma_start3A_2079 = tpu.memref_squeeze %dma_start3A_2078 : memref<1x8x64xf32, #tpu.memory_space<hbm>> -> memref<8x64xf32, #tpu.memory_space<hbm>>
        tpu.enqueue_dma source(%dma_start3A_2079 : memref<8x64xf32, #tpu.memory_space<hbm>>) target(%dma_start3A_2075 : memref<8x64xf32, #tpu.memory_space<vmem>>) target_semaphore(%arg16 : memref<!tpu.dma_semaphore, #tpu.memory_space<semaphore_mem>>)
        %slice3A_2080 = vector.extract_strided_slice %shift_right_arithmetic3A_1832 {offsets = [6], sizes = [1], strides = [1]} : vector<16xi32> to vector<1xi32>
        %squeeze3A_2081 = vector.extract %slice3A_2080[0] : i32 from vector<1xi32>
        %dma_start3A_2082 = arith.constant 6 : i32
        %dma_start3A_2083 = arith.constant 0 : i32
        %dma_start3A_2084 = arith.constant 0 : i32
        %dma_start3A_2085 = tpu.memref_slice %arg12[%sub3A_1820, %dma_start3A_2082, %dma_start3A_2083, %dma_start3A_2084] : memref<2x16x8x64xf32, #tpu.memory_space<vmem>> -> memref<1x1x8x64xf32, #tpu.memory_space<vmem>>
        %dma_start3A_2086 = tpu.memref_squeeze %dma_start3A_2085 : memref<1x1x8x64xf32, #tpu.memory_space<vmem>> -> memref<8x64xf32, #tpu.memory_space<vmem>>
        %dma_start3A_2087 = arith.constant 0 : i32
        %dma_start3A_2088 = arith.constant 0 : i32
        %dma_start3A_2089 = tpu.memref_slice %arg5[%squeeze3A_2081, %dma_start3A_2087, %dma_start3A_2088] : memref<12500x8x64xf32, #tpu.memory_space<hbm>> -> memref<1x8x64xf32, #tpu.memory_space<hbm>>
        %dma_start3A_2090 = tpu.memref_squeeze %dma_start3A_2089 : memref<1x8x64xf32, #tpu.memory_space<hbm>> -> memref<8x64xf32, #tpu.memory_space<hbm>>
        %dma_start3A_2091 = arith.constant 0 : i32
        %dma_start3A_2092 = arith.constant 0 : i32
        %dma_start3A_2093 = tpu.memref_slice %arg12[%sub3A_1820, %dma_start3A_2082, %dma_start3A_2091, %dma_start3A_2092] : memref<2x16x8x64xf32, #tpu.memory_space<vmem>> -> memref<1x1x8x64xf32, #tpu.memory_space<vmem>>
        %dma_start3A_2094 = tpu.memref_squeeze %dma_start3A_2093 : memref<1x1x8x64xf32, #tpu.memory_space<vmem>> -> memref<8x64xf32, #tpu.memory_space<vmem>>
        %dma_start3A_2095 = arith.constant 0 : i32
        %dma_start3A_2096 = arith.constant 0 : i32
        %dma_start3A_2097 = tpu.memref_slice %arg5[%squeeze3A_2081, %dma_start3A_2095, %dma_start3A_2096] : memref<12500x8x64xf32, #tpu.memory_space<hbm>> -> memref<1x8x64xf32, #tpu.memory_space<hbm>>
        %dma_start3A_2098 = tpu.memref_squeeze %dma_start3A_2097 : memref<1x8x64xf32, #tpu.memory_space<hbm>> -> memref<8x64xf32, #tpu.memory_space<hbm>>
        tpu.enqueue_dma source(%dma_start3A_2098 : memref<8x64xf32, #tpu.memory_space<hbm>>) target(%dma_start3A_2094 : memref<8x64xf32, #tpu.memory_space<vmem>>) target_semaphore(%arg17 : memref<!tpu.dma_semaphore, #tpu.memory_space<semaphore_mem>>)
        %slice3A_2099 = vector.extract_strided_slice %shift_right_arithmetic3A_1827 {offsets = [7], sizes = [1], strides = [1]} : vector<16xi32> to vector<1xi32>
        %squeeze3A_2100 = vector.extract %slice3A_2099[0] : i32 from vector<1xi32>
        %dma_start3A_2101 = arith.constant 7 : i32
        %dma_start3A_2102 = arith.constant 0 : i32
        %dma_start3A_2103 = arith.constant 0 : i32
        %dma_start3A_2104 = tpu.memref_slice %arg11[%sub3A_1820, %dma_start3A_2101, %dma_start3A_2102, %dma_start3A_2103] : memref<2x16x8x64xf32, #tpu.memory_space<vmem>> -> memref<1x1x8x64xf32, #tpu.memory_space<vmem>>
        %dma_start3A_2105 = tpu.memref_squeeze %dma_start3A_2104 : memref<1x1x8x64xf32, #tpu.memory_space<vmem>> -> memref<8x64xf32, #tpu.memory_space<vmem>>
        %dma_start3A_2106 = arith.constant 0 : i32
        %dma_start3A_2107 = arith.constant 0 : i32
        %dma_start3A_2108 = tpu.memref_slice %arg4[%squeeze3A_2100, %dma_start3A_2106, %dma_start3A_2107] : memref<125000x8x64xf32, #tpu.memory_space<hbm>> -> memref<1x8x64xf32, #tpu.memory_space<hbm>>
        %dma_start3A_2109 = tpu.memref_squeeze %dma_start3A_2108 : memref<1x8x64xf32, #tpu.memory_space<hbm>> -> memref<8x64xf32, #tpu.memory_space<hbm>>
        %dma_start3A_2110 = arith.constant 0 : i32
        %dma_start3A_2111 = arith.constant 0 : i32
        %dma_start3A_2112 = tpu.memref_slice %arg11[%sub3A_1820, %dma_start3A_2101, %dma_start3A_2110, %dma_start3A_2111] : memref<2x16x8x64xf32, #tpu.memory_space<vmem>> -> memref<1x1x8x64xf32, #tpu.memory_space<vmem>>
        %dma_start3A_2113 = tpu.memref_squeeze %dma_start3A_2112 : memref<1x1x8x64xf32, #tpu.memory_space<vmem>> -> memref<8x64xf32, #tpu.memory_space<vmem>>
        %dma_start3A_2114 = arith.constant 0 : i32
        %dma_start3A_2115 = arith.constant 0 : i32
        %dma_start3A_2116 = tpu.memref_slice %arg4[%squeeze3A_2100, %dma_start3A_2114, %dma_start3A_2115] : memref<125000x8x64xf32, #tpu.memory_space<hbm>> -> memref<1x8x64xf32, #tpu.memory_space<hbm>>
        %dma_start3A_2117 = tpu.memref_squeeze %dma_start3A_2116 : memref<1x8x64xf32, #tpu.memory_space<hbm>> -> memref<8x64xf32, #tpu.memory_space<hbm>>
        tpu.enqueue_dma source(%dma_start3A_2117 : memref<8x64xf32, #tpu.memory_space<hbm>>) target(%dma_start3A_2113 : memref<8x64xf32, #tpu.memory_space<vmem>>) target_semaphore(%arg16 : memref<!tpu.dma_semaphore, #tpu.memory_space<semaphore_mem>>)
        %slice3A_2118 = vector.extract_strided_slice %shift_right_arithmetic3A_1832 {offsets = [7], sizes = [1], strides = [1]} : vector<16xi32> to vector<1xi32>
        %squeeze3A_2119 = vector.extract %slice3A_2118[0] : i32 from vector<1xi32>
        %dma_start3A_2120 = arith.constant 7 : i32
        %dma_start3A_2121 = arith.constant 0 : i32
        %dma_start3A_2122 = arith.constant 0 : i32
        %dma_start3A_2123 = tpu.memref_slice %arg12[%sub3A_1820, %dma_start3A_2120, %dma_start3A_2121, %dma_start3A_2122] : memref<2x16x8x64xf32, #tpu.memory_space<vmem>> -> memref<1x1x8x64xf32, #tpu.memory_space<vmem>>
        %dma_start3A_2124 = tpu.memref_squeeze %dma_start3A_2123 : memref<1x1x8x64xf32, #tpu.memory_space<vmem>> -> memref<8x64xf32, #tpu.memory_space<vmem>>
        %dma_start3A_2125 = arith.constant 0 : i32
        %dma_start3A_2126 = arith.constant 0 : i32
        %dma_start3A_2127 = tpu.memref_slice %arg5[%squeeze3A_2119, %dma_start3A_2125, %dma_start3A_2126] : memref<12500x8x64xf32, #tpu.memory_space<hbm>> -> memref<1x8x64xf32, #tpu.memory_space<hbm>>
        %dma_start3A_2128 = tpu.memref_squeeze %dma_start3A_2127 : memref<1x8x64xf32, #tpu.memory_space<hbm>> -> memref<8x64xf32, #tpu.memory_space<hbm>>
        %dma_start3A_2129 = arith.constant 0 : i32
        %dma_start3A_2130 = arith.constant 0 : i32
        %dma_start3A_2131 = tpu.memref_slice %arg12[%sub3A_1820, %dma_start3A_2120, %dma_start3A_2129, %dma_start3A_2130] : memref<2x16x8x64xf32, #tpu.memory_space<vmem>> -> memref<1x1x8x64xf32, #tpu.memory_space<vmem>>
        %dma_start3A_2132 = tpu.memref_squeeze %dma_start3A_2131 : memref<1x1x8x64xf32, #tpu.memory_space<vmem>> -> memref<8x64xf32, #tpu.memory_space<vmem>>
        %dma_start3A_2133 = arith.constant 0 : i32
        %dma_start3A_2134 = arith.constant 0 : i32
        %dma_start3A_2135 = tpu.memref_slice %arg5[%squeeze3A_2119, %dma_start3A_2133, %dma_start3A_2134] : memref<12500x8x64xf32, #tpu.memory_space<hbm>> -> memref<1x8x64xf32, #tpu.memory_space<hbm>>
        %dma_start3A_2136 = tpu.memref_squeeze %dma_start3A_2135 : memref<1x8x64xf32, #tpu.memory_space<hbm>> -> memref<8x64xf32, #tpu.memory_space<hbm>>
        tpu.enqueue_dma source(%dma_start3A_2136 : memref<8x64xf32, #tpu.memory_space<hbm>>) target(%dma_start3A_2132 : memref<8x64xf32, #tpu.memory_space<vmem>>) target_semaphore(%arg17 : memref<!tpu.dma_semaphore, #tpu.memory_space<semaphore_mem>>)
        %slice3A_2137 = vector.extract_strided_slice %shift_right_arithmetic3A_1827 {offsets = [8], sizes = [1], strides = [1]} : vector<16xi32> to vector<1xi32>
        %squeeze3A_2138 = vector.extract %slice3A_2137[0] : i32 from vector<1xi32>
        %dma_start3A_2139 = arith.constant 8 : i32
        %dma_start3A_2140 = arith.constant 0 : i32
        %dma_start3A_2141 = arith.constant 0 : i32
        %dma_start3A_2142 = tpu.memref_slice %arg11[%sub3A_1820, %dma_start3A_2139, %dma_start3A_2140, %dma_start3A_2141] : memref<2x16x8x64xf32, #tpu.memory_space<vmem>> -> memref<1x1x8x64xf32, #tpu.memory_space<vmem>>
        %dma_start3A_2143 = tpu.memref_squeeze %dma_start3A_2142 : memref<1x1x8x64xf32, #tpu.memory_space<vmem>> -> memref<8x64xf32, #tpu.memory_space<vmem>>
        %dma_start3A_2144 = arith.constant 0 : i32
        %dma_start3A_2145 = arith.constant 0 : i32
        %dma_start3A_2146 = tpu.memref_slice %arg4[%squeeze3A_2138, %dma_start3A_2144, %dma_start3A_2145] : memref<125000x8x64xf32, #tpu.memory_space<hbm>> -> memref<1x8x64xf32, #tpu.memory_space<hbm>>
        %dma_start3A_2147 = tpu.memref_squeeze %dma_start3A_2146 : memref<1x8x64xf32, #tpu.memory_space<hbm>> -> memref<8x64xf32, #tpu.memory_space<hbm>>
        %dma_start3A_2148 = arith.constant 0 : i32
        %dma_start3A_2149 = arith.constant 0 : i32
        %dma_start3A_2150 = tpu.memref_slice %arg11[%sub3A_1820, %dma_start3A_2139, %dma_start3A_2148, %dma_start3A_2149] : memref<2x16x8x64xf32, #tpu.memory_space<vmem>> -> memref<1x1x8x64xf32, #tpu.memory_space<vmem>>
        %dma_start3A_2151 = tpu.memref_squeeze %dma_start3A_2150 : memref<1x1x8x64xf32, #tpu.memory_space<vmem>> -> memref<8x64xf32, #tpu.memory_space<vmem>>
        %dma_start3A_2152 = arith.constant 0 : i32
        %dma_start3A_2153 = arith.constant 0 : i32
        %dma_start3A_2154 = tpu.memref_slice %arg4[%squeeze3A_2138, %dma_start3A_2152, %dma_start3A_2153] : memref<125000x8x64xf32, #tpu.memory_space<hbm>> -> memref<1x8x64xf32, #tpu.memory_space<hbm>>
        %dma_start3A_2155 = tpu.memref_squeeze %dma_start3A_2154 : memref<1x8x64xf32, #tpu.memory_space<hbm>> -> memref<8x64xf32, #tpu.memory_space<hbm>>
        tpu.enqueue_dma source(%dma_start3A_2155 : memref<8x64xf32, #tpu.memory_space<hbm>>) target(%dma_start3A_2151 : memref<8x64xf32, #tpu.memory_space<vmem>>) target_semaphore(%arg16 : memref<!tpu.dma_semaphore, #tpu.memory_space<semaphore_mem>>)
        %slice3A_2156 = vector.extract_strided_slice %shift_right_arithmetic3A_1832 {offsets = [8], sizes = [1], strides = [1]} : vector<16xi32> to vector<1xi32>
        %squeeze3A_2157 = vector.extract %slice3A_2156[0] : i32 from vector<1xi32>
        %dma_start3A_2158 = arith.constant 8 : i32
        %dma_start3A_2159 = arith.constant 0 : i32
        %dma_start3A_2160 = arith.constant 0 : i32
        %dma_start3A_2161 = tpu.memref_slice %arg12[%sub3A_1820, %dma_start3A_2158, %dma_start3A_2159, %dma_start3A_2160] : memref<2x16x8x64xf32, #tpu.memory_space<vmem>> -> memref<1x1x8x64xf32, #tpu.memory_space<vmem>>
        %dma_start3A_2162 = tpu.memref_squeeze %dma_start3A_2161 : memref<1x1x8x64xf32, #tpu.memory_space<vmem>> -> memref<8x64xf32, #tpu.memory_space<vmem>>
        %dma_start3A_2163 = arith.constant 0 : i32
        %dma_start3A_2164 = arith.constant 0 : i32
        %dma_start3A_2165 = tpu.memref_slice %arg5[%squeeze3A_2157, %dma_start3A_2163, %dma_start3A_2164] : memref<12500x8x64xf32, #tpu.memory_space<hbm>> -> memref<1x8x64xf32, #tpu.memory_space<hbm>>
        %dma_start3A_2166 = tpu.memref_squeeze %dma_start3A_2165 : memref<1x8x64xf32, #tpu.memory_space<hbm>> -> memref<8x64xf32, #tpu.memory_space<hbm>>
        %dma_start3A_2167 = arith.constant 0 : i32
        %dma_start3A_2168 = arith.constant 0 : i32
        %dma_start3A_2169 = tpu.memref_slice %arg12[%sub3A_1820, %dma_start3A_2158, %dma_start3A_2167, %dma_start3A_2168] : memref<2x16x8x64xf32, #tpu.memory_space<vmem>> -> memref<1x1x8x64xf32, #tpu.memory_space<vmem>>
        %dma_start3A_2170 = tpu.memref_squeeze %dma_start3A_2169 : memref<1x1x8x64xf32, #tpu.memory_space<vmem>> -> memref<8x64xf32, #tpu.memory_space<vmem>>
        %dma_start3A_2171 = arith.constant 0 : i32
        %dma_start3A_2172 = arith.constant 0 : i32
        %dma_start3A_2173 = tpu.memref_slice %arg5[%squeeze3A_2157, %dma_start3A_2171, %dma_start3A_2172] : memref<12500x8x64xf32, #tpu.memory_space<hbm>> -> memref<1x8x64xf32, #tpu.memory_space<hbm>>
        %dma_start3A_2174 = tpu.memref_squeeze %dma_start3A_2173 : memref<1x8x64xf32, #tpu.memory_space<hbm>> -> memref<8x64xf32, #tpu.memory_space<hbm>>
        tpu.enqueue_dma source(%dma_start3A_2174 : memref<8x64xf32, #tpu.memory_space<hbm>>) target(%dma_start3A_2170 : memref<8x64xf32, #tpu.memory_space<vmem>>) target_semaphore(%arg17 : memref<!tpu.dma_semaphore, #tpu.memory_space<semaphore_mem>>)
        %slice3A_2175 = vector.extract_strided_slice %shift_right_arithmetic3A_1827 {offsets = [9], sizes = [1], strides = [1]} : vector<16xi32> to vector<1xi32>
        %squeeze3A_2176 = vector.extract %slice3A_2175[0] : i32 from vector<1xi32>
        %dma_start3A_2177 = arith.constant 9 : i32
        %dma_start3A_2178 = arith.constant 0 : i32
        %dma_start3A_2179 = arith.constant 0 : i32
        %dma_start3A_2180 = tpu.memref_slice %arg11[%sub3A_1820, %dma_start3A_2177, %dma_start3A_2178, %dma_start3A_2179] : memref<2x16x8x64xf32, #tpu.memory_space<vmem>> -> memref<1x1x8x64xf32, #tpu.memory_space<vmem>>
        %dma_start3A_2181 = tpu.memref_squeeze %dma_start3A_2180 : memref<1x1x8x64xf32, #tpu.memory_space<vmem>> -> memref<8x64xf32, #tpu.memory_space<vmem>>
        %dma_start3A_2182 = arith.constant 0 : i32
        %dma_start3A_2183 = arith.constant 0 : i32
        %dma_start3A_2184 = tpu.memref_slice %arg4[%squeeze3A_2176, %dma_start3A_2182, %dma_start3A_2183] : memref<125000x8x64xf32, #tpu.memory_space<hbm>> -> memref<1x8x64xf32, #tpu.memory_space<hbm>>
        %dma_start3A_2185 = tpu.memref_squeeze %dma_start3A_2184 : memref<1x8x64xf32, #tpu.memory_space<hbm>> -> memref<8x64xf32, #tpu.memory_space<hbm>>
        %dma_start3A_2186 = arith.constant 0 : i32
        %dma_start3A_2187 = arith.constant 0 : i32
        %dma_start3A_2188 = tpu.memref_slice %arg11[%sub3A_1820, %dma_start3A_2177, %dma_start3A_2186, %dma_start3A_2187] : memref<2x16x8x64xf32, #tpu.memory_space<vmem>> -> memref<1x1x8x64xf32, #tpu.memory_space<vmem>>
        %dma_start3A_2189 = tpu.memref_squeeze %dma_start3A_2188 : memref<1x1x8x64xf32, #tpu.memory_space<vmem>> -> memref<8x64xf32, #tpu.memory_space<vmem>>
        %dma_start3A_2190 = arith.constant 0 : i32
        %dma_start3A_2191 = arith.constant 0 : i32
        %dma_start3A_2192 = tpu.memref_slice %arg4[%squeeze3A_2176, %dma_start3A_2190, %dma_start3A_2191] : memref<125000x8x64xf32, #tpu.memory_space<hbm>> -> memref<1x8x64xf32, #tpu.memory_space<hbm>>
        %dma_start3A_2193 = tpu.memref_squeeze %dma_start3A_2192 : memref<1x8x64xf32, #tpu.memory_space<hbm>> -> memref<8x64xf32, #tpu.memory_space<hbm>>
        tpu.enqueue_dma source(%dma_start3A_2193 : memref<8x64xf32, #tpu.memory_space<hbm>>) target(%dma_start3A_2189 : memref<8x64xf32, #tpu.memory_space<vmem>>) target_semaphore(%arg16 : memref<!tpu.dma_semaphore, #tpu.memory_space<semaphore_mem>>)
        %slice3A_2194 = vector.extract_strided_slice %shift_right_arithmetic3A_1832 {offsets = [9], sizes = [1], strides = [1]} : vector<16xi32> to vector<1xi32>
        %squeeze3A_2195 = vector.extract %slice3A_2194[0] : i32 from vector<1xi32>
        %dma_start3A_2196 = arith.constant 9 : i32
        %dma_start3A_2197 = arith.constant 0 : i32
        %dma_start3A_2198 = arith.constant 0 : i32
        %dma_start3A_2199 = tpu.memref_slice %arg12[%sub3A_1820, %dma_start3A_2196, %dma_start3A_2197, %dma_start3A_2198] : memref<2x16x8x64xf32, #tpu.memory_space<vmem>> -> memref<1x1x8x64xf32, #tpu.memory_space<vmem>>
        %dma_start3A_2200 = tpu.memref_squeeze %dma_start3A_2199 : memref<1x1x8x64xf32, #tpu.memory_space<vmem>> -> memref<8x64xf32, #tpu.memory_space<vmem>>
        %dma_start3A_2201 = arith.constant 0 : i32
        %dma_start3A_2202 = arith.constant 0 : i32
        %dma_start3A_2203 = tpu.memref_slice %arg5[%squeeze3A_2195, %dma_start3A_2201, %dma_start3A_2202] : memref<12500x8x64xf32, #tpu.memory_space<hbm>> -> memref<1x8x64xf32, #tpu.memory_space<hbm>>
        %dma_start3A_2204 = tpu.memref_squeeze %dma_start3A_2203 : memref<1x8x64xf32, #tpu.memory_space<hbm>> -> memref<8x64xf32, #tpu.memory_space<hbm>>
        %dma_start3A_2205 = arith.constant 0 : i32
        %dma_start3A_2206 = arith.constant 0 : i32
        %dma_start3A_2207 = tpu.memref_slice %arg12[%sub3A_1820, %dma_start3A_2196, %dma_start3A_2205, %dma_start3A_2206] : memref<2x16x8x64xf32, #tpu.memory_space<vmem>> -> memref<1x1x8x64xf32, #tpu.memory_space<vmem>>
        %dma_start3A_2208 = tpu.memref_squeeze %dma_start3A_2207 : memref<1x1x8x64xf32, #tpu.memory_space<vmem>> -> memref<8x64xf32, #tpu.memory_space<vmem>>
        %dma_start3A_2209 = arith.constant 0 : i32
        %dma_start3A_2210 = arith.constant 0 : i32
        %dma_start3A_2211 = tpu.memref_slice %arg5[%squeeze3A_2195, %dma_start3A_2209, %dma_start3A_2210] : memref<12500x8x64xf32, #tpu.memory_space<hbm>> -> memref<1x8x64xf32, #tpu.memory_space<hbm>>
        %dma_start3A_2212 = tpu.memref_squeeze %dma_start3A_2211 : memref<1x8x64xf32, #tpu.memory_space<hbm>> -> memref<8x64xf32, #tpu.memory_space<hbm>>
        tpu.enqueue_dma source(%dma_start3A_2212 : memref<8x64xf32, #tpu.memory_space<hbm>>) target(%dma_start3A_2208 : memref<8x64xf32, #tpu.memory_space<vmem>>) target_semaphore(%arg17 : memref<!tpu.dma_semaphore, #tpu.memory_space<semaphore_mem>>)
        %slice3A_2213 = vector.extract_strided_slice %shift_right_arithmetic3A_1827 {offsets = [10], sizes = [1], strides = [1]} : vector<16xi32> to vector<1xi32>
        %squeeze3A_2214 = vector.extract %slice3A_2213[0] : i32 from vector<1xi32>
        %dma_start3A_2215 = arith.constant 10 : i32
        %dma_start3A_2216 = arith.constant 0 : i32
        %dma_start3A_2217 = arith.constant 0 : i32
        %dma_start3A_2218 = tpu.memref_slice %arg11[%sub3A_1820, %dma_start3A_2215, %dma_start3A_2216, %dma_start3A_2217] : memref<2x16x8x64xf32, #tpu.memory_space<vmem>> -> memref<1x1x8x64xf32, #tpu.memory_space<vmem>>
        %dma_start3A_2219 = tpu.memref_squeeze %dma_start3A_2218 : memref<1x1x8x64xf32, #tpu.memory_space<vmem>> -> memref<8x64xf32, #tpu.memory_space<vmem>>
        %dma_start3A_2220 = arith.constant 0 : i32
        %dma_start3A_2221 = arith.constant 0 : i32
        %dma_start3A_2222 = tpu.memref_slice %arg4[%squeeze3A_2214, %dma_start3A_2220, %dma_start3A_2221] : memref<125000x8x64xf32, #tpu.memory_space<hbm>> -> memref<1x8x64xf32, #tpu.memory_space<hbm>>
        %dma_start3A_2223 = tpu.memref_squeeze %dma_start3A_2222 : memref<1x8x64xf32, #tpu.memory_space<hbm>> -> memref<8x64xf32, #tpu.memory_space<hbm>>
        %dma_start3A_2224 = arith.constant 0 : i32
        %dma_start3A_2225 = arith.constant 0 : i32
        %dma_start3A_2226 = tpu.memref_slice %arg11[%sub3A_1820, %dma_start3A_2215, %dma_start3A_2224, %dma_start3A_2225] : memref<2x16x8x64xf32, #tpu.memory_space<vmem>> -> memref<1x1x8x64xf32, #tpu.memory_space<vmem>>
        %dma_start3A_2227 = tpu.memref_squeeze %dma_start3A_2226 : memref<1x1x8x64xf32, #tpu.memory_space<vmem>> -> memref<8x64xf32, #tpu.memory_space<vmem>>
        %dma_start3A_2228 = arith.constant 0 : i32
        %dma_start3A_2229 = arith.constant 0 : i32
        %dma_start3A_2230 = tpu.memref_slice %arg4[%squeeze3A_2214, %dma_start3A_2228, %dma_start3A_2229] : memref<125000x8x64xf32, #tpu.memory_space<hbm>> -> memref<1x8x64xf32, #tpu.memory_space<hbm>>
        %dma_start3A_2231 = tpu.memref_squeeze %dma_start3A_2230 : memref<1x8x64xf32, #tpu.memory_space<hbm>> -> memref<8x64xf32, #tpu.memory_space<hbm>>
        tpu.enqueue_dma source(%dma_start3A_2231 : memref<8x64xf32, #tpu.memory_space<hbm>>) target(%dma_start3A_2227 : memref<8x64xf32, #tpu.memory_space<vmem>>) target_semaphore(%arg16 : memref<!tpu.dma_semaphore, #tpu.memory_space<semaphore_mem>>)
        %slice3A_2232 = vector.extract_strided_slice %shift_right_arithmetic3A_1832 {offsets = [10], sizes = [1], strides = [1]} : vector<16xi32> to vector<1xi32>
        %squeeze3A_2233 = vector.extract %slice3A_2232[0] : i32 from vector<1xi32>
        %dma_start3A_2234 = arith.constant 10 : i32
        %dma_start3A_2235 = arith.constant 0 : i32
        %dma_start3A_2236 = arith.constant 0 : i32
        %dma_start3A_2237 = tpu.memref_slice %arg12[%sub3A_1820, %dma_start3A_2234, %dma_start3A_2235, %dma_start3A_2236] : memref<2x16x8x64xf32, #tpu.memory_space<vmem>> -> memref<1x1x8x64xf32, #tpu.memory_space<vmem>>
        %dma_start3A_2238 = tpu.memref_squeeze %dma_start3A_2237 : memref<1x1x8x64xf32, #tpu.memory_space<vmem>> -> memref<8x64xf32, #tpu.memory_space<vmem>>
        %dma_start3A_2239 = arith.constant 0 : i32
        %dma_start3A_2240 = arith.constant 0 : i32
        %dma_start3A_2241 = tpu.memref_slice %arg5[%squeeze3A_2233, %dma_start3A_2239, %dma_start3A_2240] : memref<12500x8x64xf32, #tpu.memory_space<hbm>> -> memref<1x8x64xf32, #tpu.memory_space<hbm>>
        %dma_start3A_2242 = tpu.memref_squeeze %dma_start3A_2241 : memref<1x8x64xf32, #tpu.memory_space<hbm>> -> memref<8x64xf32, #tpu.memory_space<hbm>>
        %dma_start3A_2243 = arith.constant 0 : i32
        %dma_start3A_2244 = arith.constant 0 : i32
        %dma_start3A_2245 = tpu.memref_slice %arg12[%sub3A_1820, %dma_start3A_2234, %dma_start3A_2243, %dma_start3A_2244] : memref<2x16x8x64xf32, #tpu.memory_space<vmem>> -> memref<1x1x8x64xf32, #tpu.memory_space<vmem>>
        %dma_start3A_2246 = tpu.memref_squeeze %dma_start3A_2245 : memref<1x1x8x64xf32, #tpu.memory_space<vmem>> -> memref<8x64xf32, #tpu.memory_space<vmem>>
        %dma_start3A_2247 = arith.constant 0 : i32
        %dma_start3A_2248 = arith.constant 0 : i32
        %dma_start3A_2249 = tpu.memref_slice %arg5[%squeeze3A_2233, %dma_start3A_2247, %dma_start3A_2248] : memref<12500x8x64xf32, #tpu.memory_space<hbm>> -> memref<1x8x64xf32, #tpu.memory_space<hbm>>
        %dma_start3A_2250 = tpu.memref_squeeze %dma_start3A_2249 : memref<1x8x64xf32, #tpu.memory_space<hbm>> -> memref<8x64xf32, #tpu.memory_space<hbm>>
        tpu.enqueue_dma source(%dma_start3A_2250 : memref<8x64xf32, #tpu.memory_space<hbm>>) target(%dma_start3A_2246 : memref<8x64xf32, #tpu.memory_space<vmem>>) target_semaphore(%arg17 : memref<!tpu.dma_semaphore, #tpu.memory_space<semaphore_mem>>)
        %slice3A_2251 = vector.extract_strided_slice %shift_right_arithmetic3A_1827 {offsets = [11], sizes = [1], strides = [1]} : vector<16xi32> to vector<1xi32>
        %squeeze3A_2252 = vector.extract %slice3A_2251[0] : i32 from vector<1xi32>
        %dma_start3A_2253 = arith.constant 11 : i32
        %dma_start3A_2254 = arith.constant 0 : i32
        %dma_start3A_2255 = arith.constant 0 : i32
        %dma_start3A_2256 = tpu.memref_slice %arg11[%sub3A_1820, %dma_start3A_2253, %dma_start3A_2254, %dma_start3A_2255] : memref<2x16x8x64xf32, #tpu.memory_space<vmem>> -> memref<1x1x8x64xf32, #tpu.memory_space<vmem>>
        %dma_start3A_2257 = tpu.memref_squeeze %dma_start3A_2256 : memref<1x1x8x64xf32, #tpu.memory_space<vmem>> -> memref<8x64xf32, #tpu.memory_space<vmem>>
        %dma_start3A_2258 = arith.constant 0 : i32
        %dma_start3A_2259 = arith.constant 0 : i32
        %dma_start3A_2260 = tpu.memref_slice %arg4[%squeeze3A_2252, %dma_start3A_2258, %dma_start3A_2259] : memref<125000x8x64xf32, #tpu.memory_space<hbm>> -> memref<1x8x64xf32, #tpu.memory_space<hbm>>
        %dma_start3A_2261 = tpu.memref_squeeze %dma_start3A_2260 : memref<1x8x64xf32, #tpu.memory_space<hbm>> -> memref<8x64xf32, #tpu.memory_space<hbm>>
        %dma_start3A_2262 = arith.constant 0 : i32
        %dma_start3A_2263 = arith.constant 0 : i32
        %dma_start3A_2264 = tpu.memref_slice %arg11[%sub3A_1820, %dma_start3A_2253, %dma_start3A_2262, %dma_start3A_2263] : memref<2x16x8x64xf32, #tpu.memory_space<vmem>> -> memref<1x1x8x64xf32, #tpu.memory_space<vmem>>
        %dma_start3A_2265 = tpu.memref_squeeze %dma_start3A_2264 : memref<1x1x8x64xf32, #tpu.memory_space<vmem>> -> memref<8x64xf32, #tpu.memory_space<vmem>>
        %dma_start3A_2266 = arith.constant 0 : i32
        %dma_start3A_2267 = arith.constant 0 : i32
        %dma_start3A_2268 = tpu.memref_slice %arg4[%squeeze3A_2252, %dma_start3A_2266, %dma_start3A_2267] : memref<125000x8x64xf32, #tpu.memory_space<hbm>> -> memref<1x8x64xf32, #tpu.memory_space<hbm>>
        %dma_start3A_2269 = tpu.memref_squeeze %dma_start3A_2268 : memref<1x8x64xf32, #tpu.memory_space<hbm>> -> memref<8x64xf32, #tpu.memory_space<hbm>>
        tpu.enqueue_dma source(%dma_start3A_2269 : memref<8x64xf32, #tpu.memory_space<hbm>>) target(%dma_start3A_2265 : memref<8x64xf32, #tpu.memory_space<vmem>>) target_semaphore(%arg16 : memref<!tpu.dma_semaphore, #tpu.memory_space<semaphore_mem>>)
        %slice3A_2270 = vector.extract_strided_slice %shift_right_arithmetic3A_1832 {offsets = [11], sizes = [1], strides = [1]} : vector<16xi32> to vector<1xi32>
        %squeeze3A_2271 = vector.extract %slice3A_2270[0] : i32 from vector<1xi32>
        %dma_start3A_2272 = arith.constant 11 : i32
        %dma_start3A_2273 = arith.constant 0 : i32
        %dma_start3A_2274 = arith.constant 0 : i32
        %dma_start3A_2275 = tpu.memref_slice %arg12[%sub3A_1820, %dma_start3A_2272, %dma_start3A_2273, %dma_start3A_2274] : memref<2x16x8x64xf32, #tpu.memory_space<vmem>> -> memref<1x1x8x64xf32, #tpu.memory_space<vmem>>
        %dma_start3A_2276 = tpu.memref_squeeze %dma_start3A_2275 : memref<1x1x8x64xf32, #tpu.memory_space<vmem>> -> memref<8x64xf32, #tpu.memory_space<vmem>>
        %dma_start3A_2277 = arith.constant 0 : i32
        %dma_start3A_2278 = arith.constant 0 : i32
        %dma_start3A_2279 = tpu.memref_slice %arg5[%squeeze3A_2271, %dma_start3A_2277, %dma_start3A_2278] : memref<12500x8x64xf32, #tpu.memory_space<hbm>> -> memref<1x8x64xf32, #tpu.memory_space<hbm>>
        %dma_start3A_2280 = tpu.memref_squeeze %dma_start3A_2279 : memref<1x8x64xf32, #tpu.memory_space<hbm>> -> memref<8x64xf32, #tpu.memory_space<hbm>>
        %dma_start3A_2281 = arith.constant 0 : i32
        %dma_start3A_2282 = arith.constant 0 : i32
        %dma_start3A_2283 = tpu.memref_slice %arg12[%sub3A_1820, %dma_start3A_2272, %dma_start3A_2281, %dma_start3A_2282] : memref<2x16x8x64xf32, #tpu.memory_space<vmem>> -> memref<1x1x8x64xf32, #tpu.memory_space<vmem>>
        %dma_start3A_2284 = tpu.memref_squeeze %dma_start3A_2283 : memref<1x1x8x64xf32, #tpu.memory_space<vmem>> -> memref<8x64xf32, #tpu.memory_space<vmem>>
        %dma_start3A_2285 = arith.constant 0 : i32
        %dma_start3A_2286 = arith.constant 0 : i32
        %dma_start3A_2287 = tpu.memref_slice %arg5[%squeeze3A_2271, %dma_start3A_2285, %dma_start3A_2286] : memref<12500x8x64xf32, #tpu.memory_space<hbm>> -> memref<1x8x64xf32, #tpu.memory_space<hbm>>
        %dma_start3A_2288 = tpu.memref_squeeze %dma_start3A_2287 : memref<1x8x64xf32, #tpu.memory_space<hbm>> -> memref<8x64xf32, #tpu.memory_space<hbm>>
        tpu.enqueue_dma source(%dma_start3A_2288 : memref<8x64xf32, #tpu.memory_space<hbm>>) target(%dma_start3A_2284 : memref<8x64xf32, #tpu.memory_space<vmem>>) target_semaphore(%arg17 : memref<!tpu.dma_semaphore, #tpu.memory_space<semaphore_mem>>)
        %slice3A_2289 = vector.extract_strided_slice %shift_right_arithmetic3A_1827 {offsets = [12], sizes = [1], strides = [1]} : vector<16xi32> to vector<1xi32>
        %squeeze3A_2290 = vector.extract %slice3A_2289[0] : i32 from vector<1xi32>
        %dma_start3A_2291 = arith.constant 12 : i32
        %dma_start3A_2292 = arith.constant 0 : i32
        %dma_start3A_2293 = arith.constant 0 : i32
        %dma_start3A_2294 = tpu.memref_slice %arg11[%sub3A_1820, %dma_start3A_2291, %dma_start3A_2292, %dma_start3A_2293] : memref<2x16x8x64xf32, #tpu.memory_space<vmem>> -> memref<1x1x8x64xf32, #tpu.memory_space<vmem>>
        %dma_start3A_2295 = tpu.memref_squeeze %dma_start3A_2294 : memref<1x1x8x64xf32, #tpu.memory_space<vmem>> -> memref<8x64xf32, #tpu.memory_space<vmem>>
        %dma_start3A_2296 = arith.constant 0 : i32
        %dma_start3A_2297 = arith.constant 0 : i32
        %dma_start3A_2298 = tpu.memref_slice %arg4[%squeeze3A_2290, %dma_start3A_2296, %dma_start3A_2297] : memref<125000x8x64xf32, #tpu.memory_space<hbm>> -> memref<1x8x64xf32, #tpu.memory_space<hbm>>
        %dma_start3A_2299 = tpu.memref_squeeze %dma_start3A_2298 : memref<1x8x64xf32, #tpu.memory_space<hbm>> -> memref<8x64xf32, #tpu.memory_space<hbm>>
        %dma_start3A_2300 = arith.constant 0 : i32
        %dma_start3A_2301 = arith.constant 0 : i32
        %dma_start3A_2302 = tpu.memref_slice %arg11[%sub3A_1820, %dma_start3A_2291, %dma_start3A_2300, %dma_start3A_2301] : memref<2x16x8x64xf32, #tpu.memory_space<vmem>> -> memref<1x1x8x64xf32, #tpu.memory_space<vmem>>
        %dma_start3A_2303 = tpu.memref_squeeze %dma_start3A_2302 : memref<1x1x8x64xf32, #tpu.memory_space<vmem>> -> memref<8x64xf32, #tpu.memory_space<vmem>>
        %dma_start3A_2304 = arith.constant 0 : i32
        %dma_start3A_2305 = arith.constant 0 : i32
        %dma_start3A_2306 = tpu.memref_slice %arg4[%squeeze3A_2290, %dma_start3A_2304, %dma_start3A_2305] : memref<125000x8x64xf32, #tpu.memory_space<hbm>> -> memref<1x8x64xf32, #tpu.memory_space<hbm>>
        %dma_start3A_2307 = tpu.memref_squeeze %dma_start3A_2306 : memref<1x8x64xf32, #tpu.memory_space<hbm>> -> memref<8x64xf32, #tpu.memory_space<hbm>>
        tpu.enqueue_dma source(%dma_start3A_2307 : memref<8x64xf32, #tpu.memory_space<hbm>>) target(%dma_start3A_2303 : memref<8x64xf32, #tpu.memory_space<vmem>>) target_semaphore(%arg16 : memref<!tpu.dma_semaphore, #tpu.memory_space<semaphore_mem>>)
        %slice3A_2308 = vector.extract_strided_slice %shift_right_arithmetic3A_1832 {offsets = [12], sizes = [1], strides = [1]} : vector<16xi32> to vector<1xi32>
        %squeeze3A_2309 = vector.extract %slice3A_2308[0] : i32 from vector<1xi32>
        %dma_start3A_2310 = arith.constant 12 : i32
        %dma_start3A_2311 = arith.constant 0 : i32
        %dma_start3A_2312 = arith.constant 0 : i32
        %dma_start3A_2313 = tpu.memref_slice %arg12[%sub3A_1820, %dma_start3A_2310, %dma_start3A_2311, %dma_start3A_2312] : memref<2x16x8x64xf32, #tpu.memory_space<vmem>> -> memref<1x1x8x64xf32, #tpu.memory_space<vmem>>
        %dma_start3A_2314 = tpu.memref_squeeze %dma_start3A_2313 : memref<1x1x8x64xf32, #tpu.memory_space<vmem>> -> memref<8x64xf32, #tpu.memory_space<vmem>>
        %dma_start3A_2315 = arith.constant 0 : i32
        %dma_start3A_2316 = arith.constant 0 : i32
        %dma_start3A_2317 = tpu.memref_slice %arg5[%squeeze3A_2309, %dma_start3A_2315, %dma_start3A_2316] : memref<12500x8x64xf32, #tpu.memory_space<hbm>> -> memref<1x8x64xf32, #tpu.memory_space<hbm>>
        %dma_start3A_2318 = tpu.memref_squeeze %dma_start3A_2317 : memref<1x8x64xf32, #tpu.memory_space<hbm>> -> memref<8x64xf32, #tpu.memory_space<hbm>>
        %dma_start3A_2319 = arith.constant 0 : i32
        %dma_start3A_2320 = arith.constant 0 : i32
        %dma_start3A_2321 = tpu.memref_slice %arg12[%sub3A_1820, %dma_start3A_2310, %dma_start3A_2319, %dma_start3A_2320] : memref<2x16x8x64xf32, #tpu.memory_space<vmem>> -> memref<1x1x8x64xf32, #tpu.memory_space<vmem>>
        %dma_start3A_2322 = tpu.memref_squeeze %dma_start3A_2321 : memref<1x1x8x64xf32, #tpu.memory_space<vmem>> -> memref<8x64xf32, #tpu.memory_space<vmem>>
        %dma_start3A_2323 = arith.constant 0 : i32
        %dma_start3A_2324 = arith.constant 0 : i32
        %dma_start3A_2325 = tpu.memref_slice %arg5[%squeeze3A_2309, %dma_start3A_2323, %dma_start3A_2324] : memref<12500x8x64xf32, #tpu.memory_space<hbm>> -> memref<1x8x64xf32, #tpu.memory_space<hbm>>
        %dma_start3A_2326 = tpu.memref_squeeze %dma_start3A_2325 : memref<1x8x64xf32, #tpu.memory_space<hbm>> -> memref<8x64xf32, #tpu.memory_space<hbm>>
        tpu.enqueue_dma source(%dma_start3A_2326 : memref<8x64xf32, #tpu.memory_space<hbm>>) target(%dma_start3A_2322 : memref<8x64xf32, #tpu.memory_space<vmem>>) target_semaphore(%arg17 : memref<!tpu.dma_semaphore, #tpu.memory_space<semaphore_mem>>)
        %slice3A_2327 = vector.extract_strided_slice %shift_right_arithmetic3A_1827 {offsets = [13], sizes = [1], strides = [1]} : vector<16xi32> to vector<1xi32>
        %squeeze3A_2328 = vector.extract %slice3A_2327[0] : i32 from vector<1xi32>
        %dma_start3A_2329 = arith.constant 13 : i32
        %dma_start3A_2330 = arith.constant 0 : i32
        %dma_start3A_2331 = arith.constant 0 : i32
        %dma_start3A_2332 = tpu.memref_slice %arg11[%sub3A_1820, %dma_start3A_2329, %dma_start3A_2330, %dma_start3A_2331] : memref<2x16x8x64xf32, #tpu.memory_space<vmem>> -> memref<1x1x8x64xf32, #tpu.memory_space<vmem>>
        %dma_start3A_2333 = tpu.memref_squeeze %dma_start3A_2332 : memref<1x1x8x64xf32, #tpu.memory_space<vmem>> -> memref<8x64xf32, #tpu.memory_space<vmem>>
        %dma_start3A_2334 = arith.constant 0 : i32
        %dma_start3A_2335 = arith.constant 0 : i32
        %dma_start3A_2336 = tpu.memref_slice %arg4[%squeeze3A_2328, %dma_start3A_2334, %dma_start3A_2335] : memref<125000x8x64xf32, #tpu.memory_space<hbm>> -> memref<1x8x64xf32, #tpu.memory_space<hbm>>
        %dma_start3A_2337 = tpu.memref_squeeze %dma_start3A_2336 : memref<1x8x64xf32, #tpu.memory_space<hbm>> -> memref<8x64xf32, #tpu.memory_space<hbm>>
        %dma_start3A_2338 = arith.constant 0 : i32
        %dma_start3A_2339 = arith.constant 0 : i32
        %dma_start3A_2340 = tpu.memref_slice %arg11[%sub3A_1820, %dma_start3A_2329, %dma_start3A_2338, %dma_start3A_2339] : memref<2x16x8x64xf32, #tpu.memory_space<vmem>> -> memref<1x1x8x64xf32, #tpu.memory_space<vmem>>
        %dma_start3A_2341 = tpu.memref_squeeze %dma_start3A_2340 : memref<1x1x8x64xf32, #tpu.memory_space<vmem>> -> memref<8x64xf32, #tpu.memory_space<vmem>>
        %dma_start3A_2342 = arith.constant 0 : i32
        %dma_start3A_2343 = arith.constant 0 : i32
        %dma_start3A_2344 = tpu.memref_slice %arg4[%squeeze3A_2328, %dma_start3A_2342, %dma_start3A_2343] : memref<125000x8x64xf32, #tpu.memory_space<hbm>> -> memref<1x8x64xf32, #tpu.memory_space<hbm>>
        %dma_start3A_2345 = tpu.memref_squeeze %dma_start3A_2344 : memref<1x8x64xf32, #tpu.memory_space<hbm>> -> memref<8x64xf32, #tpu.memory_space<hbm>>
        tpu.enqueue_dma source(%dma_start3A_2345 : memref<8x64xf32, #tpu.memory_space<hbm>>) target(%dma_start3A_2341 : memref<8x64xf32, #tpu.memory_space<vmem>>) target_semaphore(%arg16 : memref<!tpu.dma_semaphore, #tpu.memory_space<semaphore_mem>>)
        %slice3A_2346 = vector.extract_strided_slice %shift_right_arithmetic3A_1832 {offsets = [13], sizes = [1], strides = [1]} : vector<16xi32> to vector<1xi32>
        %squeeze3A_2347 = vector.extract %slice3A_2346[0] : i32 from vector<1xi32>
        %dma_start3A_2348 = arith.constant 13 : i32
        %dma_start3A_2349 = arith.constant 0 : i32
        %dma_start3A_2350 = arith.constant 0 : i32
        %dma_start3A_2351 = tpu.memref_slice %arg12[%sub3A_1820, %dma_start3A_2348, %dma_start3A_2349, %dma_start3A_2350] : memref<2x16x8x64xf32, #tpu.memory_space<vmem>> -> memref<1x1x8x64xf32, #tpu.memory_space<vmem>>
        %dma_start3A_2352 = tpu.memref_squeeze %dma_start3A_2351 : memref<1x1x8x64xf32, #tpu.memory_space<vmem>> -> memref<8x64xf32, #tpu.memory_space<vmem>>
        %dma_start3A_2353 = arith.constant 0 : i32
        %dma_start3A_2354 = arith.constant 0 : i32
        %dma_start3A_2355 = tpu.memref_slice %arg5[%squeeze3A_2347, %dma_start3A_2353, %dma_start3A_2354] : memref<12500x8x64xf32, #tpu.memory_space<hbm>> -> memref<1x8x64xf32, #tpu.memory_space<hbm>>
        %dma_start3A_2356 = tpu.memref_squeeze %dma_start3A_2355 : memref<1x8x64xf32, #tpu.memory_space<hbm>> -> memref<8x64xf32, #tpu.memory_space<hbm>>
        %dma_start3A_2357 = arith.constant 0 : i32
        %dma_start3A_2358 = arith.constant 0 : i32
        %dma_start3A_2359 = tpu.memref_slice %arg12[%sub3A_1820, %dma_start3A_2348, %dma_start3A_2357, %dma_start3A_2358] : memref<2x16x8x64xf32, #tpu.memory_space<vmem>> -> memref<1x1x8x64xf32, #tpu.memory_space<vmem>>
        %dma_start3A_2360 = tpu.memref_squeeze %dma_start3A_2359 : memref<1x1x8x64xf32, #tpu.memory_space<vmem>> -> memref<8x64xf32, #tpu.memory_space<vmem>>
        %dma_start3A_2361 = arith.constant 0 : i32
        %dma_start3A_2362 = arith.constant 0 : i32
        %dma_start3A_2363 = tpu.memref_slice %arg5[%squeeze3A_2347, %dma_start3A_2361, %dma_start3A_2362] : memref<12500x8x64xf32, #tpu.memory_space<hbm>> -> memref<1x8x64xf32, #tpu.memory_space<hbm>>
        %dma_start3A_2364 = tpu.memref_squeeze %dma_start3A_2363 : memref<1x8x64xf32, #tpu.memory_space<hbm>> -> memref<8x64xf32, #tpu.memory_space<hbm>>
        tpu.enqueue_dma source(%dma_start3A_2364 : memref<8x64xf32, #tpu.memory_space<hbm>>) target(%dma_start3A_2360 : memref<8x64xf32, #tpu.memory_space<vmem>>) target_semaphore(%arg17 : memref<!tpu.dma_semaphore, #tpu.memory_space<semaphore_mem>>)
        %slice3A_2365 = vector.extract_strided_slice %shift_right_arithmetic3A_1827 {offsets = [14], sizes = [1], strides = [1]} : vector<16xi32> to vector<1xi32>
        %squeeze3A_2366 = vector.extract %slice3A_2365[0] : i32 from vector<1xi32>
        %dma_start3A_2367 = arith.constant 14 : i32
        %dma_start3A_2368 = arith.constant 0 : i32
        %dma_start3A_2369 = arith.constant 0 : i32
        %dma_start3A_2370 = tpu.memref_slice %arg11[%sub3A_1820, %dma_start3A_2367, %dma_start3A_2368, %dma_start3A_2369] : memref<2x16x8x64xf32, #tpu.memory_space<vmem>> -> memref<1x1x8x64xf32, #tpu.memory_space<vmem>>
        %dma_start3A_2371 = tpu.memref_squeeze %dma_start3A_2370 : memref<1x1x8x64xf32, #tpu.memory_space<vmem>> -> memref<8x64xf32, #tpu.memory_space<vmem>>
        %dma_start3A_2372 = arith.constant 0 : i32
        %dma_start3A_2373 = arith.constant 0 : i32
        %dma_start3A_2374 = tpu.memref_slice %arg4[%squeeze3A_2366, %dma_start3A_2372, %dma_start3A_2373] : memref<125000x8x64xf32, #tpu.memory_space<hbm>> -> memref<1x8x64xf32, #tpu.memory_space<hbm>>
        %dma_start3A_2375 = tpu.memref_squeeze %dma_start3A_2374 : memref<1x8x64xf32, #tpu.memory_space<hbm>> -> memref<8x64xf32, #tpu.memory_space<hbm>>
        %dma_start3A_2376 = arith.constant 0 : i32
        %dma_start3A_2377 = arith.constant 0 : i32
        %dma_start3A_2378 = tpu.memref_slice %arg11[%sub3A_1820, %dma_start3A_2367, %dma_start3A_2376, %dma_start3A_2377] : memref<2x16x8x64xf32, #tpu.memory_space<vmem>> -> memref<1x1x8x64xf32, #tpu.memory_space<vmem>>
        %dma_start3A_2379 = tpu.memref_squeeze %dma_start3A_2378 : memref<1x1x8x64xf32, #tpu.memory_space<vmem>> -> memref<8x64xf32, #tpu.memory_space<vmem>>
        %dma_start3A_2380 = arith.constant 0 : i32
        %dma_start3A_2381 = arith.constant 0 : i32
        %dma_start3A_2382 = tpu.memref_slice %arg4[%squeeze3A_2366, %dma_start3A_2380, %dma_start3A_2381] : memref<125000x8x64xf32, #tpu.memory_space<hbm>> -> memref<1x8x64xf32, #tpu.memory_space<hbm>>
        %dma_start3A_2383 = tpu.memref_squeeze %dma_start3A_2382 : memref<1x8x64xf32, #tpu.memory_space<hbm>> -> memref<8x64xf32, #tpu.memory_space<hbm>>
        tpu.enqueue_dma source(%dma_start3A_2383 : memref<8x64xf32, #tpu.memory_space<hbm>>) target(%dma_start3A_2379 : memref<8x64xf32, #tpu.memory_space<vmem>>) target_semaphore(%arg16 : memref<!tpu.dma_semaphore, #tpu.memory_space<semaphore_mem>>)
        %slice3A_2384 = vector.extract_strided_slice %shift_right_arithmetic3A_1832 {offsets = [14], sizes = [1], strides = [1]} : vector<16xi32> to vector<1xi32>
        %squeeze3A_2385 = vector.extract %slice3A_2384[0] : i32 from vector<1xi32>
        %dma_start3A_2386 = arith.constant 14 : i32
        %dma_start3A_2387 = arith.constant 0 : i32
        %dma_start3A_2388 = arith.constant 0 : i32
        %dma_start3A_2389 = tpu.memref_slice %arg12[%sub3A_1820, %dma_start3A_2386, %dma_start3A_2387, %dma_start3A_2388] : memref<2x16x8x64xf32, #tpu.memory_space<vmem>> -> memref<1x1x8x64xf32, #tpu.memory_space<vmem>>
        %dma_start3A_2390 = tpu.memref_squeeze %dma_start3A_2389 : memref<1x1x8x64xf32, #tpu.memory_space<vmem>> -> memref<8x64xf32, #tpu.memory_space<vmem>>
        %dma_start3A_2391 = arith.constant 0 : i32
        %dma_start3A_2392 = arith.constant 0 : i32
        %dma_start3A_2393 = tpu.memref_slice %arg5[%squeeze3A_2385, %dma_start3A_2391, %dma_start3A_2392] : memref<12500x8x64xf32, #tpu.memory_space<hbm>> -> memref<1x8x64xf32, #tpu.memory_space<hbm>>
        %dma_start3A_2394 = tpu.memref_squeeze %dma_start3A_2393 : memref<1x8x64xf32, #tpu.memory_space<hbm>> -> memref<8x64xf32, #tpu.memory_space<hbm>>
        %dma_start3A_2395 = arith.constant 0 : i32
        %dma_start3A_2396 = arith.constant 0 : i32
        %dma_start3A_2397 = tpu.memref_slice %arg12[%sub3A_1820, %dma_start3A_2386, %dma_start3A_2395, %dma_start3A_2396] : memref<2x16x8x64xf32, #tpu.memory_space<vmem>> -> memref<1x1x8x64xf32, #tpu.memory_space<vmem>>
        %dma_start3A_2398 = tpu.memref_squeeze %dma_start3A_2397 : memref<1x1x8x64xf32, #tpu.memory_space<vmem>> -> memref<8x64xf32, #tpu.memory_space<vmem>>
        %dma_start3A_2399 = arith.constant 0 : i32
        %dma_start3A_2400 = arith.constant 0 : i32
        %dma_start3A_2401 = tpu.memref_slice %arg5[%squeeze3A_2385, %dma_start3A_2399, %dma_start3A_2400] : memref<12500x8x64xf32, #tpu.memory_space<hbm>> -> memref<1x8x64xf32, #tpu.memory_space<hbm>>
        %dma_start3A_2402 = tpu.memref_squeeze %dma_start3A_2401 : memref<1x8x64xf32, #tpu.memory_space<hbm>> -> memref<8x64xf32, #tpu.memory_space<hbm>>
        tpu.enqueue_dma source(%dma_start3A_2402 : memref<8x64xf32, #tpu.memory_space<hbm>>) target(%dma_start3A_2398 : memref<8x64xf32, #tpu.memory_space<vmem>>) target_semaphore(%arg17 : memref<!tpu.dma_semaphore, #tpu.memory_space<semaphore_mem>>)
        %slice3A_2403 = vector.extract_strided_slice %shift_right_arithmetic3A_1827 {offsets = [15], sizes = [1], strides = [1]} : vector<16xi32> to vector<1xi32>
        %squeeze3A_2404 = vector.extract %slice3A_2403[0] : i32 from vector<1xi32>
        %dma_start3A_2405 = arith.constant 15 : i32
        %dma_start3A_2406 = arith.constant 0 : i32
        %dma_start3A_2407 = arith.constant 0 : i32
        %dma_start3A_2408 = tpu.memref_slice %arg11[%sub3A_1820, %dma_start3A_2405, %dma_start3A_2406, %dma_start3A_2407] : memref<2x16x8x64xf32, #tpu.memory_space<vmem>> -> memref<1x1x8x64xf32, #tpu.memory_space<vmem>>
        %dma_start3A_2409 = tpu.memref_squeeze %dma_start3A_2408 : memref<1x1x8x64xf32, #tpu.memory_space<vmem>> -> memref<8x64xf32, #tpu.memory_space<vmem>>
        %dma_start3A_2410 = arith.constant 0 : i32
        %dma_start3A_2411 = arith.constant 0 : i32
        %dma_start3A_2412 = tpu.memref_slice %arg4[%squeeze3A_2404, %dma_start3A_2410, %dma_start3A_2411] : memref<125000x8x64xf32, #tpu.memory_space<hbm>> -> memref<1x8x64xf32, #tpu.memory_space<hbm>>
        %dma_start3A_2413 = tpu.memref_squeeze %dma_start3A_2412 : memref<1x8x64xf32, #tpu.memory_space<hbm>> -> memref<8x64xf32, #tpu.memory_space<hbm>>
        %dma_start3A_2414 = arith.constant 0 : i32
        %dma_start3A_2415 = arith.constant 0 : i32
        %dma_start3A_2416 = tpu.memref_slice %arg11[%sub3A_1820, %dma_start3A_2405, %dma_start3A_2414, %dma_start3A_2415] : memref<2x16x8x64xf32, #tpu.memory_space<vmem>> -> memref<1x1x8x64xf32, #tpu.memory_space<vmem>>
        %dma_start3A_2417 = tpu.memref_squeeze %dma_start3A_2416 : memref<1x1x8x64xf32, #tpu.memory_space<vmem>> -> memref<8x64xf32, #tpu.memory_space<vmem>>
        %dma_start3A_2418 = arith.constant 0 : i32
        %dma_start3A_2419 = arith.constant 0 : i32
        %dma_start3A_2420 = tpu.memref_slice %arg4[%squeeze3A_2404, %dma_start3A_2418, %dma_start3A_2419] : memref<125000x8x64xf32, #tpu.memory_space<hbm>> -> memref<1x8x64xf32, #tpu.memory_space<hbm>>
        %dma_start3A_2421 = tpu.memref_squeeze %dma_start3A_2420 : memref<1x8x64xf32, #tpu.memory_space<hbm>> -> memref<8x64xf32, #tpu.memory_space<hbm>>
        tpu.enqueue_dma source(%dma_start3A_2421 : memref<8x64xf32, #tpu.memory_space<hbm>>) target(%dma_start3A_2417 : memref<8x64xf32, #tpu.memory_space<vmem>>) target_semaphore(%arg16 : memref<!tpu.dma_semaphore, #tpu.memory_space<semaphore_mem>>)
        %slice3A_2422 = vector.extract_strided_slice %shift_right_arithmetic3A_1832 {offsets = [15], sizes = [1], strides = [1]} : vector<16xi32> to vector<1xi32>
        %squeeze3A_2423 = vector.extract %slice3A_2422[0] : i32 from vector<1xi32>
        %dma_start3A_2424 = arith.constant 15 : i32
        %dma_start3A_2425 = arith.constant 0 : i32
        %dma_start3A_2426 = arith.constant 0 : i32
        %dma_start3A_2427 = tpu.memref_slice %arg12[%sub3A_1820, %dma_start3A_2424, %dma_start3A_2425, %dma_start3A_2426] : memref<2x16x8x64xf32, #tpu.memory_space<vmem>> -> memref<1x1x8x64xf32, #tpu.memory_space<vmem>>
        %dma_start3A_2428 = tpu.memref_squeeze %dma_start3A_2427 : memref<1x1x8x64xf32, #tpu.memory_space<vmem>> -> memref<8x64xf32, #tpu.memory_space<vmem>>
        %dma_start3A_2429 = arith.constant 0 : i32
        %dma_start3A_2430 = arith.constant 0 : i32
        %dma_start3A_2431 = tpu.memref_slice %arg5[%squeeze3A_2423, %dma_start3A_2429, %dma_start3A_2430] : memref<12500x8x64xf32, #tpu.memory_space<hbm>> -> memref<1x8x64xf32, #tpu.memory_space<hbm>>
        %dma_start3A_2432 = tpu.memref_squeeze %dma_start3A_2431 : memref<1x8x64xf32, #tpu.memory_space<hbm>> -> memref<8x64xf32, #tpu.memory_space<hbm>>
        %dma_start3A_2433 = arith.constant 0 : i32
        %dma_start3A_2434 = arith.constant 0 : i32
        %dma_start3A_2435 = tpu.memref_slice %arg12[%sub3A_1820, %dma_start3A_2424, %dma_start3A_2433, %dma_start3A_2434] : memref<2x16x8x64xf32, #tpu.memory_space<vmem>> -> memref<1x1x8x64xf32, #tpu.memory_space<vmem>>
        %dma_start3A_2436 = tpu.memref_squeeze %dma_start3A_2435 : memref<1x1x8x64xf32, #tpu.memory_space<vmem>> -> memref<8x64xf32, #tpu.memory_space<vmem>>
        %dma_start3A_2437 = arith.constant 0 : i32
        %dma_start3A_2438 = arith.constant 0 : i32
        %dma_start3A_2439 = tpu.memref_slice %arg5[%squeeze3A_2423, %dma_start3A_2437, %dma_start3A_2438] : memref<12500x8x64xf32, #tpu.memory_space<hbm>> -> memref<1x8x64xf32, #tpu.memory_space<hbm>>
        %dma_start3A_2440 = tpu.memref_squeeze %dma_start3A_2439 : memref<1x8x64xf32, #tpu.memory_space<hbm>> -> memref<8x64xf32, #tpu.memory_space<hbm>>
        tpu.enqueue_dma source(%dma_start3A_2440 : memref<8x64xf32, #tpu.memory_space<hbm>>) target(%dma_start3A_2436 : memref<8x64xf32, #tpu.memory_space<vmem>>) target_semaphore(%arg17 : memref<!tpu.dma_semaphore, #tpu.memory_space<semaphore_mem>>)
      } else {
      }
      %dma_wait3A_664 = arith.constant 0 : i32
      %dma_wait3A_665 = arith.constant 0 : i32
      %dma_wait3A_666 = arith.constant 0 : i32
      %dma_wait3A_667 = tpu.memref_slice %arg11[%and3A_661, %dma_wait3A_664, %dma_wait3A_665, %dma_wait3A_666] : memref<2x16x8x64xf32, #tpu.memory_space<vmem>> -> memref<1x16x8x64xf32, #tpu.memory_space<vmem>>
      %dma_wait3A_668 = tpu.memref_squeeze %dma_wait3A_667 : memref<1x16x8x64xf32, #tpu.memory_space<vmem>> -> memref<16x8x64xf32, #tpu.memory_space<vmem>>
      %dma_wait3A_669 = arith.constant 0 : i32
      %dma_wait3A_670 = arith.constant 0 : i32
      %dma_wait3A_671 = arith.constant 0 : i32
      %dma_wait3A_672 = tpu.memref_slice %arg4[%dma_wait3A_669, %dma_wait3A_670, %dma_wait3A_671] : memref<125000x8x64xf32, #tpu.memory_space<hbm>> -> memref<16x8x64xf32, #tpu.memory_space<hbm>>
      %dma_wait3A_673 = arith.constant 0 : i32
      %dma_wait3A_674 = arith.constant 0 : i32
      %dma_wait3A_675 = arith.constant 0 : i32
      %dma_wait3A_676 = tpu.memref_slice %arg11[%and3A_661, %dma_wait3A_673, %dma_wait3A_674, %dma_wait3A_675] : memref<2x16x8x64xf32, #tpu.memory_space<vmem>> -> memref<1x16x8x64xf32, #tpu.memory_space<vmem>>
      %dma_wait3A_677 = tpu.memref_squeeze %dma_wait3A_676 : memref<1x16x8x64xf32, #tpu.memory_space<vmem>> -> memref<16x8x64xf32, #tpu.memory_space<vmem>>
      %dma_wait3A_678 = arith.constant 0 : i32
      %dma_wait3A_679 = arith.constant 0 : i32
      %dma_wait3A_680 = arith.constant 0 : i32
      %dma_wait3A_681 = tpu.memref_slice %arg4[%dma_wait3A_678, %dma_wait3A_679, %dma_wait3A_680] : memref<125000x8x64xf32, #tpu.memory_space<hbm>> -> memref<16x8x64xf32, #tpu.memory_space<hbm>>
      tpu.wait_dma2 semaphore(%arg16 : memref<!tpu.dma_semaphore, #tpu.memory_space<semaphore_mem>>) src(%dma_wait3A_681 : memref<16x8x64xf32, #tpu.memory_space<hbm>>) dst(%dma_wait3A_677 : memref<16x8x64xf32, #tpu.memory_space<vmem>>)
      %dma_wait3A_682 = arith.constant 0 : i32
      %dma_wait3A_683 = arith.constant 0 : i32
      %dma_wait3A_684 = arith.constant 0 : i32
      %dma_wait3A_685 = tpu.memref_slice %arg12[%and3A_661, %dma_wait3A_682, %dma_wait3A_683, %dma_wait3A_684] : memref<2x16x8x64xf32, #tpu.memory_space<vmem>> -> memref<1x16x8x64xf32, #tpu.memory_space<vmem>>
      %dma_wait3A_686 = tpu.memref_squeeze %dma_wait3A_685 : memref<1x16x8x64xf32, #tpu.memory_space<vmem>> -> memref<16x8x64xf32, #tpu.memory_space<vmem>>
      %dma_wait3A_687 = arith.constant 0 : i32
      %dma_wait3A_688 = arith.constant 0 : i32
      %dma_wait3A_689 = arith.constant 0 : i32
      %dma_wait3A_690 = tpu.memref_slice %arg5[%dma_wait3A_687, %dma_wait3A_688, %dma_wait3A_689] : memref<12500x8x64xf32, #tpu.memory_space<hbm>> -> memref<16x8x64xf32, #tpu.memory_space<hbm>>
      %dma_wait3A_691 = arith.constant 0 : i32
      %dma_wait3A_692 = arith.constant 0 : i32
      %dma_wait3A_693 = arith.constant 0 : i32
      %dma_wait3A_694 = tpu.memref_slice %arg12[%and3A_661, %dma_wait3A_691, %dma_wait3A_692, %dma_wait3A_693] : memref<2x16x8x64xf32, #tpu.memory_space<vmem>> -> memref<1x16x8x64xf32, #tpu.memory_space<vmem>>
      %dma_wait3A_695 = tpu.memref_squeeze %dma_wait3A_694 : memref<1x16x8x64xf32, #tpu.memory_space<vmem>> -> memref<16x8x64xf32, #tpu.memory_space<vmem>>
      %dma_wait3A_696 = arith.constant 0 : i32
      %dma_wait3A_697 = arith.constant 0 : i32
      %dma_wait3A_698 = arith.constant 0 : i32
      %dma_wait3A_699 = tpu.memref_slice %arg5[%dma_wait3A_696, %dma_wait3A_697, %dma_wait3A_698] : memref<12500x8x64xf32, #tpu.memory_space<hbm>> -> memref<16x8x64xf32, #tpu.memory_space<hbm>>
      tpu.wait_dma2 semaphore(%arg17 : memref<!tpu.dma_semaphore, #tpu.memory_space<semaphore_mem>>) src(%dma_wait3A_699 : memref<16x8x64xf32, #tpu.memory_space<hbm>>) dst(%dma_wait3A_695 : memref<16x8x64xf32, #tpu.memory_space<vmem>>)
      %mul3A_700 = arith.constant 16 : i32
      %mul3A_701 = arith.muli %scan3A_660, %mul3A_700 : i32
      %get3A_702 = arith.index_cast %mul3A_701 : i32 to index
      %get3A_703 = tpu.vector_load %arg9[%get3A_702] {strides = array<i32>} : memref<512xi32, #tpu.memory_space<vmem>>, vector<16xi32>,
      %and3A_704 = arith.constant 7 : i32
      %and3A_705 = vector.broadcast %and3A_704 : i32 to vector<16xi32>
      %and3A_706 = arith.andi %get3A_703, %and3A_705 : vector<16xi32>
      %get3A_707 = arith.index_cast %mul3A_701 : i32 to index
      %get3A_708 = tpu.vector_load %arg10[%get3A_707] {strides = array<i32>} : memref<512xi32, #tpu.memory_space<vmem>>, vector<16xi32>,
      %and3A_709 = arith.constant 7 : i32
      %and3A_710 = vector.broadcast %and3A_709 : i32 to vector<16xi32>
      %and3A_711 = arith.andi %get3A_708, %and3A_710 : vector<16xi32>
      %broadcast_in_dim3A = arith.constant 0.000000e+00 : f32
      %broadcast_in_dim3A_712 = vector.broadcast %broadcast_in_dim3A : f32 to vector<16xf32>
      %slice3A_713 = vector.extract_strided_slice %and3A_706 {offsets = [0], sizes = [1], strides = [1]} : vector<16xi32> to vector<1xi32>
      %squeeze3A_714 = vector.extract %slice3A_713[0] : i32 from vector<1xi32>
      %slice3A_715 = vector.extract_strided_slice %and3A_711 {offsets = [0], sizes = [1], strides = [1]} : vector<16xi32> to vector<1xi32>
      %squeeze3A_716 = vector.extract %slice3A_715[0] : i32 from vector<1xi32>
      %get3A_717 = arith.constant 0 : i32
      %get3A_718 = arith.index_cast %and3A_661 : i32 to index
      %get3A_719 = arith.index_cast %get3A_717 : i32 to index
      %get3A_720 = arith.index_cast %squeeze3A_714 : i32 to index
      %get3A_721 = arith.constant 0 : index
      %get3A_722 = tpu.vector_load %arg11[%get3A_718, %get3A_719, %get3A_720, %get3A_721] {strides = array<i32>} : memref<2x16x8x64xf32, #tpu.memory_space<vmem>>, vector<16xf32>,
      %get3A_723 = arith.constant 0 : i32
      %get3A_724 = arith.index_cast %and3A_661 : i32 to index
      %get3A_725 = arith.index_cast %get3A_723 : i32 to index
      %get3A_726 = arith.index_cast %squeeze3A_716 : i32 to index
      %get3A_727 = arith.constant 0 : index
      %get3A_728 = tpu.vector_load %arg12[%get3A_724, %get3A_725, %get3A_726, %get3A_727] {strides = array<i32>} : memref<2x16x8x64xf32, #tpu.memory_space<vmem>>, vector<16xf32>,
      %mul3A_729 = arith.mulf %get3A_722, %get3A_728 : vector<16xf32>
      %get3A_730 = arith.constant 0 : i32
      %get3A_731 = arith.index_cast %and3A_661 : i32 to index
      %get3A_732 = arith.index_cast %get3A_730 : i32 to index
      %get3A_733 = arith.index_cast %squeeze3A_714 : i32 to index
      %get3A_734 = arith.constant 16 : index
      %get3A_735 = tpu.vector_load %arg11[%get3A_731, %get3A_732, %get3A_733, %get3A_734] {strides = array<i32>} : memref<2x16x8x64xf32, #tpu.memory_space<vmem>>, vector<16xf32>,
      %get3A_736 = arith.constant 0 : i32
      %get3A_737 = arith.index_cast %and3A_661 : i32 to index
      %get3A_738 = arith.index_cast %get3A_736 : i32 to index
      %get3A_739 = arith.index_cast %squeeze3A_716 : i32 to index
      %get3A_740 = arith.constant 16 : index
      %get3A_741 = tpu.vector_load %arg12[%get3A_737, %get3A_738, %get3A_739, %get3A_740] {strides = array<i32>} : memref<2x16x8x64xf32, #tpu.memory_space<vmem>>, vector<16xf32>,
      %mul3A_742 = arith.mulf %get3A_735, %get3A_741 : vector<16xf32>
      %add3A_743 = arith.addf %mul3A_729, %mul3A_742 : vector<16xf32>
      %get3A_744 = arith.constant 0 : i32
      %get3A_745 = arith.index_cast %and3A_661 : i32 to index
      %get3A_746 = arith.index_cast %get3A_744 : i32 to index
      %get3A_747 = arith.index_cast %squeeze3A_714 : i32 to index
      %get3A_748 = arith.constant 32 : index
      %get3A_749 = tpu.vector_load %arg11[%get3A_745, %get3A_746, %get3A_747, %get3A_748] {strides = array<i32>} : memref<2x16x8x64xf32, #tpu.memory_space<vmem>>, vector<16xf32>,
      %get3A_750 = arith.constant 0 : i32
      %get3A_751 = arith.index_cast %and3A_661 : i32 to index
      %get3A_752 = arith.index_cast %get3A_750 : i32 to index
      %get3A_753 = arith.index_cast %squeeze3A_716 : i32 to index
      %get3A_754 = arith.constant 32 : index
      %get3A_755 = tpu.vector_load %arg12[%get3A_751, %get3A_752, %get3A_753, %get3A_754] {strides = array<i32>} : memref<2x16x8x64xf32, #tpu.memory_space<vmem>>, vector<16xf32>,
      %mul3A_756 = arith.mulf %get3A_749, %get3A_755 : vector<16xf32>
      %add3A_757 = arith.addf %add3A_743, %mul3A_756 : vector<16xf32>
      %get3A_758 = arith.constant 0 : i32
      %get3A_759 = arith.index_cast %and3A_661 : i32 to index
      %get3A_760 = arith.index_cast %get3A_758 : i32 to index
      %get3A_761 = arith.index_cast %squeeze3A_714 : i32 to index
      %get3A_762 = arith.constant 48 : index
      %get3A_763 = tpu.vector_load %arg11[%get3A_759, %get3A_760, %get3A_761, %get3A_762] {strides = array<i32>} : memref<2x16x8x64xf32, #tpu.memory_space<vmem>>, vector<16xf32>,
      %get3A_764 = arith.constant 0 : i32
      %get3A_765 = arith.index_cast %and3A_661 : i32 to index
      %get3A_766 = arith.index_cast %get3A_764 : i32 to index
      %get3A_767 = arith.index_cast %squeeze3A_716 : i32 to index
      %get3A_768 = arith.constant 48 : index
      %get3A_769 = tpu.vector_load %arg12[%get3A_765, %get3A_766, %get3A_767, %get3A_768] {strides = array<i32>} : memref<2x16x8x64xf32, #tpu.memory_space<vmem>>, vector<16xf32>,
      %mul3A_770 = arith.mulf %get3A_763, %get3A_769 : vector<16xf32>
      %add3A_771 = arith.addf %add3A_757, %mul3A_770 : vector<16xf32>
      %eq3A = arith.constant 0 : i32
      %eq3A_772 = vector.broadcast %eq3A : i32 to vector<16xi32>
      %eq3A_773 = arith.cmpi eq, %iota3A, %eq3A_772 : vector<16xi32>
      %reduce_sum3A = arith.constant true
      %reduce_sum3A_774 = vector.broadcast %reduce_sum3A : i1 to vector<16xi1>
      %reduce_sum3A_775 = tpu.scan <sum>, %add3A_771 masked %reduce_sum3A_774 : vector<16xf32>, vector<16xi1> -> vector<16xf32>
      %reduce_sum3A_776 = vector.extract %reduce_sum3A_775[15] : f32 from vector<16xf32>
      %broadcast_in_dim3A_777 = vector.broadcast %reduce_sum3A_776 : f32 to vector<16xf32>
      %select_n3A = arith.select %eq3A_773, %broadcast_in_dim3A_777, %broadcast_in_dim3A_712 : vector<16xi1>, vector<16xf32>
      %slice3A_778 = vector.extract_strided_slice %and3A_706 {offsets = [1], sizes = [1], strides = [1]} : vector<16xi32> to vector<1xi32>
      %squeeze3A_779 = vector.extract %slice3A_778[0] : i32 from vector<1xi32>
      %slice3A_780 = vector.extract_strided_slice %and3A_711 {offsets = [1], sizes = [1], strides = [1]} : vector<16xi32> to vector<1xi32>
      %squeeze3A_781 = vector.extract %slice3A_780[0] : i32 from vector<1xi32>
      %get3A_782 = arith.constant 1 : i32
      %get3A_783 = arith.index_cast %and3A_661 : i32 to index
      %get3A_784 = arith.index_cast %get3A_782 : i32 to index
      %get3A_785 = arith.index_cast %squeeze3A_779 : i32 to index
      %get3A_786 = arith.constant 0 : index
      %get3A_787 = tpu.vector_load %arg11[%get3A_783, %get3A_784, %get3A_785, %get3A_786] {strides = array<i32>} : memref<2x16x8x64xf32, #tpu.memory_space<vmem>>, vector<16xf32>,
      %get3A_788 = arith.constant 1 : i32
      %get3A_789 = arith.index_cast %and3A_661 : i32 to index
      %get3A_790 = arith.index_cast %get3A_788 : i32 to index
      %get3A_791 = arith.index_cast %squeeze3A_781 : i32 to index
      %get3A_792 = arith.constant 0 : index
      %get3A_793 = tpu.vector_load %arg12[%get3A_789, %get3A_790, %get3A_791, %get3A_792] {strides = array<i32>} : memref<2x16x8x64xf32, #tpu.memory_space<vmem>>, vector<16xf32>,
      %mul3A_794 = arith.mulf %get3A_787, %get3A_793 : vector<16xf32>
      %get3A_795 = arith.constant 1 : i32
      %get3A_796 = arith.index_cast %and3A_661 : i32 to index
      %get3A_797 = arith.index_cast %get3A_795 : i32 to index
      %get3A_798 = arith.index_cast %squeeze3A_779 : i32 to index
      %get3A_799 = arith.constant 16 : index
      %get3A_800 = tpu.vector_load %arg11[%get3A_796, %get3A_797, %get3A_798, %get3A_799] {strides = array<i32>} : memref<2x16x8x64xf32, #tpu.memory_space<vmem>>, vector<16xf32>,
      %get3A_801 = arith.constant 1 : i32
      %get3A_802 = arith.index_cast %and3A_661 : i32 to index
      %get3A_803 = arith.index_cast %get3A_801 : i32 to index
      %get3A_804 = arith.index_cast %squeeze3A_781 : i32 to index
      %get3A_805 = arith.constant 16 : index
      %get3A_806 = tpu.vector_load %arg12[%get3A_802, %get3A_803, %get3A_804, %get3A_805] {strides = array<i32>} : memref<2x16x8x64xf32, #tpu.memory_space<vmem>>, vector<16xf32>,
      %mul3A_807 = arith.mulf %get3A_800, %get3A_806 : vector<16xf32>
      %add3A_808 = arith.addf %mul3A_794, %mul3A_807 : vector<16xf32>
      %get3A_809 = arith.constant 1 : i32
      %get3A_810 = arith.index_cast %and3A_661 : i32 to index
      %get3A_811 = arith.index_cast %get3A_809 : i32 to index
      %get3A_812 = arith.index_cast %squeeze3A_779 : i32 to index
      %get3A_813 = arith.constant 32 : index
      %get3A_814 = tpu.vector_load %arg11[%get3A_810, %get3A_811, %get3A_812, %get3A_813] {strides = array<i32>} : memref<2x16x8x64xf32, #tpu.memory_space<vmem>>, vector<16xf32>,
      %get3A_815 = arith.constant 1 : i32
      %get3A_816 = arith.index_cast %and3A_661 : i32 to index
      %get3A_817 = arith.index_cast %get3A_815 : i32 to index
      %get3A_818 = arith.index_cast %squeeze3A_781 : i32 to index
      %get3A_819 = arith.constant 32 : index
      %get3A_820 = tpu.vector_load %arg12[%get3A_816, %get3A_817, %get3A_818, %get3A_819] {strides = array<i32>} : memref<2x16x8x64xf32, #tpu.memory_space<vmem>>, vector<16xf32>,
      %mul3A_821 = arith.mulf %get3A_814, %get3A_820 : vector<16xf32>
      %add3A_822 = arith.addf %add3A_808, %mul3A_821 : vector<16xf32>
      %get3A_823 = arith.constant 1 : i32
      %get3A_824 = arith.index_cast %and3A_661 : i32 to index
      %get3A_825 = arith.index_cast %get3A_823 : i32 to index
      %get3A_826 = arith.index_cast %squeeze3A_779 : i32 to index
      %get3A_827 = arith.constant 48 : index
      %get3A_828 = tpu.vector_load %arg11[%get3A_824, %get3A_825, %get3A_826, %get3A_827] {strides = array<i32>} : memref<2x16x8x64xf32, #tpu.memory_space<vmem>>, vector<16xf32>,
      %get3A_829 = arith.constant 1 : i32
      %get3A_830 = arith.index_cast %and3A_661 : i32 to index
      %get3A_831 = arith.index_cast %get3A_829 : i32 to index
      %get3A_832 = arith.index_cast %squeeze3A_781 : i32 to index
      %get3A_833 = arith.constant 48 : index
      %get3A_834 = tpu.vector_load %arg12[%get3A_830, %get3A_831, %get3A_832, %get3A_833] {strides = array<i32>} : memref<2x16x8x64xf32, #tpu.memory_space<vmem>>, vector<16xf32>,
      %mul3A_835 = arith.mulf %get3A_828, %get3A_834 : vector<16xf32>
      %add3A_836 = arith.addf %add3A_822, %mul3A_835 : vector<16xf32>
      %eq3A_837 = arith.constant 1 : i32
      %eq3A_838 = vector.broadcast %eq3A_837 : i32 to vector<16xi32>
      %eq3A_839 = arith.cmpi eq, %iota3A, %eq3A_838 : vector<16xi32>
      %reduce_sum3A_840 = arith.constant true
      %reduce_sum3A_841 = vector.broadcast %reduce_sum3A_840 : i1 to vector<16xi1>
      %reduce_sum3A_842 = tpu.scan <sum>, %add3A_836 masked %reduce_sum3A_841 : vector<16xf32>, vector<16xi1> -> vector<16xf32>
      %reduce_sum3A_843 = vector.extract %reduce_sum3A_842[15] : f32 from vector<16xf32>
      %broadcast_in_dim3A_844 = vector.broadcast %reduce_sum3A_843 : f32 to vector<16xf32>
      %select_n3A_845 = arith.select %eq3A_839, %broadcast_in_dim3A_844, %select_n3A : vector<16xi1>, vector<16xf32>
      %slice3A_846 = vector.extract_strided_slice %and3A_706 {offsets = [2], sizes = [1], strides = [1]} : vector<16xi32> to vector<1xi32>
      %squeeze3A_847 = vector.extract %slice3A_846[0] : i32 from vector<1xi32>
      %slice3A_848 = vector.extract_strided_slice %and3A_711 {offsets = [2], sizes = [1], strides = [1]} : vector<16xi32> to vector<1xi32>
      %squeeze3A_849 = vector.extract %slice3A_848[0] : i32 from vector<1xi32>
      %get3A_850 = arith.constant 2 : i32
      %get3A_851 = arith.index_cast %and3A_661 : i32 to index
      %get3A_852 = arith.index_cast %get3A_850 : i32 to index
      %get3A_853 = arith.index_cast %squeeze3A_847 : i32 to index
      %get3A_854 = arith.constant 0 : index
      %get3A_855 = tpu.vector_load %arg11[%get3A_851, %get3A_852, %get3A_853, %get3A_854] {strides = array<i32>} : memref<2x16x8x64xf32, #tpu.memory_space<vmem>>, vector<16xf32>,
      %get3A_856 = arith.constant 2 : i32
      %get3A_857 = arith.index_cast %and3A_661 : i32 to index
      %get3A_858 = arith.index_cast %get3A_856 : i32 to index
      %get3A_859 = arith.index_cast %squeeze3A_849 : i32 to index
      %get3A_860 = arith.constant 0 : index
      %get3A_861 = tpu.vector_load %arg12[%get3A_857, %get3A_858, %get3A_859, %get3A_860] {strides = array<i32>} : memref<2x16x8x64xf32, #tpu.memory_space<vmem>>, vector<16xf32>,
      %mul3A_862 = arith.mulf %get3A_855, %get3A_861 : vector<16xf32>
      %get3A_863 = arith.constant 2 : i32
      %get3A_864 = arith.index_cast %and3A_661 : i32 to index
      %get3A_865 = arith.index_cast %get3A_863 : i32 to index
      %get3A_866 = arith.index_cast %squeeze3A_847 : i32 to index
      %get3A_867 = arith.constant 16 : index
      %get3A_868 = tpu.vector_load %arg11[%get3A_864, %get3A_865, %get3A_866, %get3A_867] {strides = array<i32>} : memref<2x16x8x64xf32, #tpu.memory_space<vmem>>, vector<16xf32>,
      %get3A_869 = arith.constant 2 : i32
      %get3A_870 = arith.index_cast %and3A_661 : i32 to index
      %get3A_871 = arith.index_cast %get3A_869 : i32 to index
      %get3A_872 = arith.index_cast %squeeze3A_849 : i32 to index
      %get3A_873 = arith.constant 16 : index
      %get3A_874 = tpu.vector_load %arg12[%get3A_870, %get3A_871, %get3A_872, %get3A_873] {strides = array<i32>} : memref<2x16x8x64xf32, #tpu.memory_space<vmem>>, vector<16xf32>,
      %mul3A_875 = arith.mulf %get3A_868, %get3A_874 : vector<16xf32>
      %add3A_876 = arith.addf %mul3A_862, %mul3A_875 : vector<16xf32>
      %get3A_877 = arith.constant 2 : i32
      %get3A_878 = arith.index_cast %and3A_661 : i32 to index
      %get3A_879 = arith.index_cast %get3A_877 : i32 to index
      %get3A_880 = arith.index_cast %squeeze3A_847 : i32 to index
      %get3A_881 = arith.constant 32 : index
      %get3A_882 = tpu.vector_load %arg11[%get3A_878, %get3A_879, %get3A_880, %get3A_881] {strides = array<i32>} : memref<2x16x8x64xf32, #tpu.memory_space<vmem>>, vector<16xf32>,
      %get3A_883 = arith.constant 2 : i32
      %get3A_884 = arith.index_cast %and3A_661 : i32 to index
      %get3A_885 = arith.index_cast %get3A_883 : i32 to index
      %get3A_886 = arith.index_cast %squeeze3A_849 : i32 to index
      %get3A_887 = arith.constant 32 : index
      %get3A_888 = tpu.vector_load %arg12[%get3A_884, %get3A_885, %get3A_886, %get3A_887] {strides = array<i32>} : memref<2x16x8x64xf32, #tpu.memory_space<vmem>>, vector<16xf32>,
      %mul3A_889 = arith.mulf %get3A_882, %get3A_888 : vector<16xf32>
      %add3A_890 = arith.addf %add3A_876, %mul3A_889 : vector<16xf32>
      %get3A_891 = arith.constant 2 : i32
      %get3A_892 = arith.index_cast %and3A_661 : i32 to index
      %get3A_893 = arith.index_cast %get3A_891 : i32 to index
      %get3A_894 = arith.index_cast %squeeze3A_847 : i32 to index
      %get3A_895 = arith.constant 48 : index
      %get3A_896 = tpu.vector_load %arg11[%get3A_892, %get3A_893, %get3A_894, %get3A_895] {strides = array<i32>} : memref<2x16x8x64xf32, #tpu.memory_space<vmem>>, vector<16xf32>,
      %get3A_897 = arith.constant 2 : i32
      %get3A_898 = arith.index_cast %and3A_661 : i32 to index
      %get3A_899 = arith.index_cast %get3A_897 : i32 to index
      %get3A_900 = arith.index_cast %squeeze3A_849 : i32 to index
      %get3A_901 = arith.constant 48 : index
      %get3A_902 = tpu.vector_load %arg12[%get3A_898, %get3A_899, %get3A_900, %get3A_901] {strides = array<i32>} : memref<2x16x8x64xf32, #tpu.memory_space<vmem>>, vector<16xf32>,
      %mul3A_903 = arith.mulf %get3A_896, %get3A_902 : vector<16xf32>
      %add3A_904 = arith.addf %add3A_890, %mul3A_903 : vector<16xf32>
      %eq3A_905 = arith.constant 2 : i32
      %eq3A_906 = vector.broadcast %eq3A_905 : i32 to vector<16xi32>
      %eq3A_907 = arith.cmpi eq, %iota3A, %eq3A_906 : vector<16xi32>
      %reduce_sum3A_908 = arith.constant true
      %reduce_sum3A_909 = vector.broadcast %reduce_sum3A_908 : i1 to vector<16xi1>
      %reduce_sum3A_910 = tpu.scan <sum>, %add3A_904 masked %reduce_sum3A_909 : vector<16xf32>, vector<16xi1> -> vector<16xf32>
      %reduce_sum3A_911 = vector.extract %reduce_sum3A_910[15] : f32 from vector<16xf32>
      %broadcast_in_dim3A_912 = vector.broadcast %reduce_sum3A_911 : f32 to vector<16xf32>
      %select_n3A_913 = arith.select %eq3A_907, %broadcast_in_dim3A_912, %select_n3A_845 : vector<16xi1>, vector<16xf32>
      %slice3A_914 = vector.extract_strided_slice %and3A_706 {offsets = [3], sizes = [1], strides = [1]} : vector<16xi32> to vector<1xi32>
      %squeeze3A_915 = vector.extract %slice3A_914[0] : i32 from vector<1xi32>
      %slice3A_916 = vector.extract_strided_slice %and3A_711 {offsets = [3], sizes = [1], strides = [1]} : vector<16xi32> to vector<1xi32>
      %squeeze3A_917 = vector.extract %slice3A_916[0] : i32 from vector<1xi32>
      %get3A_918 = arith.constant 3 : i32
      %get3A_919 = arith.index_cast %and3A_661 : i32 to index
      %get3A_920 = arith.index_cast %get3A_918 : i32 to index
      %get3A_921 = arith.index_cast %squeeze3A_915 : i32 to index
      %get3A_922 = arith.constant 0 : index
      %get3A_923 = tpu.vector_load %arg11[%get3A_919, %get3A_920, %get3A_921, %get3A_922] {strides = array<i32>} : memref<2x16x8x64xf32, #tpu.memory_space<vmem>>, vector<16xf32>,
      %get3A_924 = arith.constant 3 : i32
      %get3A_925 = arith.index_cast %and3A_661 : i32 to index
      %get3A_926 = arith.index_cast %get3A_924 : i32 to index
      %get3A_927 = arith.index_cast %squeeze3A_917 : i32 to index
      %get3A_928 = arith.constant 0 : index
      %get3A_929 = tpu.vector_load %arg12[%get3A_925, %get3A_926, %get3A_927, %get3A_928] {strides = array<i32>} : memref<2x16x8x64xf32, #tpu.memory_space<vmem>>, vector<16xf32>,
      %mul3A_930 = arith.mulf %get3A_923, %get3A_929 : vector<16xf32>
      %get3A_931 = arith.constant 3 : i32
      %get3A_932 = arith.index_cast %and3A_661 : i32 to index
      %get3A_933 = arith.index_cast %get3A_931 : i32 to index
      %get3A_934 = arith.index_cast %squeeze3A_915 : i32 to index
      %get3A_935 = arith.constant 16 : index
      %get3A_936 = tpu.vector_load %arg11[%get3A_932, %get3A_933, %get3A_934, %get3A_935] {strides = array<i32>} : memref<2x16x8x64xf32, #tpu.memory_space<vmem>>, vector<16xf32>,
      %get3A_937 = arith.constant 3 : i32
      %get3A_938 = arith.index_cast %and3A_661 : i32 to index
      %get3A_939 = arith.index_cast %get3A_937 : i32 to index
      %get3A_940 = arith.index_cast %squeeze3A_917 : i32 to index
      %get3A_941 = arith.constant 16 : index
      %get3A_942 = tpu.vector_load %arg12[%get3A_938, %get3A_939, %get3A_940, %get3A_941] {strides = array<i32>} : memref<2x16x8x64xf32, #tpu.memory_space<vmem>>, vector<16xf32>,
      %mul3A_943 = arith.mulf %get3A_936, %get3A_942 : vector<16xf32>
      %add3A_944 = arith.addf %mul3A_930, %mul3A_943 : vector<16xf32>
      %get3A_945 = arith.constant 3 : i32
      %get3A_946 = arith.index_cast %and3A_661 : i32 to index
      %get3A_947 = arith.index_cast %get3A_945 : i32 to index
      %get3A_948 = arith.index_cast %squeeze3A_915 : i32 to index
      %get3A_949 = arith.constant 32 : index
      %get3A_950 = tpu.vector_load %arg11[%get3A_946, %get3A_947, %get3A_948, %get3A_949] {strides = array<i32>} : memref<2x16x8x64xf32, #tpu.memory_space<vmem>>, vector<16xf32>,
      %get3A_951 = arith.constant 3 : i32
      %get3A_952 = arith.index_cast %and3A_661 : i32 to index
      %get3A_953 = arith.index_cast %get3A_951 : i32 to index
      %get3A_954 = arith.index_cast %squeeze3A_917 : i32 to index
      %get3A_955 = arith.constant 32 : index
      %get3A_956 = tpu.vector_load %arg12[%get3A_952, %get3A_953, %get3A_954, %get3A_955] {strides = array<i32>} : memref<2x16x8x64xf32, #tpu.memory_space<vmem>>, vector<16xf32>,
      %mul3A_957 = arith.mulf %get3A_950, %get3A_956 : vector<16xf32>
      %add3A_958 = arith.addf %add3A_944, %mul3A_957 : vector<16xf32>
      %get3A_959 = arith.constant 3 : i32
      %get3A_960 = arith.index_cast %and3A_661 : i32 to index
      %get3A_961 = arith.index_cast %get3A_959 : i32 to index
      %get3A_962 = arith.index_cast %squeeze3A_915 : i32 to index
      %get3A_963 = arith.constant 48 : index
      %get3A_964 = tpu.vector_load %arg11[%get3A_960, %get3A_961, %get3A_962, %get3A_963] {strides = array<i32>} : memref<2x16x8x64xf32, #tpu.memory_space<vmem>>, vector<16xf32>,
      %get3A_965 = arith.constant 3 : i32
      %get3A_966 = arith.index_cast %and3A_661 : i32 to index
      %get3A_967 = arith.index_cast %get3A_965 : i32 to index
      %get3A_968 = arith.index_cast %squeeze3A_917 : i32 to index
      %get3A_969 = arith.constant 48 : index
      %get3A_970 = tpu.vector_load %arg12[%get3A_966, %get3A_967, %get3A_968, %get3A_969] {strides = array<i32>} : memref<2x16x8x64xf32, #tpu.memory_space<vmem>>, vector<16xf32>,
      %mul3A_971 = arith.mulf %get3A_964, %get3A_970 : vector<16xf32>
      %add3A_972 = arith.addf %add3A_958, %mul3A_971 : vector<16xf32>
      %eq3A_973 = arith.constant 3 : i32
      %eq3A_974 = vector.broadcast %eq3A_973 : i32 to vector<16xi32>
      %eq3A_975 = arith.cmpi eq, %iota3A, %eq3A_974 : vector<16xi32>
      %reduce_sum3A_976 = arith.constant true
      %reduce_sum3A_977 = vector.broadcast %reduce_sum3A_976 : i1 to vector<16xi1>
      %reduce_sum3A_978 = tpu.scan <sum>, %add3A_972 masked %reduce_sum3A_977 : vector<16xf32>, vector<16xi1> -> vector<16xf32>
      %reduce_sum3A_979 = vector.extract %reduce_sum3A_978[15] : f32 from vector<16xf32>
      %broadcast_in_dim3A_980 = vector.broadcast %reduce_sum3A_979 : f32 to vector<16xf32>
      %select_n3A_981 = arith.select %eq3A_975, %broadcast_in_dim3A_980, %select_n3A_913 : vector<16xi1>, vector<16xf32>
      %slice3A_982 = vector.extract_strided_slice %and3A_706 {offsets = [4], sizes = [1], strides = [1]} : vector<16xi32> to vector<1xi32>
      %squeeze3A_983 = vector.extract %slice3A_982[0] : i32 from vector<1xi32>
      %slice3A_984 = vector.extract_strided_slice %and3A_711 {offsets = [4], sizes = [1], strides = [1]} : vector<16xi32> to vector<1xi32>
      %squeeze3A_985 = vector.extract %slice3A_984[0] : i32 from vector<1xi32>
      %get3A_986 = arith.constant 4 : i32
      %get3A_987 = arith.index_cast %and3A_661 : i32 to index
      %get3A_988 = arith.index_cast %get3A_986 : i32 to index
      %get3A_989 = arith.index_cast %squeeze3A_983 : i32 to index
      %get3A_990 = arith.constant 0 : index
      %get3A_991 = tpu.vector_load %arg11[%get3A_987, %get3A_988, %get3A_989, %get3A_990] {strides = array<i32>} : memref<2x16x8x64xf32, #tpu.memory_space<vmem>>, vector<16xf32>,
      %get3A_992 = arith.constant 4 : i32
      %get3A_993 = arith.index_cast %and3A_661 : i32 to index
      %get3A_994 = arith.index_cast %get3A_992 : i32 to index
      %get3A_995 = arith.index_cast %squeeze3A_985 : i32 to index
      %get3A_996 = arith.constant 0 : index
      %get3A_997 = tpu.vector_load %arg12[%get3A_993, %get3A_994, %get3A_995, %get3A_996] {strides = array<i32>} : memref<2x16x8x64xf32, #tpu.memory_space<vmem>>, vector<16xf32>,
      %mul3A_998 = arith.mulf %get3A_991, %get3A_997 : vector<16xf32>
      %get3A_999 = arith.constant 4 : i32
      %get3A_1000 = arith.index_cast %and3A_661 : i32 to index
      %get3A_1001 = arith.index_cast %get3A_999 : i32 to index
      %get3A_1002 = arith.index_cast %squeeze3A_983 : i32 to index
      %get3A_1003 = arith.constant 16 : index
      %get3A_1004 = tpu.vector_load %arg11[%get3A_1000, %get3A_1001, %get3A_1002, %get3A_1003] {strides = array<i32>} : memref<2x16x8x64xf32, #tpu.memory_space<vmem>>, vector<16xf32>,
      %get3A_1005 = arith.constant 4 : i32
      %get3A_1006 = arith.index_cast %and3A_661 : i32 to index
      %get3A_1007 = arith.index_cast %get3A_1005 : i32 to index
      %get3A_1008 = arith.index_cast %squeeze3A_985 : i32 to index
      %get3A_1009 = arith.constant 16 : index
      %get3A_1010 = tpu.vector_load %arg12[%get3A_1006, %get3A_1007, %get3A_1008, %get3A_1009] {strides = array<i32>} : memref<2x16x8x64xf32, #tpu.memory_space<vmem>>, vector<16xf32>,
      %mul3A_1011 = arith.mulf %get3A_1004, %get3A_1010 : vector<16xf32>
      %add3A_1012 = arith.addf %mul3A_998, %mul3A_1011 : vector<16xf32>
      %get3A_1013 = arith.constant 4 : i32
      %get3A_1014 = arith.index_cast %and3A_661 : i32 to index
      %get3A_1015 = arith.index_cast %get3A_1013 : i32 to index
      %get3A_1016 = arith.index_cast %squeeze3A_983 : i32 to index
      %get3A_1017 = arith.constant 32 : index
      %get3A_1018 = tpu.vector_load %arg11[%get3A_1014, %get3A_1015, %get3A_1016, %get3A_1017] {strides = array<i32>} : memref<2x16x8x64xf32, #tpu.memory_space<vmem>>, vector<16xf32>,
      %get3A_1019 = arith.constant 4 : i32
      %get3A_1020 = arith.index_cast %and3A_661 : i32 to index
      %get3A_1021 = arith.index_cast %get3A_1019 : i32 to index
      %get3A_1022 = arith.index_cast %squeeze3A_985 : i32 to index
      %get3A_1023 = arith.constant 32 : index
      %get3A_1024 = tpu.vector_load %arg12[%get3A_1020, %get3A_1021, %get3A_1022, %get3A_1023] {strides = array<i32>} : memref<2x16x8x64xf32, #tpu.memory_space<vmem>>, vector<16xf32>,
      %mul3A_1025 = arith.mulf %get3A_1018, %get3A_1024 : vector<16xf32>
      %add3A_1026 = arith.addf %add3A_1012, %mul3A_1025 : vector<16xf32>
      %get3A_1027 = arith.constant 4 : i32
      %get3A_1028 = arith.index_cast %and3A_661 : i32 to index
      %get3A_1029 = arith.index_cast %get3A_1027 : i32 to index
      %get3A_1030 = arith.index_cast %squeeze3A_983 : i32 to index
      %get3A_1031 = arith.constant 48 : index
      %get3A_1032 = tpu.vector_load %arg11[%get3A_1028, %get3A_1029, %get3A_1030, %get3A_1031] {strides = array<i32>} : memref<2x16x8x64xf32, #tpu.memory_space<vmem>>, vector<16xf32>,
      %get3A_1033 = arith.constant 4 : i32
      %get3A_1034 = arith.index_cast %and3A_661 : i32 to index
      %get3A_1035 = arith.index_cast %get3A_1033 : i32 to index
      %get3A_1036 = arith.index_cast %squeeze3A_985 : i32 to index
      %get3A_1037 = arith.constant 48 : index
      %get3A_1038 = tpu.vector_load %arg12[%get3A_1034, %get3A_1035, %get3A_1036, %get3A_1037] {strides = array<i32>} : memref<2x16x8x64xf32, #tpu.memory_space<vmem>>, vector<16xf32>,
      %mul3A_1039 = arith.mulf %get3A_1032, %get3A_1038 : vector<16xf32>
      %add3A_1040 = arith.addf %add3A_1026, %mul3A_1039 : vector<16xf32>
      %eq3A_1041 = arith.constant 4 : i32
      %eq3A_1042 = vector.broadcast %eq3A_1041 : i32 to vector<16xi32>
      %eq3A_1043 = arith.cmpi eq, %iota3A, %eq3A_1042 : vector<16xi32>
      %reduce_sum3A_1044 = arith.constant true
      %reduce_sum3A_1045 = vector.broadcast %reduce_sum3A_1044 : i1 to vector<16xi1>
      %reduce_sum3A_1046 = tpu.scan <sum>, %add3A_1040 masked %reduce_sum3A_1045 : vector<16xf32>, vector<16xi1> -> vector<16xf32>
      %reduce_sum3A_1047 = vector.extract %reduce_sum3A_1046[15] : f32 from vector<16xf32>
      %broadcast_in_dim3A_1048 = vector.broadcast %reduce_sum3A_1047 : f32 to vector<16xf32>
      %select_n3A_1049 = arith.select %eq3A_1043, %broadcast_in_dim3A_1048, %select_n3A_981 : vector<16xi1>, vector<16xf32>
      %slice3A_1050 = vector.extract_strided_slice %and3A_706 {offsets = [5], sizes = [1], strides = [1]} : vector<16xi32> to vector<1xi32>
      %squeeze3A_1051 = vector.extract %slice3A_1050[0] : i32 from vector<1xi32>
      %slice3A_1052 = vector.extract_strided_slice %and3A_711 {offsets = [5], sizes = [1], strides = [1]} : vector<16xi32> to vector<1xi32>
      %squeeze3A_1053 = vector.extract %slice3A_1052[0] : i32 from vector<1xi32>
      %get3A_1054 = arith.constant 5 : i32
      %get3A_1055 = arith.index_cast %and3A_661 : i32 to index
      %get3A_1056 = arith.index_cast %get3A_1054 : i32 to index
      %get3A_1057 = arith.index_cast %squeeze3A_1051 : i32 to index
      %get3A_1058 = arith.constant 0 : index
      %get3A_1059 = tpu.vector_load %arg11[%get3A_1055, %get3A_1056, %get3A_1057, %get3A_1058] {strides = array<i32>} : memref<2x16x8x64xf32, #tpu.memory_space<vmem>>, vector<16xf32>,
      %get3A_1060 = arith.constant 5 : i32
      %get3A_1061 = arith.index_cast %and3A_661 : i32 to index
      %get3A_1062 = arith.index_cast %get3A_1060 : i32 to index
      %get3A_1063 = arith.index_cast %squeeze3A_1053 : i32 to index
      %get3A_1064 = arith.constant 0 : index
      %get3A_1065 = tpu.vector_load %arg12[%get3A_1061, %get3A_1062, %get3A_1063, %get3A_1064] {strides = array<i32>} : memref<2x16x8x64xf32, #tpu.memory_space<vmem>>, vector<16xf32>,
      %mul3A_1066 = arith.mulf %get3A_1059, %get3A_1065 : vector<16xf32>
      %get3A_1067 = arith.constant 5 : i32
      %get3A_1068 = arith.index_cast %and3A_661 : i32 to index
      %get3A_1069 = arith.index_cast %get3A_1067 : i32 to index
      %get3A_1070 = arith.index_cast %squeeze3A_1051 : i32 to index
      %get3A_1071 = arith.constant 16 : index
      %get3A_1072 = tpu.vector_load %arg11[%get3A_1068, %get3A_1069, %get3A_1070, %get3A_1071] {strides = array<i32>} : memref<2x16x8x64xf32, #tpu.memory_space<vmem>>, vector<16xf32>,
      %get3A_1073 = arith.constant 5 : i32
      %get3A_1074 = arith.index_cast %and3A_661 : i32 to index
      %get3A_1075 = arith.index_cast %get3A_1073 : i32 to index
      %get3A_1076 = arith.index_cast %squeeze3A_1053 : i32 to index
      %get3A_1077 = arith.constant 16 : index
      %get3A_1078 = tpu.vector_load %arg12[%get3A_1074, %get3A_1075, %get3A_1076, %get3A_1077] {strides = array<i32>} : memref<2x16x8x64xf32, #tpu.memory_space<vmem>>, vector<16xf32>,
      %mul3A_1079 = arith.mulf %get3A_1072, %get3A_1078 : vector<16xf32>
      %add3A_1080 = arith.addf %mul3A_1066, %mul3A_1079 : vector<16xf32>
      %get3A_1081 = arith.constant 5 : i32
      %get3A_1082 = arith.index_cast %and3A_661 : i32 to index
      %get3A_1083 = arith.index_cast %get3A_1081 : i32 to index
      %get3A_1084 = arith.index_cast %squeeze3A_1051 : i32 to index
      %get3A_1085 = arith.constant 32 : index
      %get3A_1086 = tpu.vector_load %arg11[%get3A_1082, %get3A_1083, %get3A_1084, %get3A_1085] {strides = array<i32>} : memref<2x16x8x64xf32, #tpu.memory_space<vmem>>, vector<16xf32>,
      %get3A_1087 = arith.constant 5 : i32
      %get3A_1088 = arith.index_cast %and3A_661 : i32 to index
      %get3A_1089 = arith.index_cast %get3A_1087 : i32 to index
      %get3A_1090 = arith.index_cast %squeeze3A_1053 : i32 to index
      %get3A_1091 = arith.constant 32 : index
      %get3A_1092 = tpu.vector_load %arg12[%get3A_1088, %get3A_1089, %get3A_1090, %get3A_1091] {strides = array<i32>} : memref<2x16x8x64xf32, #tpu.memory_space<vmem>>, vector<16xf32>,
      %mul3A_1093 = arith.mulf %get3A_1086, %get3A_1092 : vector<16xf32>
      %add3A_1094 = arith.addf %add3A_1080, %mul3A_1093 : vector<16xf32>
      %get3A_1095 = arith.constant 5 : i32
      %get3A_1096 = arith.index_cast %and3A_661 : i32 to index
      %get3A_1097 = arith.index_cast %get3A_1095 : i32 to index
      %get3A_1098 = arith.index_cast %squeeze3A_1051 : i32 to index
      %get3A_1099 = arith.constant 48 : index
      %get3A_1100 = tpu.vector_load %arg11[%get3A_1096, %get3A_1097, %get3A_1098, %get3A_1099] {strides = array<i32>} : memref<2x16x8x64xf32, #tpu.memory_space<vmem>>, vector<16xf32>,
      %get3A_1101 = arith.constant 5 : i32
      %get3A_1102 = arith.index_cast %and3A_661 : i32 to index
      %get3A_1103 = arith.index_cast %get3A_1101 : i32 to index
      %get3A_1104 = arith.index_cast %squeeze3A_1053 : i32 to index
      %get3A_1105 = arith.constant 48 : index
      %get3A_1106 = tpu.vector_load %arg12[%get3A_1102, %get3A_1103, %get3A_1104, %get3A_1105] {strides = array<i32>} : memref<2x16x8x64xf32, #tpu.memory_space<vmem>>, vector<16xf32>,
      %mul3A_1107 = arith.mulf %get3A_1100, %get3A_1106 : vector<16xf32>
      %add3A_1108 = arith.addf %add3A_1094, %mul3A_1107 : vector<16xf32>
      %eq3A_1109 = arith.constant 5 : i32
      %eq3A_1110 = vector.broadcast %eq3A_1109 : i32 to vector<16xi32>
      %eq3A_1111 = arith.cmpi eq, %iota3A, %eq3A_1110 : vector<16xi32>
      %reduce_sum3A_1112 = arith.constant true
      %reduce_sum3A_1113 = vector.broadcast %reduce_sum3A_1112 : i1 to vector<16xi1>
      %reduce_sum3A_1114 = tpu.scan <sum>, %add3A_1108 masked %reduce_sum3A_1113 : vector<16xf32>, vector<16xi1> -> vector<16xf32>
      %reduce_sum3A_1115 = vector.extract %reduce_sum3A_1114[15] : f32 from vector<16xf32>
      %broadcast_in_dim3A_1116 = vector.broadcast %reduce_sum3A_1115 : f32 to vector<16xf32>
      %select_n3A_1117 = arith.select %eq3A_1111, %broadcast_in_dim3A_1116, %select_n3A_1049 : vector<16xi1>, vector<16xf32>
      %slice3A_1118 = vector.extract_strided_slice %and3A_706 {offsets = [6], sizes = [1], strides = [1]} : vector<16xi32> to vector<1xi32>
      %squeeze3A_1119 = vector.extract %slice3A_1118[0] : i32 from vector<1xi32>
      %slice3A_1120 = vector.extract_strided_slice %and3A_711 {offsets = [6], sizes = [1], strides = [1]} : vector<16xi32> to vector<1xi32>
      %squeeze3A_1121 = vector.extract %slice3A_1120[0] : i32 from vector<1xi32>
      %get3A_1122 = arith.constant 6 : i32
      %get3A_1123 = arith.index_cast %and3A_661 : i32 to index
      %get3A_1124 = arith.index_cast %get3A_1122 : i32 to index
      %get3A_1125 = arith.index_cast %squeeze3A_1119 : i32 to index
      %get3A_1126 = arith.constant 0 : index
      %get3A_1127 = tpu.vector_load %arg11[%get3A_1123, %get3A_1124, %get3A_1125, %get3A_1126] {strides = array<i32>} : memref<2x16x8x64xf32, #tpu.memory_space<vmem>>, vector<16xf32>,
      %get3A_1128 = arith.constant 6 : i32
      %get3A_1129 = arith.index_cast %and3A_661 : i32 to index
      %get3A_1130 = arith.index_cast %get3A_1128 : i32 to index
      %get3A_1131 = arith.index_cast %squeeze3A_1121 : i32 to index
      %get3A_1132 = arith.constant 0 : index
      %get3A_1133 = tpu.vector_load %arg12[%get3A_1129, %get3A_1130, %get3A_1131, %get3A_1132] {strides = array<i32>} : memref<2x16x8x64xf32, #tpu.memory_space<vmem>>, vector<16xf32>,
      %mul3A_1134 = arith.mulf %get3A_1127, %get3A_1133 : vector<16xf32>
      %get3A_1135 = arith.constant 6 : i32
      %get3A_1136 = arith.index_cast %and3A_661 : i32 to index
      %get3A_1137 = arith.index_cast %get3A_1135 : i32 to index
      %get3A_1138 = arith.index_cast %squeeze3A_1119 : i32 to index
      %get3A_1139 = arith.constant 16 : index
      %get3A_1140 = tpu.vector_load %arg11[%get3A_1136, %get3A_1137, %get3A_1138, %get3A_1139] {strides = array<i32>} : memref<2x16x8x64xf32, #tpu.memory_space<vmem>>, vector<16xf32>,
      %get3A_1141 = arith.constant 6 : i32
      %get3A_1142 = arith.index_cast %and3A_661 : i32 to index
      %get3A_1143 = arith.index_cast %get3A_1141 : i32 to index
      %get3A_1144 = arith.index_cast %squeeze3A_1121 : i32 to index
      %get3A_1145 = arith.constant 16 : index
      %get3A_1146 = tpu.vector_load %arg12[%get3A_1142, %get3A_1143, %get3A_1144, %get3A_1145] {strides = array<i32>} : memref<2x16x8x64xf32, #tpu.memory_space<vmem>>, vector<16xf32>,
      %mul3A_1147 = arith.mulf %get3A_1140, %get3A_1146 : vector<16xf32>
      %add3A_1148 = arith.addf %mul3A_1134, %mul3A_1147 : vector<16xf32>
      %get3A_1149 = arith.constant 6 : i32
      %get3A_1150 = arith.index_cast %and3A_661 : i32 to index
      %get3A_1151 = arith.index_cast %get3A_1149 : i32 to index
      %get3A_1152 = arith.index_cast %squeeze3A_1119 : i32 to index
      %get3A_1153 = arith.constant 32 : index
      %get3A_1154 = tpu.vector_load %arg11[%get3A_1150, %get3A_1151, %get3A_1152, %get3A_1153] {strides = array<i32>} : memref<2x16x8x64xf32, #tpu.memory_space<vmem>>, vector<16xf32>,
      %get3A_1155 = arith.constant 6 : i32
      %get3A_1156 = arith.index_cast %and3A_661 : i32 to index
      %get3A_1157 = arith.index_cast %get3A_1155 : i32 to index
      %get3A_1158 = arith.index_cast %squeeze3A_1121 : i32 to index
      %get3A_1159 = arith.constant 32 : index
      %get3A_1160 = tpu.vector_load %arg12[%get3A_1156, %get3A_1157, %get3A_1158, %get3A_1159] {strides = array<i32>} : memref<2x16x8x64xf32, #tpu.memory_space<vmem>>, vector<16xf32>,
      %mul3A_1161 = arith.mulf %get3A_1154, %get3A_1160 : vector<16xf32>
      %add3A_1162 = arith.addf %add3A_1148, %mul3A_1161 : vector<16xf32>
      %get3A_1163 = arith.constant 6 : i32
      %get3A_1164 = arith.index_cast %and3A_661 : i32 to index
      %get3A_1165 = arith.index_cast %get3A_1163 : i32 to index
      %get3A_1166 = arith.index_cast %squeeze3A_1119 : i32 to index
      %get3A_1167 = arith.constant 48 : index
      %get3A_1168 = tpu.vector_load %arg11[%get3A_1164, %get3A_1165, %get3A_1166, %get3A_1167] {strides = array<i32>} : memref<2x16x8x64xf32, #tpu.memory_space<vmem>>, vector<16xf32>,
      %get3A_1169 = arith.constant 6 : i32
      %get3A_1170 = arith.index_cast %and3A_661 : i32 to index
      %get3A_1171 = arith.index_cast %get3A_1169 : i32 to index
      %get3A_1172 = arith.index_cast %squeeze3A_1121 : i32 to index
      %get3A_1173 = arith.constant 48 : index
      %get3A_1174 = tpu.vector_load %arg12[%get3A_1170, %get3A_1171, %get3A_1172, %get3A_1173] {strides = array<i32>} : memref<2x16x8x64xf32, #tpu.memory_space<vmem>>, vector<16xf32>,
      %mul3A_1175 = arith.mulf %get3A_1168, %get3A_1174 : vector<16xf32>
      %add3A_1176 = arith.addf %add3A_1162, %mul3A_1175 : vector<16xf32>
      %eq3A_1177 = arith.constant 6 : i32
      %eq3A_1178 = vector.broadcast %eq3A_1177 : i32 to vector<16xi32>
      %eq3A_1179 = arith.cmpi eq, %iota3A, %eq3A_1178 : vector<16xi32>
      %reduce_sum3A_1180 = arith.constant true
      %reduce_sum3A_1181 = vector.broadcast %reduce_sum3A_1180 : i1 to vector<16xi1>
      %reduce_sum3A_1182 = tpu.scan <sum>, %add3A_1176 masked %reduce_sum3A_1181 : vector<16xf32>, vector<16xi1> -> vector<16xf32>
      %reduce_sum3A_1183 = vector.extract %reduce_sum3A_1182[15] : f32 from vector<16xf32>
      %broadcast_in_dim3A_1184 = vector.broadcast %reduce_sum3A_1183 : f32 to vector<16xf32>
      %select_n3A_1185 = arith.select %eq3A_1179, %broadcast_in_dim3A_1184, %select_n3A_1117 : vector<16xi1>, vector<16xf32>
      %slice3A_1186 = vector.extract_strided_slice %and3A_706 {offsets = [7], sizes = [1], strides = [1]} : vector<16xi32> to vector<1xi32>
      %squeeze3A_1187 = vector.extract %slice3A_1186[0] : i32 from vector<1xi32>
      %slice3A_1188 = vector.extract_strided_slice %and3A_711 {offsets = [7], sizes = [1], strides = [1]} : vector<16xi32> to vector<1xi32>
      %squeeze3A_1189 = vector.extract %slice3A_1188[0] : i32 from vector<1xi32>
      %get3A_1190 = arith.constant 7 : i32
      %get3A_1191 = arith.index_cast %and3A_661 : i32 to index
      %get3A_1192 = arith.index_cast %get3A_1190 : i32 to index
      %get3A_1193 = arith.index_cast %squeeze3A_1187 : i32 to index
      %get3A_1194 = arith.constant 0 : index
      %get3A_1195 = tpu.vector_load %arg11[%get3A_1191, %get3A_1192, %get3A_1193, %get3A_1194] {strides = array<i32>} : memref<2x16x8x64xf32, #tpu.memory_space<vmem>>, vector<16xf32>,
      %get3A_1196 = arith.constant 7 : i32
      %get3A_1197 = arith.index_cast %and3A_661 : i32 to index
      %get3A_1198 = arith.index_cast %get3A_1196 : i32 to index
      %get3A_1199 = arith.index_cast %squeeze3A_1189 : i32 to index
      %get3A_1200 = arith.constant 0 : index
      %get3A_1201 = tpu.vector_load %arg12[%get3A_1197, %get3A_1198, %get3A_1199, %get3A_1200] {strides = array<i32>} : memref<2x16x8x64xf32, #tpu.memory_space<vmem>>, vector<16xf32>,
      %mul3A_1202 = arith.mulf %get3A_1195, %get3A_1201 : vector<16xf32>
      %get3A_1203 = arith.constant 7 : i32
      %get3A_1204 = arith.index_cast %and3A_661 : i32 to index
      %get3A_1205 = arith.index_cast %get3A_1203 : i32 to index
      %get3A_1206 = arith.index_cast %squeeze3A_1187 : i32 to index
      %get3A_1207 = arith.constant 16 : index
      %get3A_1208 = tpu.vector_load %arg11[%get3A_1204, %get3A_1205, %get3A_1206, %get3A_1207] {strides = array<i32>} : memref<2x16x8x64xf32, #tpu.memory_space<vmem>>, vector<16xf32>,
      %get3A_1209 = arith.constant 7 : i32
      %get3A_1210 = arith.index_cast %and3A_661 : i32 to index
      %get3A_1211 = arith.index_cast %get3A_1209 : i32 to index
      %get3A_1212 = arith.index_cast %squeeze3A_1189 : i32 to index
      %get3A_1213 = arith.constant 16 : index
      %get3A_1214 = tpu.vector_load %arg12[%get3A_1210, %get3A_1211, %get3A_1212, %get3A_1213] {strides = array<i32>} : memref<2x16x8x64xf32, #tpu.memory_space<vmem>>, vector<16xf32>,
      %mul3A_1215 = arith.mulf %get3A_1208, %get3A_1214 : vector<16xf32>
      %add3A_1216 = arith.addf %mul3A_1202, %mul3A_1215 : vector<16xf32>
      %get3A_1217 = arith.constant 7 : i32
      %get3A_1218 = arith.index_cast %and3A_661 : i32 to index
      %get3A_1219 = arith.index_cast %get3A_1217 : i32 to index
      %get3A_1220 = arith.index_cast %squeeze3A_1187 : i32 to index
      %get3A_1221 = arith.constant 32 : index
      %get3A_1222 = tpu.vector_load %arg11[%get3A_1218, %get3A_1219, %get3A_1220, %get3A_1221] {strides = array<i32>} : memref<2x16x8x64xf32, #tpu.memory_space<vmem>>, vector<16xf32>,
      %get3A_1223 = arith.constant 7 : i32
      %get3A_1224 = arith.index_cast %and3A_661 : i32 to index
      %get3A_1225 = arith.index_cast %get3A_1223 : i32 to index
      %get3A_1226 = arith.index_cast %squeeze3A_1189 : i32 to index
      %get3A_1227 = arith.constant 32 : index
      %get3A_1228 = tpu.vector_load %arg12[%get3A_1224, %get3A_1225, %get3A_1226, %get3A_1227] {strides = array<i32>} : memref<2x16x8x64xf32, #tpu.memory_space<vmem>>, vector<16xf32>,
      %mul3A_1229 = arith.mulf %get3A_1222, %get3A_1228 : vector<16xf32>
      %add3A_1230 = arith.addf %add3A_1216, %mul3A_1229 : vector<16xf32>
      %get3A_1231 = arith.constant 7 : i32
      %get3A_1232 = arith.index_cast %and3A_661 : i32 to index
      %get3A_1233 = arith.index_cast %get3A_1231 : i32 to index
      %get3A_1234 = arith.index_cast %squeeze3A_1187 : i32 to index
      %get3A_1235 = arith.constant 48 : index
      %get3A_1236 = tpu.vector_load %arg11[%get3A_1232, %get3A_1233, %get3A_1234, %get3A_1235] {strides = array<i32>} : memref<2x16x8x64xf32, #tpu.memory_space<vmem>>, vector<16xf32>,
      %get3A_1237 = arith.constant 7 : i32
      %get3A_1238 = arith.index_cast %and3A_661 : i32 to index
      %get3A_1239 = arith.index_cast %get3A_1237 : i32 to index
      %get3A_1240 = arith.index_cast %squeeze3A_1189 : i32 to index
      %get3A_1241 = arith.constant 48 : index
      %get3A_1242 = tpu.vector_load %arg12[%get3A_1238, %get3A_1239, %get3A_1240, %get3A_1241] {strides = array<i32>} : memref<2x16x8x64xf32, #tpu.memory_space<vmem>>, vector<16xf32>,
      %mul3A_1243 = arith.mulf %get3A_1236, %get3A_1242 : vector<16xf32>
      %add3A_1244 = arith.addf %add3A_1230, %mul3A_1243 : vector<16xf32>
      %eq3A_1245 = arith.constant 7 : i32
      %eq3A_1246 = vector.broadcast %eq3A_1245 : i32 to vector<16xi32>
      %eq3A_1247 = arith.cmpi eq, %iota3A, %eq3A_1246 : vector<16xi32>
      %reduce_sum3A_1248 = arith.constant true
      %reduce_sum3A_1249 = vector.broadcast %reduce_sum3A_1248 : i1 to vector<16xi1>
      %reduce_sum3A_1250 = tpu.scan <sum>, %add3A_1244 masked %reduce_sum3A_1249 : vector<16xf32>, vector<16xi1> -> vector<16xf32>
      %reduce_sum3A_1251 = vector.extract %reduce_sum3A_1250[15] : f32 from vector<16xf32>
      %broadcast_in_dim3A_1252 = vector.broadcast %reduce_sum3A_1251 : f32 to vector<16xf32>
      %select_n3A_1253 = arith.select %eq3A_1247, %broadcast_in_dim3A_1252, %select_n3A_1185 : vector<16xi1>, vector<16xf32>
      %slice3A_1254 = vector.extract_strided_slice %and3A_706 {offsets = [8], sizes = [1], strides = [1]} : vector<16xi32> to vector<1xi32>
      %squeeze3A_1255 = vector.extract %slice3A_1254[0] : i32 from vector<1xi32>
      %slice3A_1256 = vector.extract_strided_slice %and3A_711 {offsets = [8], sizes = [1], strides = [1]} : vector<16xi32> to vector<1xi32>
      %squeeze3A_1257 = vector.extract %slice3A_1256[0] : i32 from vector<1xi32>
      %get3A_1258 = arith.constant 8 : i32
      %get3A_1259 = arith.index_cast %and3A_661 : i32 to index
      %get3A_1260 = arith.index_cast %get3A_1258 : i32 to index
      %get3A_1261 = arith.index_cast %squeeze3A_1255 : i32 to index
      %get3A_1262 = arith.constant 0 : index
      %get3A_1263 = tpu.vector_load %arg11[%get3A_1259, %get3A_1260, %get3A_1261, %get3A_1262] {strides = array<i32>} : memref<2x16x8x64xf32, #tpu.memory_space<vmem>>, vector<16xf32>,
      %get3A_1264 = arith.constant 8 : i32
      %get3A_1265 = arith.index_cast %and3A_661 : i32 to index
      %get3A_1266 = arith.index_cast %get3A_1264 : i32 to index
      %get3A_1267 = arith.index_cast %squeeze3A_1257 : i32 to index
      %get3A_1268 = arith.constant 0 : index
      %get3A_1269 = tpu.vector_load %arg12[%get3A_1265, %get3A_1266, %get3A_1267, %get3A_1268] {strides = array<i32>} : memref<2x16x8x64xf32, #tpu.memory_space<vmem>>, vector<16xf32>,
      %mul3A_1270 = arith.mulf %get3A_1263, %get3A_1269 : vector<16xf32>
      %get3A_1271 = arith.constant 8 : i32
      %get3A_1272 = arith.index_cast %and3A_661 : i32 to index
      %get3A_1273 = arith.index_cast %get3A_1271 : i32 to index
      %get3A_1274 = arith.index_cast %squeeze3A_1255 : i32 to index
      %get3A_1275 = arith.constant 16 : index
      %get3A_1276 = tpu.vector_load %arg11[%get3A_1272, %get3A_1273, %get3A_1274, %get3A_1275] {strides = array<i32>} : memref<2x16x8x64xf32, #tpu.memory_space<vmem>>, vector<16xf32>,
      %get3A_1277 = arith.constant 8 : i32
      %get3A_1278 = arith.index_cast %and3A_661 : i32 to index
      %get3A_1279 = arith.index_cast %get3A_1277 : i32 to index
      %get3A_1280 = arith.index_cast %squeeze3A_1257 : i32 to index
      %get3A_1281 = arith.constant 16 : index
      %get3A_1282 = tpu.vector_load %arg12[%get3A_1278, %get3A_1279, %get3A_1280, %get3A_1281] {strides = array<i32>} : memref<2x16x8x64xf32, #tpu.memory_space<vmem>>, vector<16xf32>,
      %mul3A_1283 = arith.mulf %get3A_1276, %get3A_1282 : vector<16xf32>
      %add3A_1284 = arith.addf %mul3A_1270, %mul3A_1283 : vector<16xf32>
      %get3A_1285 = arith.constant 8 : i32
      %get3A_1286 = arith.index_cast %and3A_661 : i32 to index
      %get3A_1287 = arith.index_cast %get3A_1285 : i32 to index
      %get3A_1288 = arith.index_cast %squeeze3A_1255 : i32 to index
      %get3A_1289 = arith.constant 32 : index
      %get3A_1290 = tpu.vector_load %arg11[%get3A_1286, %get3A_1287, %get3A_1288, %get3A_1289] {strides = array<i32>} : memref<2x16x8x64xf32, #tpu.memory_space<vmem>>, vector<16xf32>,
      %get3A_1291 = arith.constant 8 : i32
      %get3A_1292 = arith.index_cast %and3A_661 : i32 to index
      %get3A_1293 = arith.index_cast %get3A_1291 : i32 to index
      %get3A_1294 = arith.index_cast %squeeze3A_1257 : i32 to index
      %get3A_1295 = arith.constant 32 : index
      %get3A_1296 = tpu.vector_load %arg12[%get3A_1292, %get3A_1293, %get3A_1294, %get3A_1295] {strides = array<i32>} : memref<2x16x8x64xf32, #tpu.memory_space<vmem>>, vector<16xf32>,
      %mul3A_1297 = arith.mulf %get3A_1290, %get3A_1296 : vector<16xf32>
      %add3A_1298 = arith.addf %add3A_1284, %mul3A_1297 : vector<16xf32>
      %get3A_1299 = arith.constant 8 : i32
      %get3A_1300 = arith.index_cast %and3A_661 : i32 to index
      %get3A_1301 = arith.index_cast %get3A_1299 : i32 to index
      %get3A_1302 = arith.index_cast %squeeze3A_1255 : i32 to index
      %get3A_1303 = arith.constant 48 : index
      %get3A_1304 = tpu.vector_load %arg11[%get3A_1300, %get3A_1301, %get3A_1302, %get3A_1303] {strides = array<i32>} : memref<2x16x8x64xf32, #tpu.memory_space<vmem>>, vector<16xf32>,
      %get3A_1305 = arith.constant 8 : i32
      %get3A_1306 = arith.index_cast %and3A_661 : i32 to index
      %get3A_1307 = arith.index_cast %get3A_1305 : i32 to index
      %get3A_1308 = arith.index_cast %squeeze3A_1257 : i32 to index
      %get3A_1309 = arith.constant 48 : index
      %get3A_1310 = tpu.vector_load %arg12[%get3A_1306, %get3A_1307, %get3A_1308, %get3A_1309] {strides = array<i32>} : memref<2x16x8x64xf32, #tpu.memory_space<vmem>>, vector<16xf32>,
      %mul3A_1311 = arith.mulf %get3A_1304, %get3A_1310 : vector<16xf32>
      %add3A_1312 = arith.addf %add3A_1298, %mul3A_1311 : vector<16xf32>
      %eq3A_1313 = arith.constant 8 : i32
      %eq3A_1314 = vector.broadcast %eq3A_1313 : i32 to vector<16xi32>
      %eq3A_1315 = arith.cmpi eq, %iota3A, %eq3A_1314 : vector<16xi32>
      %reduce_sum3A_1316 = arith.constant true
      %reduce_sum3A_1317 = vector.broadcast %reduce_sum3A_1316 : i1 to vector<16xi1>
      %reduce_sum3A_1318 = tpu.scan <sum>, %add3A_1312 masked %reduce_sum3A_1317 : vector<16xf32>, vector<16xi1> -> vector<16xf32>
      %reduce_sum3A_1319 = vector.extract %reduce_sum3A_1318[15] : f32 from vector<16xf32>
      %broadcast_in_dim3A_1320 = vector.broadcast %reduce_sum3A_1319 : f32 to vector<16xf32>
      %select_n3A_1321 = arith.select %eq3A_1315, %broadcast_in_dim3A_1320, %select_n3A_1253 : vector<16xi1>, vector<16xf32>
      %slice3A_1322 = vector.extract_strided_slice %and3A_706 {offsets = [9], sizes = [1], strides = [1]} : vector<16xi32> to vector<1xi32>
      %squeeze3A_1323 = vector.extract %slice3A_1322[0] : i32 from vector<1xi32>
      %slice3A_1324 = vector.extract_strided_slice %and3A_711 {offsets = [9], sizes = [1], strides = [1]} : vector<16xi32> to vector<1xi32>
      %squeeze3A_1325 = vector.extract %slice3A_1324[0] : i32 from vector<1xi32>
      %get3A_1326 = arith.constant 9 : i32
      %get3A_1327 = arith.index_cast %and3A_661 : i32 to index
      %get3A_1328 = arith.index_cast %get3A_1326 : i32 to index
      %get3A_1329 = arith.index_cast %squeeze3A_1323 : i32 to index
      %get3A_1330 = arith.constant 0 : index
      %get3A_1331 = tpu.vector_load %arg11[%get3A_1327, %get3A_1328, %get3A_1329, %get3A_1330] {strides = array<i32>} : memref<2x16x8x64xf32, #tpu.memory_space<vmem>>, vector<16xf32>,
      %get3A_1332 = arith.constant 9 : i32
      %get3A_1333 = arith.index_cast %and3A_661 : i32 to index
      %get3A_1334 = arith.index_cast %get3A_1332 : i32 to index
      %get3A_1335 = arith.index_cast %squeeze3A_1325 : i32 to index
      %get3A_1336 = arith.constant 0 : index
      %get3A_1337 = tpu.vector_load %arg12[%get3A_1333, %get3A_1334, %get3A_1335, %get3A_1336] {strides = array<i32>} : memref<2x16x8x64xf32, #tpu.memory_space<vmem>>, vector<16xf32>,
      %mul3A_1338 = arith.mulf %get3A_1331, %get3A_1337 : vector<16xf32>
      %get3A_1339 = arith.constant 9 : i32
      %get3A_1340 = arith.index_cast %and3A_661 : i32 to index
      %get3A_1341 = arith.index_cast %get3A_1339 : i32 to index
      %get3A_1342 = arith.index_cast %squeeze3A_1323 : i32 to index
      %get3A_1343 = arith.constant 16 : index
      %get3A_1344 = tpu.vector_load %arg11[%get3A_1340, %get3A_1341, %get3A_1342, %get3A_1343] {strides = array<i32>} : memref<2x16x8x64xf32, #tpu.memory_space<vmem>>, vector<16xf32>,
      %get3A_1345 = arith.constant 9 : i32
      %get3A_1346 = arith.index_cast %and3A_661 : i32 to index
      %get3A_1347 = arith.index_cast %get3A_1345 : i32 to index
      %get3A_1348 = arith.index_cast %squeeze3A_1325 : i32 to index
      %get3A_1349 = arith.constant 16 : index
      %get3A_1350 = tpu.vector_load %arg12[%get3A_1346, %get3A_1347, %get3A_1348, %get3A_1349] {strides = array<i32>} : memref<2x16x8x64xf32, #tpu.memory_space<vmem>>, vector<16xf32>,
      %mul3A_1351 = arith.mulf %get3A_1344, %get3A_1350 : vector<16xf32>
      %add3A_1352 = arith.addf %mul3A_1338, %mul3A_1351 : vector<16xf32>
      %get3A_1353 = arith.constant 9 : i32
      %get3A_1354 = arith.index_cast %and3A_661 : i32 to index
      %get3A_1355 = arith.index_cast %get3A_1353 : i32 to index
      %get3A_1356 = arith.index_cast %squeeze3A_1323 : i32 to index
      %get3A_1357 = arith.constant 32 : index
      %get3A_1358 = tpu.vector_load %arg11[%get3A_1354, %get3A_1355, %get3A_1356, %get3A_1357] {strides = array<i32>} : memref<2x16x8x64xf32, #tpu.memory_space<vmem>>, vector<16xf32>,
      %get3A_1359 = arith.constant 9 : i32
      %get3A_1360 = arith.index_cast %and3A_661 : i32 to index
      %get3A_1361 = arith.index_cast %get3A_1359 : i32 to index
      %get3A_1362 = arith.index_cast %squeeze3A_1325 : i32 to index
      %get3A_1363 = arith.constant 32 : index
      %get3A_1364 = tpu.vector_load %arg12[%get3A_1360, %get3A_1361, %get3A_1362, %get3A_1363] {strides = array<i32>} : memref<2x16x8x64xf32, #tpu.memory_space<vmem>>, vector<16xf32>,
      %mul3A_1365 = arith.mulf %get3A_1358, %get3A_1364 : vector<16xf32>
      %add3A_1366 = arith.addf %add3A_1352, %mul3A_1365 : vector<16xf32>
      %get3A_1367 = arith.constant 9 : i32
      %get3A_1368 = arith.index_cast %and3A_661 : i32 to index
      %get3A_1369 = arith.index_cast %get3A_1367 : i32 to index
      %get3A_1370 = arith.index_cast %squeeze3A_1323 : i32 to index
      %get3A_1371 = arith.constant 48 : index
      %get3A_1372 = tpu.vector_load %arg11[%get3A_1368, %get3A_1369, %get3A_1370, %get3A_1371] {strides = array<i32>} : memref<2x16x8x64xf32, #tpu.memory_space<vmem>>, vector<16xf32>,
      %get3A_1373 = arith.constant 9 : i32
      %get3A_1374 = arith.index_cast %and3A_661 : i32 to index
      %get3A_1375 = arith.index_cast %get3A_1373 : i32 to index
      %get3A_1376 = arith.index_cast %squeeze3A_1325 : i32 to index
      %get3A_1377 = arith.constant 48 : index
      %get3A_1378 = tpu.vector_load %arg12[%get3A_1374, %get3A_1375, %get3A_1376, %get3A_1377] {strides = array<i32>} : memref<2x16x8x64xf32, #tpu.memory_space<vmem>>, vector<16xf32>,
      %mul3A_1379 = arith.mulf %get3A_1372, %get3A_1378 : vector<16xf32>
      %add3A_1380 = arith.addf %add3A_1366, %mul3A_1379 : vector<16xf32>
      %eq3A_1381 = arith.constant 9 : i32
      %eq3A_1382 = vector.broadcast %eq3A_1381 : i32 to vector<16xi32>
      %eq3A_1383 = arith.cmpi eq, %iota3A, %eq3A_1382 : vector<16xi32>
      %reduce_sum3A_1384 = arith.constant true
      %reduce_sum3A_1385 = vector.broadcast %reduce_sum3A_1384 : i1 to vector<16xi1>
      %reduce_sum3A_1386 = tpu.scan <sum>, %add3A_1380 masked %reduce_sum3A_1385 : vector<16xf32>, vector<16xi1> -> vector<16xf32>
      %reduce_sum3A_1387 = vector.extract %reduce_sum3A_1386[15] : f32 from vector<16xf32>
      %broadcast_in_dim3A_1388 = vector.broadcast %reduce_sum3A_1387 : f32 to vector<16xf32>
      %select_n3A_1389 = arith.select %eq3A_1383, %broadcast_in_dim3A_1388, %select_n3A_1321 : vector<16xi1>, vector<16xf32>
      %slice3A_1390 = vector.extract_strided_slice %and3A_706 {offsets = [10], sizes = [1], strides = [1]} : vector<16xi32> to vector<1xi32>
      %squeeze3A_1391 = vector.extract %slice3A_1390[0] : i32 from vector<1xi32>
      %slice3A_1392 = vector.extract_strided_slice %and3A_711 {offsets = [10], sizes = [1], strides = [1]} : vector<16xi32> to vector<1xi32>
      %squeeze3A_1393 = vector.extract %slice3A_1392[0] : i32 from vector<1xi32>
      %get3A_1394 = arith.constant 10 : i32
      %get3A_1395 = arith.index_cast %and3A_661 : i32 to index
      %get3A_1396 = arith.index_cast %get3A_1394 : i32 to index
      %get3A_1397 = arith.index_cast %squeeze3A_1391 : i32 to index
      %get3A_1398 = arith.constant 0 : index
      %get3A_1399 = tpu.vector_load %arg11[%get3A_1395, %get3A_1396, %get3A_1397, %get3A_1398] {strides = array<i32>} : memref<2x16x8x64xf32, #tpu.memory_space<vmem>>, vector<16xf32>,
      %get3A_1400 = arith.constant 10 : i32
      %get3A_1401 = arith.index_cast %and3A_661 : i32 to index
      %get3A_1402 = arith.index_cast %get3A_1400 : i32 to index
      %get3A_1403 = arith.index_cast %squeeze3A_1393 : i32 to index
      %get3A_1404 = arith.constant 0 : index
      %get3A_1405 = tpu.vector_load %arg12[%get3A_1401, %get3A_1402, %get3A_1403, %get3A_1404] {strides = array<i32>} : memref<2x16x8x64xf32, #tpu.memory_space<vmem>>, vector<16xf32>,
      %mul3A_1406 = arith.mulf %get3A_1399, %get3A_1405 : vector<16xf32>
      %get3A_1407 = arith.constant 10 : i32
      %get3A_1408 = arith.index_cast %and3A_661 : i32 to index
      %get3A_1409 = arith.index_cast %get3A_1407 : i32 to index
      %get3A_1410 = arith.index_cast %squeeze3A_1391 : i32 to index
      %get3A_1411 = arith.constant 16 : index
      %get3A_1412 = tpu.vector_load %arg11[%get3A_1408, %get3A_1409, %get3A_1410, %get3A_1411] {strides = array<i32>} : memref<2x16x8x64xf32, #tpu.memory_space<vmem>>, vector<16xf32>,
      %get3A_1413 = arith.constant 10 : i32
      %get3A_1414 = arith.index_cast %and3A_661 : i32 to index
      %get3A_1415 = arith.index_cast %get3A_1413 : i32 to index
      %get3A_1416 = arith.index_cast %squeeze3A_1393 : i32 to index
      %get3A_1417 = arith.constant 16 : index
      %get3A_1418 = tpu.vector_load %arg12[%get3A_1414, %get3A_1415, %get3A_1416, %get3A_1417] {strides = array<i32>} : memref<2x16x8x64xf32, #tpu.memory_space<vmem>>, vector<16xf32>,
      %mul3A_1419 = arith.mulf %get3A_1412, %get3A_1418 : vector<16xf32>
      %add3A_1420 = arith.addf %mul3A_1406, %mul3A_1419 : vector<16xf32>
      %get3A_1421 = arith.constant 10 : i32
      %get3A_1422 = arith.index_cast %and3A_661 : i32 to index
      %get3A_1423 = arith.index_cast %get3A_1421 : i32 to index
      %get3A_1424 = arith.index_cast %squeeze3A_1391 : i32 to index
      %get3A_1425 = arith.constant 32 : index
      %get3A_1426 = tpu.vector_load %arg11[%get3A_1422, %get3A_1423, %get3A_1424, %get3A_1425] {strides = array<i32>} : memref<2x16x8x64xf32, #tpu.memory_space<vmem>>, vector<16xf32>,
      %get3A_1427 = arith.constant 10 : i32
      %get3A_1428 = arith.index_cast %and3A_661 : i32 to index
      %get3A_1429 = arith.index_cast %get3A_1427 : i32 to index
      %get3A_1430 = arith.index_cast %squeeze3A_1393 : i32 to index
      %get3A_1431 = arith.constant 32 : index
      %get3A_1432 = tpu.vector_load %arg12[%get3A_1428, %get3A_1429, %get3A_1430, %get3A_1431] {strides = array<i32>} : memref<2x16x8x64xf32, #tpu.memory_space<vmem>>, vector<16xf32>,
      %mul3A_1433 = arith.mulf %get3A_1426, %get3A_1432 : vector<16xf32>
      %add3A_1434 = arith.addf %add3A_1420, %mul3A_1433 : vector<16xf32>
      %get3A_1435 = arith.constant 10 : i32
      %get3A_1436 = arith.index_cast %and3A_661 : i32 to index
      %get3A_1437 = arith.index_cast %get3A_1435 : i32 to index
      %get3A_1438 = arith.index_cast %squeeze3A_1391 : i32 to index
      %get3A_1439 = arith.constant 48 : index
      %get3A_1440 = tpu.vector_load %arg11[%get3A_1436, %get3A_1437, %get3A_1438, %get3A_1439] {strides = array<i32>} : memref<2x16x8x64xf32, #tpu.memory_space<vmem>>, vector<16xf32>,
      %get3A_1441 = arith.constant 10 : i32
      %get3A_1442 = arith.index_cast %and3A_661 : i32 to index
      %get3A_1443 = arith.index_cast %get3A_1441 : i32 to index
      %get3A_1444 = arith.index_cast %squeeze3A_1393 : i32 to index
      %get3A_1445 = arith.constant 48 : index
      %get3A_1446 = tpu.vector_load %arg12[%get3A_1442, %get3A_1443, %get3A_1444, %get3A_1445] {strides = array<i32>} : memref<2x16x8x64xf32, #tpu.memory_space<vmem>>, vector<16xf32>,
      %mul3A_1447 = arith.mulf %get3A_1440, %get3A_1446 : vector<16xf32>
      %add3A_1448 = arith.addf %add3A_1434, %mul3A_1447 : vector<16xf32>
      %eq3A_1449 = arith.constant 10 : i32
      %eq3A_1450 = vector.broadcast %eq3A_1449 : i32 to vector<16xi32>
      %eq3A_1451 = arith.cmpi eq, %iota3A, %eq3A_1450 : vector<16xi32>
      %reduce_sum3A_1452 = arith.constant true
      %reduce_sum3A_1453 = vector.broadcast %reduce_sum3A_1452 : i1 to vector<16xi1>
      %reduce_sum3A_1454 = tpu.scan <sum>, %add3A_1448 masked %reduce_sum3A_1453 : vector<16xf32>, vector<16xi1> -> vector<16xf32>
      %reduce_sum3A_1455 = vector.extract %reduce_sum3A_1454[15] : f32 from vector<16xf32>
      %broadcast_in_dim3A_1456 = vector.broadcast %reduce_sum3A_1455 : f32 to vector<16xf32>
      %select_n3A_1457 = arith.select %eq3A_1451, %broadcast_in_dim3A_1456, %select_n3A_1389 : vector<16xi1>, vector<16xf32>
      %slice3A_1458 = vector.extract_strided_slice %and3A_706 {offsets = [11], sizes = [1], strides = [1]} : vector<16xi32> to vector<1xi32>
      %squeeze3A_1459 = vector.extract %slice3A_1458[0] : i32 from vector<1xi32>
      %slice3A_1460 = vector.extract_strided_slice %and3A_711 {offsets = [11], sizes = [1], strides = [1]} : vector<16xi32> to vector<1xi32>
      %squeeze3A_1461 = vector.extract %slice3A_1460[0] : i32 from vector<1xi32>
      %get3A_1462 = arith.constant 11 : i32
      %get3A_1463 = arith.index_cast %and3A_661 : i32 to index
      %get3A_1464 = arith.index_cast %get3A_1462 : i32 to index
      %get3A_1465 = arith.index_cast %squeeze3A_1459 : i32 to index
      %get3A_1466 = arith.constant 0 : index
      %get3A_1467 = tpu.vector_load %arg11[%get3A_1463, %get3A_1464, %get3A_1465, %get3A_1466] {strides = array<i32>} : memref<2x16x8x64xf32, #tpu.memory_space<vmem>>, vector<16xf32>,
      %get3A_1468 = arith.constant 11 : i32
      %get3A_1469 = arith.index_cast %and3A_661 : i32 to index
      %get3A_1470 = arith.index_cast %get3A_1468 : i32 to index
      %get3A_1471 = arith.index_cast %squeeze3A_1461 : i32 to index
      %get3A_1472 = arith.constant 0 : index
      %get3A_1473 = tpu.vector_load %arg12[%get3A_1469, %get3A_1470, %get3A_1471, %get3A_1472] {strides = array<i32>} : memref<2x16x8x64xf32, #tpu.memory_space<vmem>>, vector<16xf32>,
      %mul3A_1474 = arith.mulf %get3A_1467, %get3A_1473 : vector<16xf32>
      %get3A_1475 = arith.constant 11 : i32
      %get3A_1476 = arith.index_cast %and3A_661 : i32 to index
      %get3A_1477 = arith.index_cast %get3A_1475 : i32 to index
      %get3A_1478 = arith.index_cast %squeeze3A_1459 : i32 to index
      %get3A_1479 = arith.constant 16 : index
      %get3A_1480 = tpu.vector_load %arg11[%get3A_1476, %get3A_1477, %get3A_1478, %get3A_1479] {strides = array<i32>} : memref<2x16x8x64xf32, #tpu.memory_space<vmem>>, vector<16xf32>,
      %get3A_1481 = arith.constant 11 : i32
      %get3A_1482 = arith.index_cast %and3A_661 : i32 to index
      %get3A_1483 = arith.index_cast %get3A_1481 : i32 to index
      %get3A_1484 = arith.index_cast %squeeze3A_1461 : i32 to index
      %get3A_1485 = arith.constant 16 : index
      %get3A_1486 = tpu.vector_load %arg12[%get3A_1482, %get3A_1483, %get3A_1484, %get3A_1485] {strides = array<i32>} : memref<2x16x8x64xf32, #tpu.memory_space<vmem>>, vector<16xf32>,
      %mul3A_1487 = arith.mulf %get3A_1480, %get3A_1486 : vector<16xf32>
      %add3A_1488 = arith.addf %mul3A_1474, %mul3A_1487 : vector<16xf32>
      %get3A_1489 = arith.constant 11 : i32
      %get3A_1490 = arith.index_cast %and3A_661 : i32 to index
      %get3A_1491 = arith.index_cast %get3A_1489 : i32 to index
      %get3A_1492 = arith.index_cast %squeeze3A_1459 : i32 to index
      %get3A_1493 = arith.constant 32 : index
      %get3A_1494 = tpu.vector_load %arg11[%get3A_1490, %get3A_1491, %get3A_1492, %get3A_1493] {strides = array<i32>} : memref<2x16x8x64xf32, #tpu.memory_space<vmem>>, vector<16xf32>,
      %get3A_1495 = arith.constant 11 : i32
      %get3A_1496 = arith.index_cast %and3A_661 : i32 to index
      %get3A_1497 = arith.index_cast %get3A_1495 : i32 to index
      %get3A_1498 = arith.index_cast %squeeze3A_1461 : i32 to index
      %get3A_1499 = arith.constant 32 : index
      %get3A_1500 = tpu.vector_load %arg12[%get3A_1496, %get3A_1497, %get3A_1498, %get3A_1499] {strides = array<i32>} : memref<2x16x8x64xf32, #tpu.memory_space<vmem>>, vector<16xf32>,
      %mul3A_1501 = arith.mulf %get3A_1494, %get3A_1500 : vector<16xf32>
      %add3A_1502 = arith.addf %add3A_1488, %mul3A_1501 : vector<16xf32>
      %get3A_1503 = arith.constant 11 : i32
      %get3A_1504 = arith.index_cast %and3A_661 : i32 to index
      %get3A_1505 = arith.index_cast %get3A_1503 : i32 to index
      %get3A_1506 = arith.index_cast %squeeze3A_1459 : i32 to index
      %get3A_1507 = arith.constant 48 : index
      %get3A_1508 = tpu.vector_load %arg11[%get3A_1504, %get3A_1505, %get3A_1506, %get3A_1507] {strides = array<i32>} : memref<2x16x8x64xf32, #tpu.memory_space<vmem>>, vector<16xf32>,
      %get3A_1509 = arith.constant 11 : i32
      %get3A_1510 = arith.index_cast %and3A_661 : i32 to index
      %get3A_1511 = arith.index_cast %get3A_1509 : i32 to index
      %get3A_1512 = arith.index_cast %squeeze3A_1461 : i32 to index
      %get3A_1513 = arith.constant 48 : index
      %get3A_1514 = tpu.vector_load %arg12[%get3A_1510, %get3A_1511, %get3A_1512, %get3A_1513] {strides = array<i32>} : memref<2x16x8x64xf32, #tpu.memory_space<vmem>>, vector<16xf32>,
      %mul3A_1515 = arith.mulf %get3A_1508, %get3A_1514 : vector<16xf32>
      %add3A_1516 = arith.addf %add3A_1502, %mul3A_1515 : vector<16xf32>
      %eq3A_1517 = arith.constant 11 : i32
      %eq3A_1518 = vector.broadcast %eq3A_1517 : i32 to vector<16xi32>
      %eq3A_1519 = arith.cmpi eq, %iota3A, %eq3A_1518 : vector<16xi32>
      %reduce_sum3A_1520 = arith.constant true
      %reduce_sum3A_1521 = vector.broadcast %reduce_sum3A_1520 : i1 to vector<16xi1>
      %reduce_sum3A_1522 = tpu.scan <sum>, %add3A_1516 masked %reduce_sum3A_1521 : vector<16xf32>, vector<16xi1> -> vector<16xf32>
      %reduce_sum3A_1523 = vector.extract %reduce_sum3A_1522[15] : f32 from vector<16xf32>
      %broadcast_in_dim3A_1524 = vector.broadcast %reduce_sum3A_1523 : f32 to vector<16xf32>
      %select_n3A_1525 = arith.select %eq3A_1519, %broadcast_in_dim3A_1524, %select_n3A_1457 : vector<16xi1>, vector<16xf32>
      %slice3A_1526 = vector.extract_strided_slice %and3A_706 {offsets = [12], sizes = [1], strides = [1]} : vector<16xi32> to vector<1xi32>
      %squeeze3A_1527 = vector.extract %slice3A_1526[0] : i32 from vector<1xi32>
      %slice3A_1528 = vector.extract_strided_slice %and3A_711 {offsets = [12], sizes = [1], strides = [1]} : vector<16xi32> to vector<1xi32>
      %squeeze3A_1529 = vector.extract %slice3A_1528[0] : i32 from vector<1xi32>
      %get3A_1530 = arith.constant 12 : i32
      %get3A_1531 = arith.index_cast %and3A_661 : i32 to index
      %get3A_1532 = arith.index_cast %get3A_1530 : i32 to index
      %get3A_1533 = arith.index_cast %squeeze3A_1527 : i32 to index
      %get3A_1534 = arith.constant 0 : index
      %get3A_1535 = tpu.vector_load %arg11[%get3A_1531, %get3A_1532, %get3A_1533, %get3A_1534] {strides = array<i32>} : memref<2x16x8x64xf32, #tpu.memory_space<vmem>>, vector<16xf32>,
      %get3A_1536 = arith.constant 12 : i32
      %get3A_1537 = arith.index_cast %and3A_661 : i32 to index
      %get3A_1538 = arith.index_cast %get3A_1536 : i32 to index
      %get3A_1539 = arith.index_cast %squeeze3A_1529 : i32 to index
      %get3A_1540 = arith.constant 0 : index
      %get3A_1541 = tpu.vector_load %arg12[%get3A_1537, %get3A_1538, %get3A_1539, %get3A_1540] {strides = array<i32>} : memref<2x16x8x64xf32, #tpu.memory_space<vmem>>, vector<16xf32>,
      %mul3A_1542 = arith.mulf %get3A_1535, %get3A_1541 : vector<16xf32>
      %get3A_1543 = arith.constant 12 : i32
      %get3A_1544 = arith.index_cast %and3A_661 : i32 to index
      %get3A_1545 = arith.index_cast %get3A_1543 : i32 to index
      %get3A_1546 = arith.index_cast %squeeze3A_1527 : i32 to index
      %get3A_1547 = arith.constant 16 : index
      %get3A_1548 = tpu.vector_load %arg11[%get3A_1544, %get3A_1545, %get3A_1546, %get3A_1547] {strides = array<i32>} : memref<2x16x8x64xf32, #tpu.memory_space<vmem>>, vector<16xf32>,
      %get3A_1549 = arith.constant 12 : i32
      %get3A_1550 = arith.index_cast %and3A_661 : i32 to index
      %get3A_1551 = arith.index_cast %get3A_1549 : i32 to index
      %get3A_1552 = arith.index_cast %squeeze3A_1529 : i32 to index
      %get3A_1553 = arith.constant 16 : index
      %get3A_1554 = tpu.vector_load %arg12[%get3A_1550, %get3A_1551, %get3A_1552, %get3A_1553] {strides = array<i32>} : memref<2x16x8x64xf32, #tpu.memory_space<vmem>>, vector<16xf32>,
      %mul3A_1555 = arith.mulf %get3A_1548, %get3A_1554 : vector<16xf32>
      %add3A_1556 = arith.addf %mul3A_1542, %mul3A_1555 : vector<16xf32>
      %get3A_1557 = arith.constant 12 : i32
      %get3A_1558 = arith.index_cast %and3A_661 : i32 to index
      %get3A_1559 = arith.index_cast %get3A_1557 : i32 to index
      %get3A_1560 = arith.index_cast %squeeze3A_1527 : i32 to index
      %get3A_1561 = arith.constant 32 : index
      %get3A_1562 = tpu.vector_load %arg11[%get3A_1558, %get3A_1559, %get3A_1560, %get3A_1561] {strides = array<i32>} : memref<2x16x8x64xf32, #tpu.memory_space<vmem>>, vector<16xf32>,
      %get3A_1563 = arith.constant 12 : i32
      %get3A_1564 = arith.index_cast %and3A_661 : i32 to index
      %get3A_1565 = arith.index_cast %get3A_1563 : i32 to index
      %get3A_1566 = arith.index_cast %squeeze3A_1529 : i32 to index
      %get3A_1567 = arith.constant 32 : index
      %get3A_1568 = tpu.vector_load %arg12[%get3A_1564, %get3A_1565, %get3A_1566, %get3A_1567] {strides = array<i32>} : memref<2x16x8x64xf32, #tpu.memory_space<vmem>>, vector<16xf32>,
      %mul3A_1569 = arith.mulf %get3A_1562, %get3A_1568 : vector<16xf32>
      %add3A_1570 = arith.addf %add3A_1556, %mul3A_1569 : vector<16xf32>
      %get3A_1571 = arith.constant 12 : i32
      %get3A_1572 = arith.index_cast %and3A_661 : i32 to index
      %get3A_1573 = arith.index_cast %get3A_1571 : i32 to index
      %get3A_1574 = arith.index_cast %squeeze3A_1527 : i32 to index
      %get3A_1575 = arith.constant 48 : index
      %get3A_1576 = tpu.vector_load %arg11[%get3A_1572, %get3A_1573, %get3A_1574, %get3A_1575] {strides = array<i32>} : memref<2x16x8x64xf32, #tpu.memory_space<vmem>>, vector<16xf32>,
      %get3A_1577 = arith.constant 12 : i32
      %get3A_1578 = arith.index_cast %and3A_661 : i32 to index
      %get3A_1579 = arith.index_cast %get3A_1577 : i32 to index
      %get3A_1580 = arith.index_cast %squeeze3A_1529 : i32 to index
      %get3A_1581 = arith.constant 48 : index
      %get3A_1582 = tpu.vector_load %arg12[%get3A_1578, %get3A_1579, %get3A_1580, %get3A_1581] {strides = array<i32>} : memref<2x16x8x64xf32, #tpu.memory_space<vmem>>, vector<16xf32>,
      %mul3A_1583 = arith.mulf %get3A_1576, %get3A_1582 : vector<16xf32>
      %add3A_1584 = arith.addf %add3A_1570, %mul3A_1583 : vector<16xf32>
      %eq3A_1585 = arith.constant 12 : i32
      %eq3A_1586 = vector.broadcast %eq3A_1585 : i32 to vector<16xi32>
      %eq3A_1587 = arith.cmpi eq, %iota3A, %eq3A_1586 : vector<16xi32>
      %reduce_sum3A_1588 = arith.constant true
      %reduce_sum3A_1589 = vector.broadcast %reduce_sum3A_1588 : i1 to vector<16xi1>
      %reduce_sum3A_1590 = tpu.scan <sum>, %add3A_1584 masked %reduce_sum3A_1589 : vector<16xf32>, vector<16xi1> -> vector<16xf32>
      %reduce_sum3A_1591 = vector.extract %reduce_sum3A_1590[15] : f32 from vector<16xf32>
      %broadcast_in_dim3A_1592 = vector.broadcast %reduce_sum3A_1591 : f32 to vector<16xf32>
      %select_n3A_1593 = arith.select %eq3A_1587, %broadcast_in_dim3A_1592, %select_n3A_1525 : vector<16xi1>, vector<16xf32>
      %slice3A_1594 = vector.extract_strided_slice %and3A_706 {offsets = [13], sizes = [1], strides = [1]} : vector<16xi32> to vector<1xi32>
      %squeeze3A_1595 = vector.extract %slice3A_1594[0] : i32 from vector<1xi32>
      %slice3A_1596 = vector.extract_strided_slice %and3A_711 {offsets = [13], sizes = [1], strides = [1]} : vector<16xi32> to vector<1xi32>
      %squeeze3A_1597 = vector.extract %slice3A_1596[0] : i32 from vector<1xi32>
      %get3A_1598 = arith.constant 13 : i32
      %get3A_1599 = arith.index_cast %and3A_661 : i32 to index
      %get3A_1600 = arith.index_cast %get3A_1598 : i32 to index
      %get3A_1601 = arith.index_cast %squeeze3A_1595 : i32 to index
      %get3A_1602 = arith.constant 0 : index
      %get3A_1603 = tpu.vector_load %arg11[%get3A_1599, %get3A_1600, %get3A_1601, %get3A_1602] {strides = array<i32>} : memref<2x16x8x64xf32, #tpu.memory_space<vmem>>, vector<16xf32>,
      %get3A_1604 = arith.constant 13 : i32
      %get3A_1605 = arith.index_cast %and3A_661 : i32 to index
      %get3A_1606 = arith.index_cast %get3A_1604 : i32 to index
      %get3A_1607 = arith.index_cast %squeeze3A_1597 : i32 to index
      %get3A_1608 = arith.constant 0 : index
      %get3A_1609 = tpu.vector_load %arg12[%get3A_1605, %get3A_1606, %get3A_1607, %get3A_1608] {strides = array<i32>} : memref<2x16x8x64xf32, #tpu.memory_space<vmem>>, vector<16xf32>,
      %mul3A_1610 = arith.mulf %get3A_1603, %get3A_1609 : vector<16xf32>
      %get3A_1611 = arith.constant 13 : i32
      %get3A_1612 = arith.index_cast %and3A_661 : i32 to index
      %get3A_1613 = arith.index_cast %get3A_1611 : i32 to index
      %get3A_1614 = arith.index_cast %squeeze3A_1595 : i32 to index
      %get3A_1615 = arith.constant 16 : index
      %get3A_1616 = tpu.vector_load %arg11[%get3A_1612, %get3A_1613, %get3A_1614, %get3A_1615] {strides = array<i32>} : memref<2x16x8x64xf32, #tpu.memory_space<vmem>>, vector<16xf32>,
      %get3A_1617 = arith.constant 13 : i32
      %get3A_1618 = arith.index_cast %and3A_661 : i32 to index
      %get3A_1619 = arith.index_cast %get3A_1617 : i32 to index
      %get3A_1620 = arith.index_cast %squeeze3A_1597 : i32 to index
      %get3A_1621 = arith.constant 16 : index
      %get3A_1622 = tpu.vector_load %arg12[%get3A_1618, %get3A_1619, %get3A_1620, %get3A_1621] {strides = array<i32>} : memref<2x16x8x64xf32, #tpu.memory_space<vmem>>, vector<16xf32>,
      %mul3A_1623 = arith.mulf %get3A_1616, %get3A_1622 : vector<16xf32>
      %add3A_1624 = arith.addf %mul3A_1610, %mul3A_1623 : vector<16xf32>
      %get3A_1625 = arith.constant 13 : i32
      %get3A_1626 = arith.index_cast %and3A_661 : i32 to index
      %get3A_1627 = arith.index_cast %get3A_1625 : i32 to index
      %get3A_1628 = arith.index_cast %squeeze3A_1595 : i32 to index
      %get3A_1629 = arith.constant 32 : index
      %get3A_1630 = tpu.vector_load %arg11[%get3A_1626, %get3A_1627, %get3A_1628, %get3A_1629] {strides = array<i32>} : memref<2x16x8x64xf32, #tpu.memory_space<vmem>>, vector<16xf32>,
      %get3A_1631 = arith.constant 13 : i32
      %get3A_1632 = arith.index_cast %and3A_661 : i32 to index
      %get3A_1633 = arith.index_cast %get3A_1631 : i32 to index
      %get3A_1634 = arith.index_cast %squeeze3A_1597 : i32 to index
      %get3A_1635 = arith.constant 32 : index
      %get3A_1636 = tpu.vector_load %arg12[%get3A_1632, %get3A_1633, %get3A_1634, %get3A_1635] {strides = array<i32>} : memref<2x16x8x64xf32, #tpu.memory_space<vmem>>, vector<16xf32>,
      %mul3A_1637 = arith.mulf %get3A_1630, %get3A_1636 : vector<16xf32>
      %add3A_1638 = arith.addf %add3A_1624, %mul3A_1637 : vector<16xf32>
      %get3A_1639 = arith.constant 13 : i32
      %get3A_1640 = arith.index_cast %and3A_661 : i32 to index
      %get3A_1641 = arith.index_cast %get3A_1639 : i32 to index
      %get3A_1642 = arith.index_cast %squeeze3A_1595 : i32 to index
      %get3A_1643 = arith.constant 48 : index
      %get3A_1644 = tpu.vector_load %arg11[%get3A_1640, %get3A_1641, %get3A_1642, %get3A_1643] {strides = array<i32>} : memref<2x16x8x64xf32, #tpu.memory_space<vmem>>, vector<16xf32>,
      %get3A_1645 = arith.constant 13 : i32
      %get3A_1646 = arith.index_cast %and3A_661 : i32 to index
      %get3A_1647 = arith.index_cast %get3A_1645 : i32 to index
      %get3A_1648 = arith.index_cast %squeeze3A_1597 : i32 to index
      %get3A_1649 = arith.constant 48 : index
      %get3A_1650 = tpu.vector_load %arg12[%get3A_1646, %get3A_1647, %get3A_1648, %get3A_1649] {strides = array<i32>} : memref<2x16x8x64xf32, #tpu.memory_space<vmem>>, vector<16xf32>,
      %mul3A_1651 = arith.mulf %get3A_1644, %get3A_1650 : vector<16xf32>
      %add3A_1652 = arith.addf %add3A_1638, %mul3A_1651 : vector<16xf32>
      %eq3A_1653 = arith.constant 13 : i32
      %eq3A_1654 = vector.broadcast %eq3A_1653 : i32 to vector<16xi32>
      %eq3A_1655 = arith.cmpi eq, %iota3A, %eq3A_1654 : vector<16xi32>
      %reduce_sum3A_1656 = arith.constant true
      %reduce_sum3A_1657 = vector.broadcast %reduce_sum3A_1656 : i1 to vector<16xi1>
      %reduce_sum3A_1658 = tpu.scan <sum>, %add3A_1652 masked %reduce_sum3A_1657 : vector<16xf32>, vector<16xi1> -> vector<16xf32>
      %reduce_sum3A_1659 = vector.extract %reduce_sum3A_1658[15] : f32 from vector<16xf32>
      %broadcast_in_dim3A_1660 = vector.broadcast %reduce_sum3A_1659 : f32 to vector<16xf32>
      %select_n3A_1661 = arith.select %eq3A_1655, %broadcast_in_dim3A_1660, %select_n3A_1593 : vector<16xi1>, vector<16xf32>
      %slice3A_1662 = vector.extract_strided_slice %and3A_706 {offsets = [14], sizes = [1], strides = [1]} : vector<16xi32> to vector<1xi32>
      %squeeze3A_1663 = vector.extract %slice3A_1662[0] : i32 from vector<1xi32>
      %slice3A_1664 = vector.extract_strided_slice %and3A_711 {offsets = [14], sizes = [1], strides = [1]} : vector<16xi32> to vector<1xi32>
      %squeeze3A_1665 = vector.extract %slice3A_1664[0] : i32 from vector<1xi32>
      %get3A_1666 = arith.constant 14 : i32
      %get3A_1667 = arith.index_cast %and3A_661 : i32 to index
      %get3A_1668 = arith.index_cast %get3A_1666 : i32 to index
      %get3A_1669 = arith.index_cast %squeeze3A_1663 : i32 to index
      %get3A_1670 = arith.constant 0 : index
      %get3A_1671 = tpu.vector_load %arg11[%get3A_1667, %get3A_1668, %get3A_1669, %get3A_1670] {strides = array<i32>} : memref<2x16x8x64xf32, #tpu.memory_space<vmem>>, vector<16xf32>,
      %get3A_1672 = arith.constant 14 : i32
      %get3A_1673 = arith.index_cast %and3A_661 : i32 to index
      %get3A_1674 = arith.index_cast %get3A_1672 : i32 to index
      %get3A_1675 = arith.index_cast %squeeze3A_1665 : i32 to index
      %get3A_1676 = arith.constant 0 : index
      %get3A_1677 = tpu.vector_load %arg12[%get3A_1673, %get3A_1674, %get3A_1675, %get3A_1676] {strides = array<i32>} : memref<2x16x8x64xf32, #tpu.memory_space<vmem>>, vector<16xf32>,
      %mul3A_1678 = arith.mulf %get3A_1671, %get3A_1677 : vector<16xf32>
      %get3A_1679 = arith.constant 14 : i32
      %get3A_1680 = arith.index_cast %and3A_661 : i32 to index
      %get3A_1681 = arith.index_cast %get3A_1679 : i32 to index
      %get3A_1682 = arith.index_cast %squeeze3A_1663 : i32 to index
      %get3A_1683 = arith.constant 16 : index
      %get3A_1684 = tpu.vector_load %arg11[%get3A_1680, %get3A_1681, %get3A_1682, %get3A_1683] {strides = array<i32>} : memref<2x16x8x64xf32, #tpu.memory_space<vmem>>, vector<16xf32>,
      %get3A_1685 = arith.constant 14 : i32
      %get3A_1686 = arith.index_cast %and3A_661 : i32 to index
      %get3A_1687 = arith.index_cast %get3A_1685 : i32 to index
      %get3A_1688 = arith.index_cast %squeeze3A_1665 : i32 to index
      %get3A_1689 = arith.constant 16 : index
      %get3A_1690 = tpu.vector_load %arg12[%get3A_1686, %get3A_1687, %get3A_1688, %get3A_1689] {strides = array<i32>} : memref<2x16x8x64xf32, #tpu.memory_space<vmem>>, vector<16xf32>,
      %mul3A_1691 = arith.mulf %get3A_1684, %get3A_1690 : vector<16xf32>
      %add3A_1692 = arith.addf %mul3A_1678, %mul3A_1691 : vector<16xf32>
      %get3A_1693 = arith.constant 14 : i32
      %get3A_1694 = arith.index_cast %and3A_661 : i32 to index
      %get3A_1695 = arith.index_cast %get3A_1693 : i32 to index
      %get3A_1696 = arith.index_cast %squeeze3A_1663 : i32 to index
      %get3A_1697 = arith.constant 32 : index
      %get3A_1698 = tpu.vector_load %arg11[%get3A_1694, %get3A_1695, %get3A_1696, %get3A_1697] {strides = array<i32>} : memref<2x16x8x64xf32, #tpu.memory_space<vmem>>, vector<16xf32>,
      %get3A_1699 = arith.constant 14 : i32
      %get3A_1700 = arith.index_cast %and3A_661 : i32 to index
      %get3A_1701 = arith.index_cast %get3A_1699 : i32 to index
      %get3A_1702 = arith.index_cast %squeeze3A_1665 : i32 to index
      %get3A_1703 = arith.constant 32 : index
      %get3A_1704 = tpu.vector_load %arg12[%get3A_1700, %get3A_1701, %get3A_1702, %get3A_1703] {strides = array<i32>} : memref<2x16x8x64xf32, #tpu.memory_space<vmem>>, vector<16xf32>,
      %mul3A_1705 = arith.mulf %get3A_1698, %get3A_1704 : vector<16xf32>
      %add3A_1706 = arith.addf %add3A_1692, %mul3A_1705 : vector<16xf32>
      %get3A_1707 = arith.constant 14 : i32
      %get3A_1708 = arith.index_cast %and3A_661 : i32 to index
      %get3A_1709 = arith.index_cast %get3A_1707 : i32 to index
      %get3A_1710 = arith.index_cast %squeeze3A_1663 : i32 to index
      %get3A_1711 = arith.constant 48 : index
      %get3A_1712 = tpu.vector_load %arg11[%get3A_1708, %get3A_1709, %get3A_1710, %get3A_1711] {strides = array<i32>} : memref<2x16x8x64xf32, #tpu.memory_space<vmem>>, vector<16xf32>,
      %get3A_1713 = arith.constant 14 : i32
      %get3A_1714 = arith.index_cast %and3A_661 : i32 to index
      %get3A_1715 = arith.index_cast %get3A_1713 : i32 to index
      %get3A_1716 = arith.index_cast %squeeze3A_1665 : i32 to index
      %get3A_1717 = arith.constant 48 : index
      %get3A_1718 = tpu.vector_load %arg12[%get3A_1714, %get3A_1715, %get3A_1716, %get3A_1717] {strides = array<i32>} : memref<2x16x8x64xf32, #tpu.memory_space<vmem>>, vector<16xf32>,
      %mul3A_1719 = arith.mulf %get3A_1712, %get3A_1718 : vector<16xf32>
      %add3A_1720 = arith.addf %add3A_1706, %mul3A_1719 : vector<16xf32>
      %eq3A_1721 = arith.constant 14 : i32
      %eq3A_1722 = vector.broadcast %eq3A_1721 : i32 to vector<16xi32>
      %eq3A_1723 = arith.cmpi eq, %iota3A, %eq3A_1722 : vector<16xi32>
      %reduce_sum3A_1724 = arith.constant true
      %reduce_sum3A_1725 = vector.broadcast %reduce_sum3A_1724 : i1 to vector<16xi1>
      %reduce_sum3A_1726 = tpu.scan <sum>, %add3A_1720 masked %reduce_sum3A_1725 : vector<16xf32>, vector<16xi1> -> vector<16xf32>
      %reduce_sum3A_1727 = vector.extract %reduce_sum3A_1726[15] : f32 from vector<16xf32>
      %broadcast_in_dim3A_1728 = vector.broadcast %reduce_sum3A_1727 : f32 to vector<16xf32>
      %select_n3A_1729 = arith.select %eq3A_1723, %broadcast_in_dim3A_1728, %select_n3A_1661 : vector<16xi1>, vector<16xf32>
      %slice3A_1730 = vector.extract_strided_slice %and3A_706 {offsets = [15], sizes = [1], strides = [1]} : vector<16xi32> to vector<1xi32>
      %squeeze3A_1731 = vector.extract %slice3A_1730[0] : i32 from vector<1xi32>
      %slice3A_1732 = vector.extract_strided_slice %and3A_711 {offsets = [15], sizes = [1], strides = [1]} : vector<16xi32> to vector<1xi32>
      %squeeze3A_1733 = vector.extract %slice3A_1732[0] : i32 from vector<1xi32>
      %get3A_1734 = arith.constant 15 : i32
      %get3A_1735 = arith.index_cast %and3A_661 : i32 to index
      %get3A_1736 = arith.index_cast %get3A_1734 : i32 to index
      %get3A_1737 = arith.index_cast %squeeze3A_1731 : i32 to index
      %get3A_1738 = arith.constant 0 : index
      %get3A_1739 = tpu.vector_load %arg11[%get3A_1735, %get3A_1736, %get3A_1737, %get3A_1738] {strides = array<i32>} : memref<2x16x8x64xf32, #tpu.memory_space<vmem>>, vector<16xf32>,
      %get3A_1740 = arith.constant 15 : i32
      %get3A_1741 = arith.index_cast %and3A_661 : i32 to index
      %get3A_1742 = arith.index_cast %get3A_1740 : i32 to index
      %get3A_1743 = arith.index_cast %squeeze3A_1733 : i32 to index
      %get3A_1744 = arith.constant 0 : index
      %get3A_1745 = tpu.vector_load %arg12[%get3A_1741, %get3A_1742, %get3A_1743, %get3A_1744] {strides = array<i32>} : memref<2x16x8x64xf32, #tpu.memory_space<vmem>>, vector<16xf32>,
      %mul3A_1746 = arith.mulf %get3A_1739, %get3A_1745 : vector<16xf32>
      %get3A_1747 = arith.constant 15 : i32
      %get3A_1748 = arith.index_cast %and3A_661 : i32 to index
      %get3A_1749 = arith.index_cast %get3A_1747 : i32 to index
      %get3A_1750 = arith.index_cast %squeeze3A_1731 : i32 to index
      %get3A_1751 = arith.constant 16 : index
      %get3A_1752 = tpu.vector_load %arg11[%get3A_1748, %get3A_1749, %get3A_1750, %get3A_1751] {strides = array<i32>} : memref<2x16x8x64xf32, #tpu.memory_space<vmem>>, vector<16xf32>,
      %get3A_1753 = arith.constant 15 : i32
      %get3A_1754 = arith.index_cast %and3A_661 : i32 to index
      %get3A_1755 = arith.index_cast %get3A_1753 : i32 to index
      %get3A_1756 = arith.index_cast %squeeze3A_1733 : i32 to index
      %get3A_1757 = arith.constant 16 : index
      %get3A_1758 = tpu.vector_load %arg12[%get3A_1754, %get3A_1755, %get3A_1756, %get3A_1757] {strides = array<i32>} : memref<2x16x8x64xf32, #tpu.memory_space<vmem>>, vector<16xf32>,
      %mul3A_1759 = arith.mulf %get3A_1752, %get3A_1758 : vector<16xf32>
      %add3A_1760 = arith.addf %mul3A_1746, %mul3A_1759 : vector<16xf32>
      %get3A_1761 = arith.constant 15 : i32
      %get3A_1762 = arith.index_cast %and3A_661 : i32 to index
      %get3A_1763 = arith.index_cast %get3A_1761 : i32 to index
      %get3A_1764 = arith.index_cast %squeeze3A_1731 : i32 to index
      %get3A_1765 = arith.constant 32 : index
      %get3A_1766 = tpu.vector_load %arg11[%get3A_1762, %get3A_1763, %get3A_1764, %get3A_1765] {strides = array<i32>} : memref<2x16x8x64xf32, #tpu.memory_space<vmem>>, vector<16xf32>,
      %get3A_1767 = arith.constant 15 : i32
      %get3A_1768 = arith.index_cast %and3A_661 : i32 to index
      %get3A_1769 = arith.index_cast %get3A_1767 : i32 to index
      %get3A_1770 = arith.index_cast %squeeze3A_1733 : i32 to index
      %get3A_1771 = arith.constant 32 : index
      %get3A_1772 = tpu.vector_load %arg12[%get3A_1768, %get3A_1769, %get3A_1770, %get3A_1771] {strides = array<i32>} : memref<2x16x8x64xf32, #tpu.memory_space<vmem>>, vector<16xf32>,
      %mul3A_1773 = arith.mulf %get3A_1766, %get3A_1772 : vector<16xf32>
      %add3A_1774 = arith.addf %add3A_1760, %mul3A_1773 : vector<16xf32>
      %get3A_1775 = arith.constant 15 : i32
      %get3A_1776 = arith.index_cast %and3A_661 : i32 to index
      %get3A_1777 = arith.index_cast %get3A_1775 : i32 to index
      %get3A_1778 = arith.index_cast %squeeze3A_1731 : i32 to index
      %get3A_1779 = arith.constant 48 : index
      %get3A_1780 = tpu.vector_load %arg11[%get3A_1776, %get3A_1777, %get3A_1778, %get3A_1779] {strides = array<i32>} : memref<2x16x8x64xf32, #tpu.memory_space<vmem>>, vector<16xf32>,
      %get3A_1781 = arith.constant 15 : i32
      %get3A_1782 = arith.index_cast %and3A_661 : i32 to index
      %get3A_1783 = arith.index_cast %get3A_1781 : i32 to index
      %get3A_1784 = arith.index_cast %squeeze3A_1733 : i32 to index
      %get3A_1785 = arith.constant 48 : index
      %get3A_1786 = tpu.vector_load %arg12[%get3A_1782, %get3A_1783, %get3A_1784, %get3A_1785] {strides = array<i32>} : memref<2x16x8x64xf32, #tpu.memory_space<vmem>>, vector<16xf32>,
      %mul3A_1787 = arith.mulf %get3A_1780, %get3A_1786 : vector<16xf32>
      %add3A_1788 = arith.addf %add3A_1774, %mul3A_1787 : vector<16xf32>
      %eq3A_1789 = arith.constant 15 : i32
      %eq3A_1790 = vector.broadcast %eq3A_1789 : i32 to vector<16xi32>
      %eq3A_1791 = arith.cmpi eq, %iota3A, %eq3A_1790 : vector<16xi32>
      %reduce_sum3A_1792 = arith.constant true
      %reduce_sum3A_1793 = vector.broadcast %reduce_sum3A_1792 : i1 to vector<16xi1>
      %reduce_sum3A_1794 = tpu.scan <sum>, %add3A_1788 masked %reduce_sum3A_1793 : vector<16xf32>, vector<16xi1> -> vector<16xf32>
      %reduce_sum3A_1795 = vector.extract %reduce_sum3A_1794[15] : f32 from vector<16xf32>
      %broadcast_in_dim3A_1796 = vector.broadcast %reduce_sum3A_1795 : f32 to vector<16xf32>
      %select_n3A_1797 = arith.select %eq3A_1791, %broadcast_in_dim3A_1796, %select_n3A_1729 : vector<16xi1>, vector<16xf32>
      %get3A_1798 = arith.index_cast %mul3A_701 : i32 to index
      %get3A_1799 = tpu.vector_load %arg13[%get3A_1798] {strides = array<i32>} : memref<512xf32, #tpu.memory_space<vmem>>, vector<16xf32>,
      %add3A_1800 = arith.addf %select_n3A_1797, %get3A_1799 : vector<16xf32>
      %get3A_1801 = arith.index_cast %mul3A_701 : i32 to index
      %get3A_1802 = tpu.vector_load %arg14[%get3A_1801] {strides = array<i32>} : memref<512xf32, #tpu.memory_space<vmem>>, vector<16xf32>,
      %add3A_1803 = arith.addf %add3A_1800, %get3A_1802 : vector<16xf32>
      %neg3A = arith.constant 0.000000e+00 : f32
      %neg3A_1804 = vector.broadcast %neg3A : f32 to vector<16xf32>
      %neg3A_1805 = arith.subf %neg3A_1804, %add3A_1803 : vector<16xf32>
      %exp3A = math.exp %neg3A_1805 : vector<16xf32>
      %add3A_1806 = arith.constant 1.000000e+00 : f32
      %add3A_1807 = vector.broadcast %add3A_1806 : f32 to vector<16xf32>
      %add3A_1808 = arith.addf %add3A_1807, %exp3A : vector<16xf32>
      %div3A = arith.constant 1.000000e+00 : f32
      %div3A_1809 = vector.broadcast %div3A : f32 to vector<16xf32>
      %div3A_1810 = arith.divf %div3A_1809, %add3A_1808 : vector<16xf32>
      %mul3A_1811 = arith.constant 1.200000e+00 : f32
      %mul3A_1812 = vector.broadcast %mul3A_1811 : f32 to vector<16xf32>
      %mul3A_1813 = arith.mulf %div3A_1810, %mul3A_1812 : vector<16xf32>
      %sub3A = arith.constant 1.000000e-01 : f32
      %sub3A_1814 = vector.broadcast %sub3A : f32 to vector<16xf32>
      %sub3A_1815 = arith.subf %mul3A_1813, %sub3A_1814 : vector<16xf32>
      %swap3A = arith.index_cast %mul3A_701 : i32 to index
      %swap3A_1816 = tpu.vector_load %arg15[%swap3A] {strides = array<i32>} : memref<512xf32, #tpu.memory_space<vmem>>, vector<16xf32>,
      tpu.vector_store %arg15[%swap3A], %sub3A_1815 {strides = array<i32>} : memref<512xf32, #tpu.memory_space<vmem>>, vector<16xf32>,
    }
    %scan3A_659 = arith.constant 32 : i32
    "tpu.region"() ({
      %run_scoped3A = tpu.sem_alloc : memref<!tpu.dma_semaphore, #tpu.memory_space<semaphore_mem>>
      %dma_start3A_660 = tpu.memref_slice %arg8[%mul3A_2] : memref<16384xf32, #tpu.memory_space<hbm>> -> memref<512xf32, #tpu.memory_space<hbm>>
      %dma_start3A_661 = tpu.memref_slice %arg8[%mul3A_2] : memref<16384xf32, #tpu.memory_space<hbm>> -> memref<512xf32, #tpu.memory_space<hbm>>
      tpu.enqueue_dma source(%arg15 : memref<512xf32, #tpu.memory_space<vmem>>) target(%dma_start3A_661 : memref<512xf32, #tpu.memory_space<hbm>>) target_semaphore(%run_scoped3A : memref<!tpu.dma_semaphore, #tpu.memory_space<semaphore_mem>>)
      %dma_wait3A_662 = tpu.memref_slice %arg8[%mul3A_2] : memref<16384xf32, #tpu.memory_space<hbm>> -> memref<512xf32, #tpu.memory_space<hbm>>
      %dma_wait3A_663 = tpu.memref_slice %arg8[%mul3A_2] : memref<16384xf32, #tpu.memory_space<hbm>> -> memref<512xf32, #tpu.memory_space<hbm>>
      tpu.wait_dma2 semaphore(%run_scoped3A : memref<!tpu.dma_semaphore, #tpu.memory_space<semaphore_mem>>) src(%arg15 : memref<512xf32, #tpu.memory_space<vmem>>) dst(%dma_wait3A_663 : memref<512xf32, #tpu.memory_space<hbm>>)
      tpu.yield
    }) : () -> ()
    return
  }
}

</mosaic_0001>

<sc_bundles>
// kernel: kernel.3.cloned.1.call-start
scs
__scs_entry_jumppad:
0x0: {  	(pc) =	sbr.rel $0x88, $3  }
0x1: {  	(tag) =	ssettag $0x0;
	lr =	simm.s32 $0x1  }
0x2: {  	[smem:$0x3F9B] =	sst lr;
	_ =	strace $0xD0000000  }
0x3: {  	_ = 	snop  }
0x4: {  	_ = 	snop  }
0x5: {  	_ = 	snop  }
0x6: {  	_ = 	snop  }
0x7: {  	_ = 	snop  }
__scs_overlays_trampoline_lowered:
0x8: {  	[smem:$0x3FAA] =	sst s0  }
0x9: {  	[smem:$0x3FAB] =	sst s1  }
0xa: {  	[smem:$0x3FAC] =	sst s2  }
0xb: {  	[smem:$0x3FAD] =	sst s3  }
0xc: {  	[smem:$0x3FAE] =	sst s4  }
0xd: {  	[smem:$0x3FAF] =	sst s5  }
0xe: {  	[smem:$0x3FB0] =	sst s6  }
0xf: {  	[smem:$0x3FB1] =	sst s7  }
0x10: {  	[smem:$0x3FB2] =	sst s8  }
0x11: {  	[smem:$0x3FB3] =	sst s9;
	s0 =	simm.s32 @!p0 $0x0  }
0x12: {  	s1 =	sld [smem:$0x3F99];
	s0 =	simm.s32 @p0 $0x1  }
0x13: {  	[smem:$0x3FB4] =	sst s0;
	s0 =	simm.s32 @!p1 $0x0  }
0x14: {  	s2 =	sld [smem:$0x3F98];
	s0 =	simm.s32 @p1 $0x1  }
0x15: {  	[smem:$0x3FB5] =	sst s0;
	s0 =	simm.s32 @!p2 $0x0  }
0x16: {  	s3 =	sld [smem:$0x3FDB];
	s0 =	simm.s32 @p2 $0x1  }
0x17: {  	s4 =	simm.s32 $0x1BF5;
	[smem:$0x3FB7] =	sst s0  }
0x18: {  	s0 =	sld [smem:$0x3F9A];
	_ =	swait.ge [sflag:s4], $0x0  }
0x19: {  	s7 =	sld [smem:$0x3F9B]  }
0x1a: {  	s8 =	sadd.s32 $0xFFFFE003, lr  }
0x1b: {  	s9 =	sadd.s32 $0xFFFFFEF7, lr;
	s5 =	simm.s32 $0xFFFFFFFF;
	p2 =	slt.u32 s8, $0xFFFFF086  }
0x1c: {  	p1 =	slt.u32 s9, $0xF7A;
	s5 =	simm.s32 @!p2 $0x0  }
0x1d: {  	s5 =	simm.s32 @p1 $0x1;
	p0 =	seq.s32 s7, s2  }
0x1e: {  	s7 =	smul.u32 @!p0 $0xF7A, s2;
	p2 =	seq.s32 @!p0 s5, $0x0  }
0x1f: {  	s9 =	smul.u32 $0xF7A, s1;
	s8 =	simm.s32 @!p0 $0x1BF5;
	p2 =	por !p2, p0  }
0x20: {  	[sflag:s8] =	ssyncset.s32 @!p0 $0xFFFFF086;
	s6 =	sadd.s32 @!p0 s3, s7;
	s7 =	simm.s32 @!p0 $0x108  }
0x21: {  	s3 =	sadd.s32 s3, s9;
	s6 =	sadd.s32 @!p0 $0x88, s6;
	s7 =	simm.s32 @p2 $0x1082  }
0x22: {  	[simem:s7], [sflag:s8] =	dma.local @!p0 [hbm:s6], $0xF7A  }
0x23: {  	s9 =	sor.u32 $0xD0000000, s2;
	s6 =	simm.s32 $0x108;
	_ =	swait.ge @!p0 [sflag:s8], $0x0  }
0x24: {  	s3 =	sadd.s32 $0x88, s3;
	s6 =	simm.s32 @!p1 $0x1082;
	[sflag:s4] =	ssyncset.s32 $0xFFFFF086  }
0x25: {  	[simem:s6], [sflag:s4] =	dma.local [hbm:s3], $0xF7A  }
0x26: {  	[smem:$0x3F9B] =	sst s1;
	(tag) =	ssettag s2;
	_ =	strace s9  }
0x27: {  	s1 =	sld [smem:$0x3FAB]  }
0x28: {  	s2 =	sld [smem:$0x3FAC]  }
0x29: {  	s4 =	sld [smem:$0x3FAE]  }
0x2a: {  	p0 =	seq.s32 s5, $0x0;
	s5 =	sld [smem:$0x3FAF]  }
0x2b: {  	s6 =	sld [smem:$0x3FB0]  }
0x2c: {  	s7 =	sld [smem:$0x3FB1]  }
0x2d: {  	s3 =	simm.s32 $0x108;
	s8 =	sld [smem:$0x3FB2]  }
0x2e: {  	s3 =	simm.s32 @!p0 $0x1082;
	s9 =	sld [smem:$0x3FB3]  }
0x2f: {  	lr =	sadd.s32 s0, s3;
	s0 =	sld [smem:$0x3FAA]  }
0x30: {  	s3 =	sld [smem:$0x3FAD]  }
0x31: {  	[smem:$0x3FB6] =	sst s10  }
0x32: {  	s10 =	sld [smem:$0x3FB4];
	_ =	sdelay $0x3  }
0x33: {  	p0 =	seq.s32 s10, $0x1;
	s10 =	sld [smem:$0x3FB6];
	_ =	sdelay $0x3  }
0x34: {  	[smem:$0x3FB6] =	sst s10  }
0x35: {  	s10 =	sld [smem:$0x3FB5];
	_ =	sdelay $0x3  }
0x36: {  	p1 =	seq.s32 s10, $0x1;
	s10 =	sld [smem:$0x3FB6];
	_ =	sdelay $0x3  }
0x37: {  	[smem:$0x3FB6] =	sst s10  }
0x38: {  	s10 =	sld [smem:$0x3FB7]  }
0x39: {  	_ = 	snop;
	(pc) =	sbr.ind lr, $3  }
0x3a: {  	_ = 	snop  }
0x3b: {  	_ = 	snop  }
0x3c: {  	p2 =	seq.s32 s10, $0x1;
	s10 =	sld [smem:$0x3FB6]  }
0x3d: {  	_ =	shalt  }
0x3e: {  	_ =	shalt  }
0x3f: {  	_ =	shalt  }
0x40: {  	_ =	shalt  }
0x41: {  	_ =	shalt  }
0x42: {  	_ =	shalt  }
0x43: {  	_ =	shalt  }
0x44: {  	_ =	shalt  }
0x45: {  	_ =	shalt  }
0x46: {  	_ =	shalt  }
0x47: {  	_ =	shalt  }
0x48: {  	_ =	shalt  }
0x49: {  	_ =	shalt  }
0x4a: {  	_ =	shalt  }
0x4b: {  	_ =	shalt  }
0x4c: {  	_ =	shalt  }
0x4d: {  	_ =	shalt  }
0x4e: {  	_ =	shalt  }
0x4f: {  	_ =	shalt  }
0x50: {  	_ =	shalt  }
0x51: {  	_ =	shalt  }
0x52: {  	_ =	shalt  }
0x53: {  	_ =	shalt  }
0x54: {  	_ =	shalt  }
0x55: {  	_ =	shalt  }
0x56: {  	_ =	shalt  }
0x57: {  	_ =	shalt  }
0x58: {  	_ =	shalt  }
0x59: {  	_ =	shalt  }
0x5a: {  	_ =	shalt  }
0x5b: {  	_ =	shalt  }
0x5c: {  	_ =	shalt  }
0x5d: {  	_ =	shalt  }
0x5e: {  	_ =	shalt  }
0x5f: {  	_ =	shalt  }
0x60: {  	_ =	shalt  }
0x61: {  	_ =	shalt  }
0x62: {  	_ =	shalt  }
0x63: {  	_ =	shalt  }
0x64: {  	_ =	shalt  }
0x65: {  	_ =	shalt  }
0x66: {  	_ =	shalt  }
0x67: {  	_ =	shalt  }
0x68: {  	_ =	shalt  }
0x69: {  	_ =	shalt  }
0x6a: {  	_ =	shalt  }
0x6b: {  	_ =	shalt  }
0x6c: {  	_ =	shalt  }
0x6d: {  	_ =	shalt  }
0x6e: {  	_ =	shalt  }
0x6f: {  	_ =	shalt  }
0x70: {  	_ =	shalt  }
0x71: {  	_ =	shalt  }
0x72: {  	_ =	shalt  }
0x73: {  	_ =	shalt  }
0x74: {  	_ =	shalt  }
0x75: {  	_ =	shalt  }
0x76: {  	_ =	shalt  }
0x77: {  	_ =	shalt  }
0x78: {  	_ =	shalt  }
0x79: {  	_ =	shalt  }
0x7a: {  	_ =	shalt  }
0x7b: {  	_ =	shalt  }
0x7c: {  	_ =	shalt  }
0x7d: {  	_ =	shalt  }
0x7e: {  	_ =	shalt  }
0x7f: {  	_ =	shalt  }
0x80: {  	_ =	shalt  }
0x81: {  	_ =	shalt  }
0x82: {  	_ =	shalt  }
0x83: {  	_ =	shalt  }
0x84: {  	_ =	shalt  }
0x85: {  	_ =	shalt  }
0x86: {  	_ =	shalt  }
0x87: {  	_ =	shalt  }
.Lfunc_end0:
.L_simem_size_0:
called_computation_lowered:
.L_overlay_start_0:
0x88: {  	s2 =	sld [smem:$0x3FD9]  }
0x89: {  	s3 =	sld [smem:$0x3FFE];
	_ =	sdelay $0x1  }
0x8a: {  	s1 =	srdreg.scid  }
0x8b: {  	s0 =	sand.u32 $0x1, s1  }
0x8c: {  	s17 =	sshll.u32 s0, $0xA;
	s2 =	sadd.s32 s3, s2  }
0x8d: {  	s2 =	sadd.s32 s2, s17  }
0x8e: {  	[smem:$0x3FC2] =	sst s2  }
0x8f: {  	_ = 	snop  }
0x90: {  	s2 =	sld [smem:$0x3FC9]  }
0x91: {  	s18 =	sld [smem:$0x3FC8]  }
0x92: {  	s4 =	sld [smem:$0x3FD0];
	(tm) =	ssettm $0x1  }
0x93: {  	s5 =	sld [smem:$0x3FFB];
	_ =	sdelay $0x3  }
0x94: {  	_ =	strace s5  }
0x95: {  	s5 =	sld [smem:$0x3FFC];
	_ =	sdelay $0x3  }
0x96: {  	_ =	strace s5  }
0x97: {  	s5 =	sld [smem:$0x3FFD];
	_ =	sdelay $0x3  }
0x98: {  	_ =	strace s5  }
0x99: {  	_ =	strace $0x8FFFFFFF  }
0x9a: {  	s19 =	sld [smem:$0x3FDB];
	_ =	sdelay $0x1  }
0x9b: {  	s6 =	simm.s32 $_scs_section_size  }
0x9c: {  	s7 =	simm.s32 $_size__tile_overlayer_lowered;
	s8 =	simm.s32 $_tile_overlayer_lowered  }
0x9d: {  	s22 =	simm.s32 $0x1BFF;
	s21 =	sshll.u32 s8, $0x1;
	s5 =	sadd.s32 s6, s19  }
0x9e: {  	s9 =	simm.s32 $0x0;
	s20 =	sshll.u32 s7, $0x1;
	s7 =	sadd.s32 s21, s5  }
0x9f: {  	[timem:s9], [sflag:s22] =	dma.local [hbm:s7], s20  }
0xa0: {  	_ =	swait.ge [sflag:s22], s20  }
0xa1: {  	s6 =	ssub.s32 $0x0, s20;
	[sflag:s22] =	ssyncset.done $0x0  }
0xa2: {  	[sflag:s22] =	ssyncadd.s32 s6;
	_ =	sdelay $0x1  }
0xa3: {  	s23 =	simm.s32 $0x1B8B  }
0xa4: {  	_ =	swait.ge [sflag:s23], $0x1  }
0xa5: {  	[sflag:s23] =	ssyncset.done $0x0  }
0xa6: {  	s25 =	simm.s32 $0x1B8E;
	s24 =	sld [smem:$0x3FFE];
	[sflag:s23] =	ssyncadd.s32 $0xFFFFFFFF  }
0xa7: {  	s26 =	simm.s32 $execute0_lowered;
	[smem:$0x3FD2] =	sst s25  }
0xa8: {  	s7 =	sshll.u32 s26, $0x1;
	_ =	strace $0x80000046;
	[dreg:$0x1] =	wrdreg $0xFFFFFFFF  }
0xa9: {  	s28 =	simm.s32 $_size_execute0_lowered;
	s5 =	sadd.s32 s5, s7;
	[dreg:$0x0] =	wrdreg $0x0  }
0xaa: {  	s7 =	sshll.u32 s28, $0x1;
	[dreg:$0x2] =	wrdreg s5  }
0xab: {  	[dreg:$0x3] =	wrdreg s7  }
0xac: {  	[dreg:$0x4] =	wrdreg $0xC0  }
0xad: {  	_ =	task [dreg:s9], $0x5FFFF  }
0xae: {  	[dreg:$0x1] =	wrdreg $0xFFFFFFFF  }
0xaf: {  	[dreg:$0x0] =	wrdreg $0x60  }
0xb0: {  	[dreg:$0x2] =	wrdreg s2  }
0xb1: {  	[dreg:$0x3] =	wrdreg s18  }
0xb2: {  	[dreg:$0x4] =	wrdreg s24  }
0xb3: {  	[dreg:$0x5] =	wrdreg s4  }
0xb4: {  	[dreg:$0x6] =	wrdreg $0x9  }
0xb5: {  	_ =	task.clear_ibuf [dreg:s9], $0x7FFFF;
	_ =	strace $0x90000046  }
0xb6: {  	s29 =	simm.s32 $0x9;
	_ =	strace $0x80000048  }
0xb7: {  	_ =	swait.ge [sflag:s29], $0x1  }
0xb8: {  	[sflag:s29] =	ssyncadd.s32 $0xFFFFFFFF  }
0xb9: {  	_ =	strace $0x90000048  }
0xba: {  	_ =	sfence  }
0xbb: {  	s30 =	sld [smem:$0x0];
	_ =	sdelay $0x2  }
0xbc: {  	s31 =	sshll.u32 s1, $0xD;
	s1 =	sshrl.u32 s1, $0x2  }
0xbd: {  	s3 =	sand.u32 $0x4000, s31;
	s1 =	sadd.s32 s1, s30  }
0xbe: {  	s0 =	sor.u32 s3, s0;
	s1 =	sshll.u32 s1, $0x11  }
0xbf: {  	s0 =	sor.u32 s1, s0  }
0xc0: {  	s0 =	sadd.s32 $0x8F2B, s0  }
0xc1: {  	[sflag:s0] =	ssyncadd.remote.s32 $0x1  }
0xc2: {  	_ =	sfence.sel $0xFFFF  }
0xc3: {  	[dreg:$0x0] =	wrdreg $0xFFFFFFFF;
	(pc) =	sbr.abs _section_cstart, $3  }
0xc4: {  	[dreg:$0x1] =	wrdreg $0xFFFFFFFF  }
0xc5: {  	_ =	task.clear_ibuf [dreg:s9], $0x2FFFF;
	_ =	strace $0x9FFFFFFF  }
0xc6: {  	(tm) =	ssettm $0x7FFFFFFF  }
0xc7: {  	_ =	shalt  }
tec
execute0_lowered:
.L_overlay_start_1:
0x0: {  	(tag) =	ssettag $0x1  }
0x1: {  	s0 =	rddreg [dreg:$0x0]  }
0x2: {  	s3 =	rddreg [dreg:$0x1]  }
0x3: {  	s1 =	rddreg [dreg:$0x2]  }
0x4: {  	s9 =	rddreg [dreg:$0x3];
	s2 =	simm.s32 $0x0;
	s5 =	srdreg.scid  }
0x5: {  	s10 =	stileid.u32;
	s15 =	simm.s32 $0x3;
	s24 =	simm.s32 $0xB800  }
0x6: {  	s25 =	simm.s32 $0x3C00;
	s26 =	simm.s32 $0xBC00;
	s28 =	simm.s32 $0x4000  }
0x7: {  	s29 =	simm.s32 $0xC000;
	s30 =	simm.s32 $0x1;
	s31 =	simm.s32 $0x2  }
0x8: {  	[smem:$0x7FF] =	sst s2;
	s4 =	sadd.s32 $0x1A8600, s1;
	s6 =	sand.u32 $0x1, s5  }
0x9: {  	s5 =	sadd.s32 $0x21C00, s1;
	s10 =	sshll.u32 s10, $0x7;
	_ =	strace $0x80000047  }
.Ltmp0:
0xa: {  	vm0 =	vmmov $0x1;
	vm1 =	vmmov $0x3;
	vm2 =	vmmov $0x7;
	s7 =	ssub.s32 $0x2, s6;
	s11 =	sshll.u32 s6, $0x6;
	(pc) =	sbr.rel .LBB2_1-.Ltmp0, $4  }
0xb: {  	vm3 =	vmmov $0xf;
	vm4 =	vmmov $0x1f;
	vm5 =	vmmov $0x3f;
	s6 =	sadd.s32 $0x3200, s1;
	s8 =	sshrl.u32 s7, $0x1;
	s10 =	sor.u32 s11, s10  }
0xc: {  	vm6 =	vmmov $0x7f;
	vm7 =	vmmov $0xff;
	vm8 =	vmmov $0x1ff;
	s11 =	simm.s32 $0x4;
	s12 =	ssub.s32 s7, s8;
	s7 =	sadd.s32 s0, s10  }
0xd: {  	vm9 =	vmmov $0x3ff;
	vm10 =	vmmov $0x7ff;
	vm11 =	vmmov $0xfff;
	s8 =	sadd.s32 s3, s10;
	s9 =	sadd.s32 s9, s10;
	s0 =	simm.s32 $0x10800  }
0xe: {  	vm12 =	vmmov $0x1fff;
	vm13 =	vmmov $0x3fff;
	vm14 =	vmmov $0x7fff;
	s3 =	simm.s32 $0x0;
	s10 =	smax.u32 s12, $0x1;
	s12 =	simm.s32 $0x200  }
.LBB2_6:
0xf: {  	s3 =	sadd.s32 $0x1, s3  }
0x10: {  	p0 =	sne.s32 s3, s10  }
.Ltmp1:
0x11: {  	_ = 	snop;
	(pc) =	sbr.rel @!p0 .LBB2_7-.Ltmp1, $4  }
0x12: {  	[hbm4b:s9+s2] =	stream.linear.scatter [tilespmem:s0], [sflag:$0x4], $0x200, $0x38;
	[tilespmem:$0x10A00] =	vst v63  }
0x13: {  	_ =	swait.ge [sflag:s11], $0x200  }
0x14: {  	[sflag:s11] =	ssyncset.done $0x0  }
0x15: {  	[sflag:s11] =	ssyncadd.s32 $0xFFFFFE00  }
.LBB2_1:
0x16: {  	[tilespmem:s2], [sflag:$0x4] =	stream.linear.gather [hbm4b:s7+s2], $0x200, $0x38;
	[tilespmem:$0x10A00] =	vst v63  }
0x17: {  	_ =	swait.ge [sflag:s11], $0x200  }
0x18: {  	[sflag:s11] =	ssyncset.done $0x0  }
0x19: {  	[sflag:s11] =	ssyncadd.s32 $0xFFFFFE00  }
0x1a: {  	[tilespmem:s12], [sflag:$0x4] =	stream.linear.gather [hbm4b:s8+s2], $0x200, $0x38;
	[tilespmem:$0x10A00] =	vst v63  }
0x1b: {  	_ =	swait.ge [sflag:s11], $0x200  }
0x1c: {  	[sflag:s11] =	ssyncset.done $0x0  }
0x1d: {  	s13 =	simm.s32 $0x10400;
	[sflag:s11] =	ssyncadd.s32 $0xFFFFFE00  }
0x1e: {  	[tilespmem:s13], [sflag:$0x3] =	stream.indirect.gather [hbm4b:s6+s12], $0x1, s2, s12, $0xb8;
	[tilespmem:$0x10A00] =	vst v63  }
0x1f: {  	s18 =	simm.s32 $0x10600  }
0x20: {  	[tilespmem:s18], [sflag:$0x3] =	stream.indirect.gather [hbm4b:s1+s12], $0x1, s12, s12, $0xb8;
	[tilespmem:$0x10A00] =	vst v63  }
0x21: {  	_ =	swait.ge [sflag:s15], $0x200  }
0x22: {  	[sflag:s15] =	ssyncset.done $0x0  }
0x23: {  	[sflag:s15] =	ssyncadd.s32 $0xFFFFFE00  }
0x24: {  	_ =	swait.ge [sflag:s15], $0x200  }
0x25: {  	[sflag:s15] =	ssyncset.done $0x0  }
0x26: {  	[sflag:s15] =	ssyncadd.s32 $0xFFFFFE00  }
0x27: {  	v0 =	vld [tilespmem:$0x0]  }
0x28: {  	v2 =	vld [tilespmem:$0x200];
	_ =	sdelay $0x3  }
0x29: {  	v0 =	vshrl.u32 v0, $0x3  }
0x2a: {  	v63 =	vshrl.u32 v2, $0x3;
	v1 =	vshll.u32 v0, $0x7  }
0x2b: {  	v0 =	vshll.u32 v63, $0x7;
	(v2sf) =	vpush v1, $0x0  }
0x2c: {  	(v2sf) =	vpush v0, $0x0;
	_ =	sdelay $0x7  }
0x2d: {  	(v2sf) =	vpush v1, $0x1  }
0x2e: {  	(v2sf) =	vpush v0, $0x1;
	_ =	sdelay $0x4  }
0x2f: {  	s19 =	spop (v2sf);
	(v2sf) =	vpush v1, $0x2  }
0x30: {  	s20 =	spop (v2sf);
	(v2sf) =	vpush v0, $0x2;
	_ =	sdelay $0x5  }
0x31: {  	(v2sf) =	vpush v1, $0x3;
	_ =	sdelay $0x1  }
0x32: {  	s22 =	spop (v2sf)  }
0x33: {  	s16 =	spop (v2sf);
	(v2sf) =	vpush v0, $0x3;
	_ =	sdelay $0x1  }
0x34: {  	s13 =	sand.u32 $0x1FFFFF80, s19  }
0x35: {  	s14 =	simm.s32 $0x400;
	s13 =	sadd.s32 s4, s13  }
0x36: {  	[tilespmem:s14], [sflag:$0x1] =	stream.linear.gather [hbm4b:s13+s2], $0x400, $0x38;
	[tilespmem:$0x10A00] =	vst v63  }
0x37: {  	s18 =	spop (v2sf);
	(v2sf) =	vpush v1, $0x4  }
0x38: {  	s13 =	sand.u32 $0x1FFFFF80, s20;
	s20 =	spop (v2sf);
	(v2sf) =	vpush v0, $0x4;
	_ =	sdelay $0x2  }
0x39: {  	s21 =	simm.s32 $0x8400;
	s13 =	sadd.s32 s5, s13  }
0x3a: {  	[tilespmem:s21], [sflag:$0x2] =	stream.linear.gather [hbm4b:s13+s2], $0x400, $0x38;
	[tilespmem:$0x10A00] =	vst v63  }
0x3b: {  	s13 =	sand.u32 $0x1FFFFF80, s22  }
0x3c: {  	s23 =	simm.s32 $0x800;
	s13 =	sadd.s32 s4, s13;
	s22 =	spop (v2sf);
	(v2sf) =	vpush v1, $0x5  }
0x3d: {  	[tilespmem:s23], [sflag:$0x1] =	stream.linear.gather [hbm4b:s13+s2], $0x400, $0x38;
	[tilespmem:$0x10A00] =	vst v63  }
0x3e: {  	s13 =	sand.u32 $0x1FFFFF80, s16  }
0x3f: {  	s17 =	simm.s32 $0x8800;
	s13 =	sadd.s32 s5, s13;
	s16 =	spop (v2sf);
	(v2sf) =	vpush v0, $0x5  }
0x40: {  	[tilespmem:s17], [sflag:$0x2] =	stream.linear.gather [hbm4b:s13+s2], $0x400, $0x38;
	[tilespmem:$0x10A00] =	vst v63  }
0x41: {  	s13 =	sand.u32 $0x1FFFFF80, s18  }
0x42: {  	s19 =	simm.s32 $0xC00;
	s13 =	sadd.s32 s4, s13  }
0x43: {  	[tilespmem:s19], [sflag:$0x1] =	stream.linear.gather [hbm4b:s13+s2], $0x400, $0x38;
	[tilespmem:$0x10A00] =	vst v63  }
0x44: {  	s18 =	spop (v2sf);
	(v2sf) =	vpush v1, $0x6  }
0x45: {  	s13 =	sand.u32 $0x1FFFFF80, s20;
	s20 =	spop (v2sf);
	(v2sf) =	vpush v0, $0x6;
	_ =	sdelay $0x2  }
0x46: {  	s21 =	simm.s32 $0x8C00;
	s13 =	sadd.s32 s5, s13  }
0x47: {  	[tilespmem:s21], [sflag:$0x2] =	stream.linear.gather [hbm4b:s13+s2], $0x400, $0x38;
	[tilespmem:$0x10A00] =	vst v63  }
0x48: {  	s13 =	sand.u32 $0x1FFFFF80, s22  }
0x49: {  	s23 =	simm.s32 $0x1000;
	s13 =	sadd.s32 s4, s13;
	s22 =	spop (v2sf);
	(v2sf) =	vpush v1, $0x7  }
0x4a: {  	[tilespmem:s23], [sflag:$0x1] =	stream.linear.gather [hbm4b:s13+s2], $0x400, $0x38;
	[tilespmem:$0x10A00] =	vst v63  }
0x4b: {  	s13 =	sand.u32 $0x1FFFFF80, s16  }
0x4c: {  	s17 =	simm.s32 $0x9000;
	s13 =	sadd.s32 s5, s13;
	s16 =	spop (v2sf);
	(v2sf) =	vpush v0, $0x7  }
0x4d: {  	[tilespmem:s17], [sflag:$0x2] =	stream.linear.gather [hbm4b:s13+s2], $0x400, $0x38;
	[tilespmem:$0x10A00] =	vst v63  }
0x4e: {  	s13 =	sand.u32 $0x1FFFFF80, s18  }
0x4f: {  	s19 =	simm.s32 $0x1400;
	s13 =	sadd.s32 s4, s13  }
0x50: {  	[tilespmem:s19], [sflag:$0x1] =	stream.linear.gather [hbm4b:s13+s2], $0x400, $0x38;
	[tilespmem:$0x10A00] =	vst v63  }
0x51: {  	s13 =	sand.u32 $0x1FFFFF80, s20;
	s18 =	spop (v2sf);
	(v2sf) =	vpush v1, $0x8  }
0x52: {  	s21 =	simm.s32 $0x9400;
	s13 =	sadd.s32 s5, s13;
	s20 =	spop (v2sf);
	(v2sf) =	vpush v0, $0x8  }
0x53: {  	[tilespmem:s21], [sflag:$0x2] =	stream.linear.gather [hbm4b:s13+s2], $0x400, $0x38;
	[tilespmem:$0x10A00] =	vst v63  }
0x54: {  	s13 =	sand.u32 $0x1FFFFF80, s22  }
0x55: {  	s23 =	simm.s32 $0x1800;
	s13 =	sadd.s32 s4, s13  }
0x56: {  	[tilespmem:s23], [sflag:$0x1] =	stream.linear.gather [hbm4b:s13+s2], $0x400, $0x38;
	[tilespmem:$0x10A00] =	vst v63  }
0x57: {  	s13 =	sand.u32 $0x1FFFFF80, s16  }
0x58: {  	s17 =	simm.s32 $0x9800;
	s13 =	sadd.s32 s5, s13;
	s22 =	spop (v2sf);
	(v2sf) =	vpush v1, $0x9  }
0x59: {  	[tilespmem:s17], [sflag:$0x2] =	stream.linear.gather [hbm4b:s13+s2], $0x400, $0x38;
	[tilespmem:$0x10A00] =	vst v63  }
0x5a: {  	s13 =	sand.u32 $0x1FFFFF80, s18  }
0x5b: {  	s19 =	simm.s32 $0x1C00;
	s13 =	sadd.s32 s4, s13;
	s16 =	spop (v2sf);
	(v2sf) =	vpush v0, $0x9  }
0x5c: {  	[tilespmem:s19], [sflag:$0x1] =	stream.linear.gather [hbm4b:s13+s2], $0x400, $0x38;
	[tilespmem:$0x10A00] =	vst v63  }
0x5d: {  	s13 =	sand.u32 $0x1FFFFF80, s20  }
0x5e: {  	s21 =	simm.s32 $0x9C00;
	s13 =	sadd.s32 s5, s13  }
0x5f: {  	[tilespmem:s21], [sflag:$0x2] =	stream.linear.gather [hbm4b:s13+s2], $0x400, $0x38;
	[tilespmem:$0x10A00] =	vst v63  }
0x60: {  	s13 =	sand.u32 $0x1FFFFF80, s22;
	s18 =	spop (v2sf);
	(v2sf) =	vpush v1, $0xA  }
0x61: {  	s23 =	simm.s32 $0x2000;
	s13 =	sadd.s32 s4, s13;
	s20 =	spop (v2sf);
	(v2sf) =	vpush v0, $0xA  }
0x62: {  	[tilespmem:s23], [sflag:$0x1] =	stream.linear.gather [hbm4b:s13+s2], $0x400, $0x38;
	[tilespmem:$0x10A00] =	vst v63  }
0x63: {  	s13 =	sand.u32 $0x1FFFFF80, s16  }
0x64: {  	s17 =	simm.s32 $0xA000;
	s13 =	sadd.s32 s5, s13  }
0x65: {  	[tilespmem:s17], [sflag:$0x2] =	stream.linear.gather [hbm4b:s13+s2], $0x400, $0x38;
	[tilespmem:$0x10A00] =	vst v63  }
0x66: {  	s13 =	sand.u32 $0x1FFFFF80, s18  }
0x67: {  	s19 =	simm.s32 $0x2400;
	s13 =	sadd.s32 s4, s13;
	s22 =	spop (v2sf);
	(v2sf) =	vpush v1, $0xB  }
0x68: {  	[tilespmem:s19], [sflag:$0x1] =	stream.linear.gather [hbm4b:s13+s2], $0x400, $0x38;
	[tilespmem:$0x10A00] =	vst v63  }
0x69: {  	s13 =	sand.u32 $0x1FFFFF80, s20  }
0x6a: {  	s21 =	simm.s32 $0xA400;
	s16 =	spop (v2sf);
	(v2sf) =	vpush v0, $0xB;
	s13 =	sadd.s32 s5, s13  }
0x6b: {  	[tilespmem:s21], [sflag:$0x2] =	stream.linear.gather [hbm4b:s13+s2], $0x400, $0x38;
	[tilespmem:$0x10A00] =	vst v63  }
0x6c: {  	s13 =	sand.u32 $0x1FFFFF80, s22  }
0x6d: {  	s23 =	simm.s32 $0x2800;
	s13 =	sadd.s32 s4, s13  }
0x6e: {  	[tilespmem:s23], [sflag:$0x1] =	stream.linear.gather [hbm4b:s13+s2], $0x400, $0x38;
	[tilespmem:$0x10A00] =	vst v63  }
0x6f: {  	s13 =	sand.u32 $0x1FFFFF80, s16;
	s18 =	spop (v2sf);
	(v2sf) =	vpush v1, $0xC  }
0x70: {  	s17 =	simm.s32 $0xA800;
	s13 =	sadd.s32 s5, s13;
	s20 =	spop (v2sf);
	(v2sf) =	vpush v0, $0xC  }
0x71: {  	[tilespmem:s17], [sflag:$0x2] =	stream.linear.gather [hbm4b:s13+s2], $0x400, $0x38;
	[tilespmem:$0x10A00] =	vst v63  }
0x72: {  	s13 =	sand.u32 $0x1FFFFF80, s18  }
0x73: {  	s19 =	simm.s32 $0x2C00;
	s13 =	sadd.s32 s4, s13  }
0x74: {  	(v2sf) =	vpush v1, $0xD;
	[tilespmem:s19], [sflag:$0x1] =	stream.linear.gather [hbm4b:s13+s2], $0x400, $0x38;
	[tilespmem:$0x10A00] =	vst v63  }
0x75: {  	s13 =	sand.u32 $0x1FFFFF80, s20  }
0x76: {  	s21 =	simm.s32 $0xAC00;
	s22 =	spop (v2sf);
	s13 =	sadd.s32 s5, s13  }
0x77: {  	(v2sf) =	vpush v0, $0xD;
	[tilespmem:s21], [sflag:$0x2] =	stream.linear.gather [hbm4b:s13+s2], $0x400, $0x38;
	[tilespmem:$0x10A00] =	vst v63  }
0x78: {  	s13 =	sand.u32 $0x1FFFFF80, s22  }
0x79: {  	s23 =	simm.s32 $0x3000;
	s16 =	spop (v2sf);
	(v2sf) =	vpush v1, $0xE;
	s13 =	sadd.s32 s4, s13  }
0x7a: {  	[tilespmem:s23], [sflag:$0x1] =	stream.linear.gather [hbm4b:s13+s2], $0x400, $0x38;
	[tilespmem:$0x10A00] =	vst v63  }
0x7b: {  	s13 =	sand.u32 $0x1FFFFF80, s16  }
0x7c: {  	s17 =	simm.s32 $0xB000;
	s13 =	sadd.s32 s5, s13  }
0x7d: {  	[tilespmem:s17], [sflag:$0x2] =	stream.linear.gather [hbm4b:s13+s2], $0x400, $0x38;
	[tilespmem:$0x10A00] =	vst v63  }
0x7e: {  	s18 =	spop (v2sf);
	(v2sf) =	vpush v0, $0xE  }
0x7f: {  	s13 =	sand.u32 $0x1FFFFF80, s18;
	s20 =	spop (v2sf);
	(v2sf) =	vpush v1, $0xF  }
0x80: {  	s19 =	simm.s32 $0x3400;
	s13 =	sadd.s32 s4, s13  }
0x81: {  	[tilespmem:s19], [sflag:$0x1] =	stream.linear.gather [hbm4b:s13+s2], $0x400, $0x38;
	[tilespmem:$0x10A00] =	vst v63  }
0x82: {  	s13 =	sand.u32 $0x1FFFFF80, s20  }
0x83: {  	s21 =	simm.s32 $0xB400;
	s22 =	spop (v2sf);
	s13 =	sadd.s32 s5, s13  }
0x84: {  	(v2sf) =	vpush v0, $0xF;
	[tilespmem:s21], [sflag:$0x2] =	stream.linear.gather [hbm4b:s13+s2], $0x400, $0x38;
	[tilespmem:$0x10A00] =	vst v63  }
0x85: {  	s13 =	sand.u32 $0x1FFFFF80, s22  }
0x86: {  	s16 =	simm.s32 $0x3800;
	s23 =	spop (v2sf);
	s13 =	sadd.s32 s4, s13  }
0x87: {  	[tilespmem:s16], [sflag:$0x1] =	stream.linear.gather [hbm4b:s13+s2], $0x400, $0x38;
	[tilespmem:$0x10A00] =	vst v63  }
0x88: {  	s17 =	spop (v2sf);
	s16 =	sand.u32 $0x1FFFFF80, s23  }
0x89: {  	s18 =	sand.u32 $0x1FFFFF80, s17;
	s13 =	sadd.s32 s5, s16  }
0x8a: {  	[tilespmem:s24], [sflag:$0x2] =	stream.linear.gather [hbm4b:s13+s2], $0x400, $0x38;
	[tilespmem:$0x10A00] =	vst v63  }
0x8b: {  	s13 =	sadd.s32 s4, s18  }
0x8c: {  	[tilespmem:s25], [sflag:$0x1] =	stream.linear.gather [hbm4b:s13+s2], $0x400, $0x38;
	[tilespmem:$0x10A00] =	vst v63  }
0x8d: {  	s19 =	spop (v2sf)  }
0x8e: {  	s20 =	sand.u32 $0x1FFFFF80, s19;
	s21 =	spop (v2sf)  }
0x8f: {  	s13 =	sadd.s32 s5, s20;
	s22 =	sand.u32 $0x1FFFFF80, s21  }
0x90: {  	[tilespmem:s26], [sflag:$0x2] =	stream.linear.gather [hbm4b:s13+s2], $0x400, $0x38;
	[tilespmem:$0x10A00] =	vst v63  }
0x91: {  	s13 =	sadd.s32 s4, s22  }
0x92: {  	[tilespmem:s28], [sflag:$0x1] =	stream.linear.gather [hbm4b:s13+s2], $0x400, $0x38;
	[tilespmem:$0x10A00] =	vst v63  }
.Ltmp2:
0x93: {  	s23 =	spop (v2sf);
	(pc) =	sbr.rel .LBB2_2-.Ltmp2, $4  }
0x94: {  	s13 =	sand.u32 $0x1FFFFF80, s23  }
0x95: {  	s13 =	sadd.s32 s5, s13  }
0x96: {  	[tilespmem:s29], [sflag:$0x2] =	stream.linear.gather [hbm4b:s13+s2], $0x400, $0x38;
	[tilespmem:$0x10A00] =	vst v63  }
0x97: {  	s16 =	simm.s32 $0x0;
	s18 =	simm.s32 $0x0;
	s13 =	simm.s32 $0x40  }
.LBB2_4:
0x98: {  	s14 =	sshra.s32 s13, $0x2  }
0x99: {  	v0 =	vld [tilespmem:s14+$0x0]  }
0x9a: {  	v2 =	vld [tilespmem:s14+$0x200];
	_ =	sdelay $0x3  }
0x9b: {  	v0 =	vshrl.u32 v0, $0x3  }
0x9c: {  	v63 =	vshrl.u32 v2, $0x3;
	v1 =	vshll.u32 v0, $0x7  }
0x9d: {  	v0 =	vshll.u32 v63, $0x7;
	(v2sf) =	vpush v1, $0x0  }
0x9e: {  	(v2sf) =	vpush v0, $0x0;
	_ =	sdelay $0x5  }
0x9f: {  	(v2sf) =	vpush v1, $0x1;
	_ =	sdelay $0x1  }
0xa0: {  	(v2sf) =	vpush v0, $0x1;
	_ =	sdelay $0x5  }
0xa1: {  	s20 =	spop (v2sf);
	(v2sf) =	vpush v1, $0x2  }
0xa2: {  	s21 =	spop (v2sf);
	(v2sf) =	vpush v0, $0x2;
	_ =	sdelay $0x3  }
0xa3: {  	s17 =	sand.u32 $0x4000, s16  }
0xa4: {  	s19 =	sxor.u32 $0x4000, s17;
	s14 =	sand.u32 $0x1FFFFF80, s20  }
0xa5: {  	s20 =	sor.u32 $0x400, s19;
	s14 =	sadd.s32 s4, s14;
	s22 =	spop (v2sf);
	(v2sf) =	vpush v1, $0x3  }
0xa6: {  	[tilespmem:s20], [sflag:$0x1] =	stream.linear.gather [hbm4b:s14+s2], $0x400, $0x38;
	[tilespmem:$0x10A00] =	vst v63  }
0xa7: {  	s14 =	sand.u32 $0x1FFFFF80, s21;
	s20 =	spop (v2sf);
	(v2sf) =	vpush v0, $0x3  }
0xa8: {  	s19 =	sor.u32 $0x8400, s19;
	s14 =	sadd.s32 s5, s14  }
0xa9: {  	[tilespmem:s19], [sflag:$0x2] =	stream.linear.gather [hbm4b:s14+s2], $0x400, $0x38;
	[tilespmem:$0x10A00] =	vst v63  }
0xaa: {  	s14 =	sand.u32 $0x1FFFFF80, s22  }
0xab: {  	s23 =	sxor.u32 $0x4800, s17;
	s14 =	sadd.s32 s4, s14  }
0xac: {  	[tilespmem:s23], [sflag:$0x1] =	stream.linear.gather [hbm4b:s14+s2], $0x400, $0x38;
	[tilespmem:$0x10A00] =	vst v63  }
0xad: {  	s22 =	spop (v2sf);
	(v2sf) =	vpush v1, $0x4  }
0xae: {  	s14 =	sand.u32 $0x1FFFFF80, s20;
	s20 =	spop (v2sf);
	(v2sf) =	vpush v0, $0x4;
	_ =	sdelay $0x2  }
0xaf: {  	s21 =	sxor.u32 $0xC800, s17;
	s14 =	sadd.s32 s5, s14  }
0xb0: {  	[tilespmem:s21], [sflag:$0x2] =	stream.linear.gather [hbm4b:s14+s2], $0x400, $0x38;
	[tilespmem:$0x10A00] =	vst v63  }
0xb1: {  	s14 =	sand.u32 $0x1FFFFF80, s22  }
0xb2: {  	s23 =	sxor.u32 $0x4C00, s17;
	s14 =	sadd.s32 s4, s14;
	s22 =	spop (v2sf);
	(v2sf) =	vpush v1, $0x5  }
0xb3: {  	[tilespmem:s23], [sflag:$0x1] =	stream.linear.gather [hbm4b:s14+s2], $0x400, $0x38;
	[tilespmem:$0x10A00] =	vst v63  }
0xb4: {  	s14 =	sand.u32 $0x1FFFFF80, s20;
	s20 =	spop (v2sf);
	(v2sf) =	vpush v0, $0x5  }
0xb5: {  	s21 =	sxor.u32 $0xCC00, s17;
	s14 =	sadd.s32 s5, s14  }
0xb6: {  	[tilespmem:s21], [sflag:$0x2] =	stream.linear.gather [hbm4b:s14+s2], $0x400, $0x38;
	[tilespmem:$0x10A00] =	vst v63  }
0xb7: {  	s14 =	sand.u32 $0x1FFFFF80, s22  }
0xb8: {  	s23 =	sxor.u32 $0x5000, s17;
	s14 =	sadd.s32 s4, s14  }
0xb9: {  	[tilespmem:s23], [sflag:$0x1] =	stream.linear.gather [hbm4b:s14+s2], $0x400, $0x38;
	[tilespmem:$0x10A00] =	vst v63  }
0xba: {  	s22 =	spop (v2sf);
	(v2sf) =	vpush v1, $0x6  }
0xbb: {  	s14 =	sand.u32 $0x1FFFFF80, s20;
	s20 =	spop (v2sf);
	(v2sf) =	vpush v0, $0x6;
	_ =	sdelay $0x2  }
0xbc: {  	s21 =	sxor.u32 $0xD000, s17;
	s14 =	sadd.s32 s5, s14  }
0xbd: {  	[tilespmem:s21], [sflag:$0x2] =	stream.linear.gather [hbm4b:s14+s2], $0x400, $0x38;
	[tilespmem:$0x10A00] =	vst v63  }
0xbe: {  	s14 =	sand.u32 $0x1FFFFF80, s22  }
0xbf: {  	s23 =	sxor.u32 $0x5400, s17;
	s14 =	sadd.s32 s4, s14;
	s22 =	spop (v2sf);
	(v2sf) =	vpush v1, $0x7  }
0xc0: {  	[tilespmem:s23], [sflag:$0x1] =	stream.linear.gather [hbm4b:s14+s2], $0x400, $0x38;
	[tilespmem:$0x10A00] =	vst v63  }
0xc1: {  	s14 =	sand.u32 $0x1FFFFF80, s20;
	s20 =	spop (v2sf);
	(v2sf) =	vpush v0, $0x7  }
0xc2: {  	s21 =	sxor.u32 $0xD400, s17;
	s14 =	sadd.s32 s5, s14  }
0xc3: {  	[tilespmem:s21], [sflag:$0x2] =	stream.linear.gather [hbm4b:s14+s2], $0x400, $0x38;
	[tilespmem:$0x10A00] =	vst v63  }
0xc4: {  	s14 =	sand.u32 $0x1FFFFF80, s22  }
0xc5: {  	s23 =	sxor.u32 $0x5800, s17;
	s14 =	sadd.s32 s4, s14  }
0xc6: {  	[tilespmem:s23], [sflag:$0x1] =	stream.linear.gather [hbm4b:s14+s2], $0x400, $0x38;
	[tilespmem:$0x10A00] =	vst v63  }
0xc7: {  	s22 =	spop (v2sf);
	(v2sf) =	vpush v1, $0x8  }
0xc8: {  	s14 =	sand.u32 $0x1FFFFF80, s20;
	s20 =	spop (v2sf);
	(v2sf) =	vpush v0, $0x8;
	_ =	sdelay $0x2  }
0xc9: {  	s21 =	sxor.u32 $0xD800, s17;
	s14 =	sadd.s32 s5, s14  }
0xca: {  	[tilespmem:s21], [sflag:$0x2] =	stream.linear.gather [hbm4b:s14+s2], $0x400, $0x38;
	[tilespmem:$0x10A00] =	vst v63  }
0xcb: {  	s14 =	sand.u32 $0x1FFFFF80, s22  }
0xcc: {  	s23 =	sxor.u32 $0x5C00, s17;
	s14 =	sadd.s32 s4, s14;
	s22 =	spop (v2sf);
	(v2sf) =	vpush v1, $0x9  }
0xcd: {  	[tilespmem:s23], [sflag:$0x1] =	stream.linear.gather [hbm4b:s14+s2], $0x400, $0x38;
	[tilespmem:$0x10A00] =	vst v63  }
0xce: {  	s14 =	sand.u32 $0x1FFFFF80, s20;
	s20 =	spop (v2sf);
	(v2sf) =	vpush v0, $0x9  }
0xcf: {  	s21 =	sxor.u32 $0xDC00, s17;
	s14 =	sadd.s32 s5, s14  }
0xd0: {  	[tilespmem:s21], [sflag:$0x2] =	stream.linear.gather [hbm4b:s14+s2], $0x400, $0x38;
	[tilespmem:$0x10A00] =	vst v63  }
0xd1: {  	s14 =	sand.u32 $0x1FFFFF80, s22  }
0xd2: {  	s23 =	sxor.u32 $0x6000, s17;
	s14 =	sadd.s32 s4, s14  }
0xd3: {  	[tilespmem:s23], [sflag:$0x1] =	stream.linear.gather [hbm4b:s14+s2], $0x400, $0x38;
	[tilespmem:$0x10A00] =	vst v63  }
0xd4: {  	s22 =	spop (v2sf);
	(v2sf) =	vpush v1, $0xA  }
0xd5: {  	s14 =	sand.u32 $0x1FFFFF80, s20;
	s20 =	spop (v2sf);
	(v2sf) =	vpush v0, $0xA;
	_ =	sdelay $0x2  }
0xd6: {  	s21 =	sxor.u32 $0xE000, s17;
	s14 =	sadd.s32 s5, s14  }
0xd7: {  	[tilespmem:s21], [sflag:$0x2] =	stream.linear.gather [hbm4b:s14+s2], $0x400, $0x38;
	[tilespmem:$0x10A00] =	vst v63  }
0xd8: {  	s14 =	sand.u32 $0x1FFFFF80, s22  }
0xd9: {  	s23 =	sxor.u32 $0x6400, s17;
	s14 =	sadd.s32 s4, s14;
	s22 =	spop (v2sf);
	(v2sf) =	vpush v1, $0xB  }
0xda: {  	[tilespmem:s23], [sflag:$0x1] =	stream.linear.gather [hbm4b:s14+s2], $0x400, $0x38;
	[tilespmem:$0x10A00] =	vst v63  }
0xdb: {  	s14 =	sand.u32 $0x1FFFFF80, s20;
	s20 =	spop (v2sf);
	(v2sf) =	vpush v0, $0xB  }
0xdc: {  	s21 =	sxor.u32 $0xE400, s17;
	s14 =	sadd.s32 s5, s14  }
0xdd: {  	[tilespmem:s21], [sflag:$0x2] =	stream.linear.gather [hbm4b:s14+s2], $0x400, $0x38;
	[tilespmem:$0x10A00] =	vst v63  }
0xde: {  	s14 =	sand.u32 $0x1FFFFF80, s22  }
0xdf: {  	s23 =	sxor.u32 $0x6800, s17;
	s14 =	sadd.s32 s4, s14  }
0xe0: {  	[tilespmem:s23], [sflag:$0x1] =	stream.linear.gather [hbm4b:s14+s2], $0x400, $0x38;
	[tilespmem:$0x10A00] =	vst v63  }
0xe1: {  	s14 =	sand.u32 $0x1FFFFF80, s20;
	s22 =	spop (v2sf);
	(v2sf) =	vpush v1, $0xC  }
0xe2: {  	s21 =	sxor.u32 $0xE800, s17;
	s14 =	sadd.s32 s5, s14;
	s20 =	spop (v2sf);
	(v2sf) =	vpush v0, $0xC  }
0xe3: {  	[tilespmem:s21], [sflag:$0x2] =	stream.linear.gather [hbm4b:s14+s2], $0x400, $0x38;
	[tilespmem:$0x10A00] =	vst v63  }
0xe4: {  	s14 =	sand.u32 $0x1FFFFF80, s22;
	(v2sf) =	vpush v1, $0xD  }
0xe5: {  	s23 =	sxor.u32 $0x6C00, s17;
	s14 =	sadd.s32 s4, s14  }
0xe6: {  	[tilespmem:s23], [sflag:$0x1] =	stream.linear.gather [hbm4b:s14+s2], $0x400, $0x38;
	[tilespmem:$0x10A00] =	vst v63  }
0xe7: {  	s14 =	sand.u32 $0x1FFFFF80, s20  }
0xe8: {  	s21 =	sxor.u32 $0xEC00, s17;
	s22 =	spop (v2sf);
	s14 =	sadd.s32 s5, s14  }
0xe9: {  	(v2sf) =	vpush v0, $0xD;
	[tilespmem:s21], [sflag:$0x2] =	stream.linear.gather [hbm4b:s14+s2], $0x400, $0x38;
	[tilespmem:$0x10A00] =	vst v63  }
0xea: {  	s20 =	spop (v2sf);
	(v2sf) =	vpush v1, $0xE;
	s14 =	sand.u32 $0x1FFFFF80, s22  }
0xeb: {  	s23 =	sxor.u32 $0x7000, s17;
	s14 =	sadd.s32 s4, s14  }
0xec: {  	[tilespmem:s23], [sflag:$0x1] =	stream.linear.gather [hbm4b:s14+s2], $0x400, $0x38;
	[tilespmem:$0x10A00] =	vst v63  }
0xed: {  	s14 =	sand.u32 $0x1FFFFF80, s20  }
0xee: {  	s21 =	sxor.u32 $0xF000, s17;
	s14 =	sadd.s32 s5, s14  }
0xef: {  	[tilespmem:s21], [sflag:$0x2] =	stream.linear.gather [hbm4b:s14+s2], $0x400, $0x38;
	[tilespmem:$0x10A00] =	vst v63  }
0xf0: {  	s22 =	spop (v2sf);
	(v2sf) =	vpush v0, $0xE  }
0xf1: {  	s19 =	spop (v2sf);
	(v2sf) =	vpush v1, $0xF  }
0xf2: {  	s14 =	sand.u32 $0x1FFFFF80, s22  }
0xf3: {  	s23 =	sxor.u32 $0x7400, s17;
	s14 =	sadd.s32 s4, s14;
	s21 =	spop (v2sf)  }
0xf4: {  	(v2sf) =	vpush v0, $0xF;
	[tilespmem:s23], [sflag:$0x1] =	stream.linear.gather [hbm4b:s14+s2], $0x400, $0x38;
	[tilespmem:$0x10A00] =	vst v63  }
0xf5: {  	s14 =	sand.u32 $0x1FFFFF80, s19  }
0xf6: {  	s20 =	sxor.u32 $0xF400, s17;
	s14 =	sadd.s32 s5, s14  }
0xf7: {  	[tilespmem:s20], [sflag:$0x2] =	stream.linear.gather [hbm4b:s14+s2], $0x400, $0x38;
	[tilespmem:$0x10A00] =	vst v63  }
0xf8: {  	s22 =	spop (v2sf);
	s23 =	sxor.u32 $0x7800, s17;
	s14 =	sand.u32 $0x1FFFFF80, s21  }
0xf9: {  	s21 =	sand.u32 $0x1FFFFF80, s22;
	s22 =	spop (v2sf);
	s14 =	sadd.s32 s4, s14  }
0xfa: {  	[tilespmem:s23], [sflag:$0x1] =	stream.linear.gather [hbm4b:s14+s2], $0x400, $0x38;
	[tilespmem:$0x10A00] =	vst v63  }
0xfb: {  	s23 =	sxor.u32 $0xF800, s17;
	s14 =	sadd.s32 s5, s21;
	s21 =	sand.u32 $0x1FFFFF80, s22  }
0xfc: {  	[tilespmem:s23], [sflag:$0x2] =	stream.linear.gather [hbm4b:s14+s2], $0x400, $0x38;
	[tilespmem:$0x10A00] =	vst v63  }
0xfd: {  	s23 =	sxor.u32 $0x7C00, s17;
	s14 =	sadd.s32 s4, s21  }
0xfe: {  	[tilespmem:s23], [sflag:$0x1] =	stream.linear.gather [hbm4b:s14+s2], $0x400, $0x38;
	[tilespmem:$0x10A00] =	vst v63  }
0xff: {  	s22 =	spop (v2sf)  }
0x100: {  	s21 =	sand.u32 $0x1FFFFF80, s22;
	s22 =	spop (v2sf)  }
0x101: {  	s23 =	sxor.u32 $0xFC00, s17;
	s14 =	sadd.s32 s5, s21;
	s20 =	sand.u32 $0x1FFFFF80, s22  }
0x102: {  	[tilespmem:s23], [sflag:$0x2] =	stream.linear.gather [hbm4b:s14+s2], $0x400, $0x38;
	[tilespmem:$0x10A00] =	vst v63  }
0x103: {  	s21 =	ssub.s32 $0x8000, s17;
	s22 =	spop (v2sf);
	s14 =	sadd.s32 s4, s20  }
0x104: {  	[tilespmem:s21], [sflag:$0x1] =	stream.linear.gather [hbm4b:s14+s2], $0x400, $0x38;
	[tilespmem:$0x10A00] =	vst v63  }
0x105: {  	s14 =	sand.u32 $0x1FFFFF80, s22  }
0x106: {  	s23 =	ssub.s32 $0x10000, s17;
	s14 =	sadd.s32 s5, s14  }
0x107: {  	[tilespmem:s23], [sflag:$0x2] =	stream.linear.gather [hbm4b:s14+s2], $0x400, $0x38;
	[tilespmem:$0x10A00] =	vst v63  }
0x108: {  	s14 =	smov.u32 s18  }
.LBB2_5:
0x109: {  	_ =	swait.ge [sflag:s30], $0x4000  }
0x10a: {  	[sflag:s30] =	ssyncset.done $0x0  }
0x10b: {  	[sflag:s30] =	ssyncadd.s32 $0xFFFFC000  }
0x10c: {  	_ =	swait.ge [sflag:s31], $0x4000  }
0x10d: {  	[sflag:s31] =	ssyncset.done $0x0  }
0x10e: {  	[sflag:s31] =	ssyncadd.s32 $0xFFFFC000  }
0x10f: {  	v0 =	vld [tilespmem:s14+$0x0];
	_ =	sdelay $0x4  }
0x110: {  	v0 =	vand.u32 $0x7, v0  }
0x111: {  	v2 =	vld [tilespmem:s14+$0x200];
	v1 =	vshll.u32 v0, $0x7  }
0x112: {  	(v2sf) =	vpush v1, $0x0;
	_ =	sdelay $0x3  }
0x113: {  	v15 =	vand.u32 $0x7, v2;
	(v2sf) =	vpush v1, $0x1  }
0x114: {  	v2 =	vshll.u32 v15, $0x7  }
0x115: {  	(v2sf) =	vpush v2, $0x0  }
0x116: {  	(v2sf) =	vpush v2, $0x1;
	_ =	sdelay $0x7  }
0x117: {  	s19 =	spop (v2sf)  }
0x118: {  	s19 =	sadd.s32 s19, s17  }
0x119: {  	v3 =	vld [tilespmem:s19+$0x400]  }
0x11a: {  	v19 =	vld [tilespmem:s19+$0x410]  }
0x11b: {  	s23 =	sor.u32 $0x400, s17;
	(v2sf) =	vpush v1, $0x2;
	s20 =	spop (v2sf);
	v4 =	vld [tilespmem:s19+$0x420]  }
0x11c: {  	v7 =	vld [tilespmem:s19+$0x430];
	s20 =	sadd.s32 s20, s23  }
0x11d: {  	s21 =	spop (v2sf);
	v18 =	vld [tilespmem:s20+$0x400]  }
0x11e: {  	s22 =	spop (v2sf);
	v17 =	vld [tilespmem:s20+$0x410]  }
0x11f: {  	(v2sf) =	vpush v1, $0x3;
	v10 =	vld [tilespmem:s20+$0x420];
	s19 =	sadd.s32 s22, s23  }
0x120: {  	s21 =	sadd.s32 s21, s17;
	v16 =	vld [tilespmem:s19+$0x8400]  }
0x121: {  	v6 =	vld [tilespmem:s21+$0x8420]  }
0x122: {  	v5 =	vld [tilespmem:s21+$0x8400]  }
0x123: {  	(v2sf) =	vpush v2, $0x2;
	v23 =	vld [tilespmem:s21+$0x8410]  }
0x124: {  	v9 =	vld [tilespmem:s20+$0x430]  }
0x125: {  	v20 =	vld [tilespmem:s19+$0x8410];
	[tilespmem:$0x1FDF0] =	vst v16  }
0x126: {  	v4 =	vmul.f32 v6, v4;
	v6 =	vld [tilespmem:$0x1FDF0]  }
0x127: {  	(v2sf) =	vpush v2, $0x3;
	v8 =	vld [tilespmem:s21+$0x8430]  }
0x128: {  	v12 =	vld [tilespmem:s19+$0x8420];
	v13 =	vmul.f32 v5, v3;
	v5 =	vmul.f32 v23, v19  }
0x129: {  	v11 =	vld [tilespmem:s19+$0x8430];
	[tilespmem:$0x1FE00] =	vst v17  }
0x12a: {  	s20 =	sor.u32 $0x800, s17;
	[tilespmem:$0x1FE10] =	vst v20;
	v5 =	vadd.f32 v5, v13;
	v13 =	vld [tilespmem:$0x1FE00];
	s23 =	spop (v2sf)  }
0x12b: {  	s19 =	sadd.s32 s23, s20;
	v3 =	vmul.f32 v6, v18;
	v18 =	vld [tilespmem:$0x1FE10]  }
0x12c: {  	v21 =	vld [tilespmem:s19+$0x400]  }
0x12d: {  	v40 =	vld [tilespmem:s19+$0x410]  }
0x12e: {  	s21 =	sor.u32 $0xC00, s17;
	s22 =	spop (v2sf);
	v22 =	vld [tilespmem:s19+$0x420]  }
0x12f: {  	v25 =	vld [tilespmem:s19+$0x430];
	s22 =	sadd.s32 s22, s21  }
0x130: {  	(v2sf) =	vpush v1, $0x4;
	v27 =	vld [tilespmem:s22+$0x400]  }
0x131: {  	v29 =	vld [tilespmem:s22+$0x410]  }
0x132: {  	s23 =	spop (v2sf);
	v31 =	vld [tilespmem:s22+$0x420]  }
0x133: {  	s20 =	sadd.s32 s23, s20;
	v33 =	vld [tilespmem:s22+$0x430]  }
0x134: {  	(v2sf) =	vpush v1, $0x5;
	v39 =	vld [tilespmem:s20+$0x8400]  }
0x135: {  	v45 =	vld [tilespmem:s20+$0x8410]  }
0x136: {  	s23 =	spop (v2sf);
	v24 =	vld [tilespmem:s20+$0x8420]  }
0x137: {  	v26 =	vld [tilespmem:s20+$0x8430];
	s19 =	sadd.s32 s23, s21  }
0x138: {  	(v2sf) =	vpush v2, $0x4;
	v28 =	vld [tilespmem:s19+$0x8400];
	[tilespmem:$0x1FE20] =	vst v21  }
0x139: {  	v6 =	vld [tilespmem:$0x1FE20]  }
0x13a: {  	v30 =	vld [tilespmem:s19+$0x8410]  }
0x13b: {  	(v2sf) =	vpush v2, $0x5;
	v32 =	vld [tilespmem:s19+$0x8420];
	v0 =	vmul.f32 v18, v13  }
0x13c: {  	v34 =	vld [tilespmem:s19+$0x8430];
	[tilespmem:$0x1FE30] =	vst v22  }
0x13d: {  	[tilespmem:$0x1FE50] =	vst v27;
	v0 =	vadd.f32 v0, v3;
	v3 =	vmul.f32 v12, v10;
	v12 =	vld [tilespmem:$0x1FE30];
	v40 =	vmul.f32 v45, v40  }
0x13e: {  	[tilespmem:$0x1FE70] =	vst v29;
	v39 =	vmul.f32 v39, v6;
	v6 =	vadd.f32 v4, v5;
	v5 =	vmul.f32 v8, v7;
	v8 =	vld [tilespmem:$0x1FE50]  }
0x13f: {  	s20 =	sor.u32 $0x1000, s17;
	[tilespmem:$0x1FE40] =	vst v24;
	v7 =	vld [tilespmem:$0x1FE70];
	s23 =	spop (v2sf)  }
0x140: {  	v39 =	vadd.f32 v40, v39;
	v40 =	vld [tilespmem:$0x1FE40];
	s19 =	sadd.s32 s23, s20  }
0x141: {  	v35 =	vld [tilespmem:s19+$0x400]  }
0x142: {  	v37 =	vld [tilespmem:s19+$0x410]  }
0x143: {  	s21 =	sor.u32 $0x1400, s17;
	s22 =	spop (v2sf);
	v41 =	vld [tilespmem:s19+$0x420]  }
0x144: {  	v43 =	vld [tilespmem:s19+$0x430];
	s22 =	sadd.s32 s22, s21  }
0x145: {  	v51 =	vld [tilespmem:s22+$0x400]  }
0x146: {  	v55 =	vld [tilespmem:s22+$0x410]  }
0x147: {  	s23 =	spop (v2sf);
	v46 =	vld [tilespmem:s22+$0x420]  }
0x148: {  	s20 =	sadd.s32 s23, s20;
	v48 =	vld [tilespmem:s22+$0x430]  }
0x149: {  	(v2sf) =	vpush v1, $0x6;
	v36 =	vld [tilespmem:s20+$0x8400]  }
0x14a: {  	s23 =	spop (v2sf);
	v38 =	vld [tilespmem:s20+$0x8410]  }
0x14b: {  	v42 =	vld [tilespmem:s20+$0x8420];
	s19 =	sadd.s32 s23, s21  }
0x14c: {  	[tilespmem:$0x1FE60] =	vst v28;
	v54 =	vld [tilespmem:s19+$0x8400]  }
0x14d: {  	(v2sf) =	vpush v1, $0x7;
	v40 =	vmul.f32 v40, v12;
	v12 =	vld [tilespmem:$0x1FE60]  }
0x14e: {  	(v2sf) =	vpush v2, $0x6;
	v61 =	vld [tilespmem:s19+$0x8410]  }
0x14f: {  	v44 =	vld [tilespmem:s20+$0x8430]  }
0x150: {  	v47 =	vld [tilespmem:s19+$0x8420]  }
0x151: {  	[tilespmem:$0x1FE80] =	vst v30;
	v49 =	vld [tilespmem:s19+$0x8430]  }
0x152: {  	[tilespmem:$0x1FF10] =	vst v33;
	v4 =	vadd.f32 v3, v0;
	v3 =	vmul.f32 v12, v8;
	v8 =	vld [tilespmem:$0x1FE80]  }
0x153: {  	[tilespmem:$0x1FF20] =	vst v34;
	(v2sf) =	vpush v2, $0x7;
	v51 =	vmul.f32 v54, v51;
	v54 =	vmul.f32 v61, v55;
	v55 =	vld [tilespmem:$0x1FF10]  }
0x154: {  	[tilespmem:$0x1FEA0] =	vst v26;
	v61 =	vld [tilespmem:$0x1FF20]  }
0x155: {  	[tilespmem:$0x1FE90] =	vst v25;
	v39 =	vadd.f32 v40, v39;
	v40 =	vld [tilespmem:$0x1FEA0]  }
0x156: {  	[tilespmem:$0x1FF80] =	vst v47;
	v12 =	vld [tilespmem:$0x1FE90]  }
0x157: {  	[tilespmem:$0x1FEE0] =	vst v36;
	v51 =	vadd.f32 v54, v51;
	v54 =	vld [tilespmem:$0x1FF80]  }
0x158: {  	s20 =	sor.u32 $0x1800, s17;
	[tilespmem:$0x1FF40] =	vst v42;
	s23 =	spop (v2sf);
	v0 =	vmul.f32 v8, v7;
	v7 =	vld [tilespmem:$0x1FEE0]  }
0x159: {  	v55 =	vmul.f32 v61, v55;
	v61 =	vld [tilespmem:$0x1FF40];
	s19 =	sadd.s32 s23, s20  }
0x15a: {  	v56 =	vld [tilespmem:s19+$0x400]  }
0x15b: {  	[tilespmem:$0x1FFA0] =	vst v49;
	v49 =	vld [tilespmem:s19+$0x410]  }
0x15c: {  	(v2sf) =	vpush v1, $0x8;
	v40 =	vmul.f32 v40, v12;
	s22 =	spop (v2sf);
	v52 =	vld [tilespmem:s19+$0x420]  }
0x15d: {  	v5 =	vadd.f32 v5, v6;
	[tilespmem:$0x1FED0] =	vst v35;
	s23 =	spop (v2sf);
	v50 =	vld [tilespmem:s19+$0x430]  }
0x15e: {  	(v2sf) =	vpush v1, $0x9;
	v6 =	vadd.f32 v40, v39;
	v40 =	vld [tilespmem:$0x1FED0];
	s20 =	sadd.s32 s23, s20  }
0x15f: {  	v63 =	vld [tilespmem:s20+$0x8400]  }
0x160: {  	[tilespmem:$0x1FF60] =	vst v44;
	(v2sf) =	vpush v2, $0x8;
	v44 =	vld [tilespmem:s20+$0x8410]  }
0x161: {  	s21 =	sor.u32 $0x1C00, s17;
	v53 =	vld [tilespmem:s20+$0x8420]  }
0x162: {  	s23 =	spop (v2sf);
	v57 =	vld [tilespmem:s20+$0x8430];
	s20 =	sadd.s32 s22, s21  }
0x163: {  	s19 =	sadd.s32 s23, s21;
	v62 =	vld [tilespmem:s20+$0x410]  }
0x164: {  	(v2sf) =	vpush v2, $0x9;
	v47 =	vld [tilespmem:s19+$0x8410]  }
0x165: {  	v58 =	vld [tilespmem:s20+$0x420]  }
0x166: {  	[tilespmem:$0x1FFB0] =	vst v50;
	v50 =	vld [tilespmem:s19+$0x8400]  }
0x167: {  	[tilespmem:$0x1FFC0] =	vst v57;
	v57 =	vld [tilespmem:s20+$0x400]  }
0x168: {  	v59 =	vld [tilespmem:s19+$0x8420]  }
0x169: {  	v60 =	vld [tilespmem:s20+$0x430]  }
0x16a: {  	[tilespmem:$0x1FFD0] =	vst v58;
	v58 =	vld [tilespmem:s19+$0x8430]  }
0x16b: {  	s22 =	sor.u32 $0x2000, s17;
	v47 =	vmul.f32 v47, v62;
	v62 =	vld [tilespmem:$0x1FFC0];
	s21 =	spop (v2sf)  }
0x16c: {  	v50 =	vmul.f32 v50, v57;
	v57 =	vld [tilespmem:$0x1FFB0];
	(v2sf) =	vpush v1, $0xA;
	s20 =	sadd.s32 s21, s22  }
0x16d: {  	s23 =	spop (v2sf);
	(v2sf) =	vpush v1, $0xB;
	v30 =	vld [tilespmem:s20+$0x400]  }
0x16e: {  	v27 =	vld [tilespmem:s20+$0x410]  }
0x16f: {  	[tilespmem:$0x1FF50] =	vst v43;
	s21 =	spop (v2sf);
	v43 =	vld [tilespmem:s20+$0x420]  }
0x170: {  	[tilespmem:$0x1FFE0] =	vst v59;
	v59 =	vld [tilespmem:s20+$0x430];
	s19 =	sadd.s32 s21, s22  }
0x171: {  	(v2sf) =	vpush v2, $0xA;
	v28 =	vld [tilespmem:s19+$0x8400]  }
0x172: {  	v25 =	vld [tilespmem:s19+$0x8410]  }
0x173: {  	s21 =	sor.u32 $0x2400, s17;
	s20 =	spop (v2sf);
	(v2sf) =	vpush v2, $0xB;
	v42 =	vld [tilespmem:s19+$0x8420]  }
0x174: {  	[tilespmem:$0x1FF90] =	vst v48;
	s22 =	sadd.s32 s23, s21;
	v48 =	vld [tilespmem:s19+$0x8430]  }
0x175: {  	s19 =	sadd.s32 s20, s21;
	v33 =	vld [tilespmem:s22+$0x400]  }
0x176: {  	[tilespmem:$0x1FEC0] =	vst v32;
	v32 =	vld [tilespmem:s19+$0x8400]  }
0x177: {  	[tilespmem:$0x1FEB0] =	vst v31;
	v31 =	vld [tilespmem:s22+$0x410]  }
0x178: {  	v29 =	vld [tilespmem:s19+$0x8410]  }
0x179: {  	[tilespmem:$0x1FF30] =	vst v41;
	v41 =	vld [tilespmem:s22+$0x420]  }
0x17a: {  	[tilespmem:$0x1FEF0] =	vst v37;
	v37 =	vld [tilespmem:s19+$0x8420]  }
0x17b: {  	[tilespmem:$0x1FFF0] =	vst v60;
	v60 =	vld [tilespmem:s22+$0x430];
	s20 =	spop (v2sf);
	(v2sf) =	vpush v1, $0xC  }
0x17c: {  	[tilespmem:$0x1FF70] =	vst v46;
	s21 =	sor.u32 $0x2800, s17;
	v46 =	vld [tilespmem:s19+$0x8430];
	s23 =	spop (v2sf);
	(v2sf) =	vpush v1, $0xD  }
0x17d: {  	v28 =	vmul.f32 v28, v30;
	v30 =	vmul.f32 v62, v57;
	v57 =	vld [tilespmem:$0x1FFF0];
	s20 =	sadd.s32 s20, s21  }
0x17e: {  	v24 =	vld [tilespmem:s20+$0x400]  }
0x17f: {  	v22 =	vld [tilespmem:s20+$0x410]  }
0x180: {  	s22 =	spop (v2sf);
	v36 =	vld [tilespmem:s20+$0x420]  }
0x181: {  	[tilespmem:$0x1FF00] =	vst v38;
	(v2sf) =	vpush v2, $0xC;
	v38 =	vld [tilespmem:s20+$0x430];
	s19 =	sadd.s32 s22, s21  }
0x182: {  	s20 =	spop (v2sf);
	(v2sf) =	vpush v2, $0xD;
	v21 =	vld [tilespmem:s19+$0x8400]  }
0x183: {  	v20 =	vld [tilespmem:s19+$0x8410]  }
0x184: {  	s21 =	sor.u32 $0x2C00, s17;
	v34 =	vld [tilespmem:s19+$0x8420]  }
0x185: {  	s22 =	sadd.s32 s23, s21;
	v35 =	vld [tilespmem:s19+$0x8430]  }
0x186: {  	s19 =	sadd.s32 s20, s21;
	v17 =	vld [tilespmem:s22+$0x400]  }
0x187: {  	v15 =	vld [tilespmem:s19+$0x8400]  }
0x188: {  	v16 =	vld [tilespmem:s22+$0x410]  }
0x189: {  	v23 =	vld [tilespmem:s22+$0x420]  }
0x18a: {  	v26 =	vld [tilespmem:s22+$0x430];
	s20 =	spop (v2sf);
	(v2sf) =	vpush v1, $0xE  }
0x18b: {  	s21 =	sor.u32 $0x3000, s17;
	s23 =	spop (v2sf);
	(v2sf) =	vpush v1, $0xF;
	v1 =	vmul.f32 v11, v9;
	v9 =	vld [tilespmem:$0x1FEB0]  }
0x18c: {  	s20 =	sadd.s32 s20, s21;
	v11 =	vld [tilespmem:$0x1FEC0]  }
0x18d: {  	v45 =	vld [tilespmem:s20+$0x400]  }
0x18e: {  	v10 =	vld [tilespmem:s20+$0x410]  }
0x18f: {  	v12 =	vld [tilespmem:s20+$0x420]  }
0x190: {  	s22 =	spop (v2sf);
	(v2sf) =	vpush v2, $0xE;
	v39 =	vld [tilespmem:s20+$0x430]  }
0x191: {  	v0 =	vadd.f32 v0, v3;
	s20 =	spop (v2sf);
	(v2sf) =	vpush v2, $0xF;
	v2 =	vld [tilespmem:$0x1FF60];
	v3 =	vmul.f32 v11, v9  }
0x192: {  	v11 =	vld [tilespmem:$0x1FEF0]  }
0x193: {  	v4 =	vadd.f32 v1, v4;
	v1 =	vadd.f32 v3, v0;
	v3 =	vmul.f32 v7, v40;
	v40 =	vld [tilespmem:$0x1FF00]  }
0x194: {  	v0 =	vld [tilespmem:$0x1FF50]  }
0x195: {  	v14 =	vld [tilespmem:s19+$0x8410]  }
0x196: {  	v19 =	vld [tilespmem:s19+$0x8420]  }
0x197: {  	v18 =	vld [tilespmem:s19+$0x8430];
	s19 =	sadd.s32 s22, s21  }
0x198: {  	v13 =	vld [tilespmem:s19+$0x8400];
	v40 =	vmul.f32 v40, v11  }
0x199: {  	v0 =	vmul.f32 v2, v0;
	v2 =	vld [tilespmem:$0x1FF70]  }
0x19a: {  	s21 =	sor.u32 $0x3400, s17;
	v3 =	vadd.f32 v40, v3;
	v40 =	vld [tilespmem:$0x1FF30]  }
0x19b: {  	v8 =	vld [tilespmem:s19+$0x8410];
	s22 =	sadd.s32 s23, s21;
	s23 =	sadd.s32 s20, s21  }
0x19c: {  	v44 =	vmul.f32 v44, v49;
	v49 =	vld [tilespmem:s23+$0x8410]  }
0x19d: {  	v25 =	vmul.f32 v25, v27;
	v27 =	vld [tilespmem:s23+$0x8430]  }
0x19e: {  	v9 =	vld [tilespmem:s19+$0x8420];
	v54 =	vmul.f32 v54, v2  }
0x19f: {  	v7 =	vld [tilespmem:s22+$0x400];
	v40 =	vmul.f32 v61, v40  }
0x1a0: {  	v51 =	vadd.f32 v54, v51;
	v54 =	vld [tilespmem:$0x1FF90]  }
0x1a1: {  	v3 =	vadd.f32 v40, v3;
	v40 =	vmul.f32 v63, v56;
	v63 =	vld [tilespmem:$0x1FFA0]  }
0x1a2: {  	v1 =	vadd.f32 v55, v1;
	v55 =	vld [tilespmem:s22+$0x420]  }
0x1a3: {  	v11 =	vld [tilespmem:s19+$0x8430]  }
0x1a4: {  	v2 =	vld [tilespmem:s22+$0x410]  }
0x1a5: {  	s20 =	spop (v2sf);
	v56 =	vmul.f32 v53, v52;
	v52 =	vld [tilespmem:s22+$0x430];
	s22 =	sor.u32 $0x3800, s17  }
0x1a6: {  	v61 =	vld [tilespmem:s23+$0x8400];
	s20 =	sadd.s32 s20, s22;
	v54 =	vmul.f32 v63, v54  }
0x1a7: {  	v29 =	vmul.f32 v29, v31;
	v31 =	vld [tilespmem:s20+$0x410];
	v63 =	vadd.f32 v44, v40  }
0x1a8: {  	v51 =	vadd.f32 v54, v51;
	v54 =	vld [tilespmem:$0x1FFD0]  }
0x1a9: {  	v0 =	vadd.f32 v0, v3;
	v3 =	vadd.f32 v56, v63;
	v56 =	vld [tilespmem:$0x1FFE0]  }
0x1aa: {  	v59 =	vmul.f32 v48, v59;
	v14 =	vmul.f32 v14, v16;
	s21 =	spop (v2sf);
	v16 =	vld [tilespmem:s20+$0x430]  }
0x1ab: {  	v32 =	vmul.f32 v32, v33;
	v21 =	vmul.f32 v21, v24;
	v44 =	vld [tilespmem:s23+$0x8420];
	s23 =	spop (v2sf)  }
0x1ac: {  	v20 =	vmul.f32 v20, v22;
	v34 =	vmul.f32 v34, v36;
	s19 =	sadd.s32 s23, s22;
	v63 =	vadd.f32 v47, v50;
	v50 =	vld [tilespmem:s20+$0x400]  }
0x1ad: {  	v25 =	vadd.f32 v25, v28;
	v53 =	vmul.f32 v58, v57;
	v58 =	vmul.f32 v42, v43;
	v42 =	vld [tilespmem:s19+$0x8400]  }
0x1ae: {  	v29 =	vadd.f32 v29, v32;
	v15 =	vmul.f32 v15, v17;
	v62 =	vld [tilespmem:s19+$0x8410];
	v47 =	vmul.f32 v56, v54  }
0x1af: {  	v38 =	vmul.f32 v35, v38;
	v48 =	vmul.f32 v18, v26;
	v32 =	vadd.f32 v20, v21;
	v22 =	vld [tilespmem:s19+$0x8420]  }
0x1b0: {  	v14 =	vadd.f32 v14, v15;
	v40 =	vadd.f32 v47, v63;
	v63 =	vmul.f32 v37, v41;
	v37 =	vld [tilespmem:s20+$0x420];
	s20 =	sor.u32 $0x3C00, s17  }
0x1b1: {  	(xrf2) =	vadd.scan.msk.f32 $0xffff, v5;
	v2 =	vmul.f32 v49, v2;
	v25 =	vadd.f32 v58, v25;
	v7 =	vmul.f32 v61, v7;
	s22 =	spop (v2sf);
	v36 =	vld [tilespmem:s19+$0x8430];
	s23 =	sadd.s32 s21, s20  }
0x1b2: {  	(xrf2) =	vadd.scan.msk.f32 $0xffff, v4;
	v13 =	vmul.f32 v13, v45;
	v8 =	vmul.f32 v8, v10;
	v43 =	vadd.f32 v34, v32;
	s17 =	sadd.s32 s22, s20;
	v41 =	vld [tilespmem:s23+$0x400]  }
0x1b3: {  	(xrf2) =	vadd.scan.msk.f32 $0xffff, v6;
	v57 =	vmul.f32 v9, v12;
	v25 =	vadd.f32 v59, v25;
	v2 =	vadd.f32 v2, v7;
	v45 =	vld [tilespmem:s17+$0x8400]  }
0x1b4: {  	(xrf2) =	vadd.scan.msk.f32 $0xffff, v1;
	v24 =	vmul.f32 v27, v52;
	v3 =	vadd.f32 v30, v3;
	v33 =	vadd.f32 v53, v40;
	v53 =	vld [tilespmem:s23+$0x410]  }
0x1b5: {  	(xrf2) =	vadd.scan.msk.f32 $0xffff, v0;
	v20 =	vmul.f32 v44, v55;
	v54 =	vadd.f32 v38, v43;
	v56 =	vadd.f32 v8, v13;
	v58 =	vld [tilespmem:s17+$0x8410]  }
0x1b6: {  	(xrf2) =	vadd.scan.msk.f32 $0xffff, v51;
	v28 =	vadd.f32 v63, v29;
	v29 =	vmul.f32 v46, v60;
	v40 =	vmul.f32 v19, v23;
	v59 =	vld [tilespmem:s23+$0x420]  }
0x1b7: {  	(xrf2) =	vadd.scan.msk.f32 $0xffff, v3;
	v61 =	vmul.f32 v42, v50;
	v62 =	vmul.f32 v62, v31;
	v27 =	vadd.f32 v20, v2;
	v63 =	vld [tilespmem:s17+$0x8420]  }
0x1b8: {  	v11 =	vmul.f32 v11, v39;
	v23 =	vld [tilespmem:s23+$0x430];
	v46 =	vadd.f32 v29, v28;
	v47 =	vadd.f32 v40, v14;
	(xrf2) =	vadd.scan.msk.f32 $0xffff, v33  }
0x1b9: {  	v4 =	vadd.f32 v62, v61;
	v60 =	vadd.f32 v57, v56;
	v26 =	vld [tilespmem:s17+$0x8430];
	(xrf2) =	vadd.scan.msk.f32 $0xffff, v25;
	v25 =	vmul.f32 v22, v37  }
0x1ba: {  	v5 =	vadd.f32 v48, v47;
	(xrf2) =	vadd.scan.msk.f32 $0xffff, v46;
	v28 =	vmul.f32 v45, v41;
	v29 =	vmul.f32 v58, v53  }
0x1bb: {  	v30, _, _ =	vpop (xrf2);
	v31 =	vadd.f32 v11, v60;
	v33 =	vmul.f32 v36, v16;
	(xrf2) =	vadd.scan.msk.f32 $0xffff, v54;
	v32 =	vadd.f32 v25, v4  }
0x1bc: {  	v34, _, _ =	vpop (xrf2);
	v1 =	vadd.f32 v24, v27;
	v35 =	vmul.f32 v63, v59;
	(xrf2) =	vadd.scan.msk.f32 $0xffff, v5;
	v2 =	vadd.f32 v29, v28  }
0x1bd: {  	v6 =	vbroadcast v34, $0xF;
	v36, _, _ =	vpop (xrf2);
	v37 =	vbroadcast v30, $0xF;
	(xrf2) =	vadd.scan.msk.f32 $0xffff, v31;
	v3 =	vadd.f32 v33, v32  }
0x1be: {  	v38, _, _ =	vpop (xrf2);
	v40 =	vmul.f32 v26, v23;
	v41 =	vbroadcast v36, $0xF;
	(xrf2) =	vadd.scan.msk.f32 $0xffff, v1;
	v39 =	vadd.f32 v35, v2  }
0x1bf: {  	v42, _, _ =	vpop (xrf2);
	v0 =	vsel vm0, v37, v6;
	v4 =	vbroadcast v38, $0xF;
	(xrf2) =	vadd.scan.msk.f32 $0xffff, v3  }
0x1c0: {  	v43, _, _ =	vpop (xrf2);
	v44 =	vbroadcast v42, $0xF;
	v0 =	vsel vm1, v0, v41;
	v1 =	vadd.f32 v40, v39  }
0x1c1: {  	v45, _, _ =	vpop (xrf2);
	v0 =	vsel vm2, v0, v4;
	v3 =	vbroadcast v43, $0xF  }
0x1c2: {  	v0 =	vsel vm3, v0, v44;
	v2 =	vbroadcast v45, $0xF;
	v46, _, _ =	vpop (xrf2);
	(xrf2) =	vadd.scan.msk.f32 $0xffff, v1  }
0x1c3: {  	v0 =	vsel vm4, v0, v3;
	v47, _, _ =	vpop (xrf2);
	v48 =	vbroadcast v46, $0xF  }
0x1c4: {  	v0 =	vsel vm5, v0, v2;
	v49, _, _ =	vpop (xrf2);
	v1 =	vbroadcast v47, $0xF  }
0x1c5: {  	v50, _, _ =	vpop (xrf2);
	v0 =	vsel vm6, v0, v48;
	v51 =	vbroadcast v49, $0xF  }
0x1c6: {  	v52, _, _ =	vpop (xrf2);
	v0 =	vsel vm7, v0, v1;
	v53 =	vbroadcast v50, $0xF  }
0x1c7: {  	v54, _, _ =	vpop (xrf2);
	v0 =	vsel vm8, v0, v51;
	v55 =	vbroadcast v52, $0xF  }
0x1c8: {  	v56, _, _ =	vpop (xrf2);
	v0 =	vsel vm9, v0, v53;
	v57 =	vbroadcast v54, $0xF  }
0x1c9: {  	v60 =	vld [tilespmem:s14+$0x10400];
	v58, _, _ =	vpop (xrf2);
	v0 =	vsel vm10, v0, v55;
	v59 =	vbroadcast v56, $0xF  }
0x1ca: {  	v0 =	vsel vm11, v0, v57;
	v61 =	vbroadcast v58, $0xF  }
0x1cb: {  	v62 =	vld [tilespmem:s14+$0x10600];
	v0 =	vsel vm12, v0, v59  }
0x1cc: {  	v0 =	vsel vm13, v0, v61;
	v63, _, _ =	vpop (xrf2)  }
0x1cd: {  	v0 =	vsel vm14, v0, v63  }
0x1ce: {  	v0 =	vadd.f32 v0, v60;
	_ =	sdelay $0x1  }
0x1cf: {  	v0 =	vadd.f32 v0, v62;
	_ =	sdelay $0x1  }
0x1d0: {  	v0 =	vsub.f32 $0.0e+00, v0;
	_ =	sdelay $0x1  }
0x1d1: {  	v0 =	vmul.f32 $1.442695020e+00, v0;
	_ =	sdelay $0x1  }
0x1d2: {  	(erf) = vpow2.f32 v0;
	_ =	sdelay $0x8  }
0x1d3: {  	v0 =	vpop (erf)  }
0x1d4: {  	v0 =	vadd.f32 $1.000000000e+00, v0;
	_ =	sdelay $0x1  }
0x1d5: {  	(erf) = vrcp.f32 v0;
	_ =	sdelay $0x7  }
0x1d6: {  	s13 =	sadd.s32 $0x40, s13  }
0x1d7: {  	p0 =	sne.s32 s13, $0x840;
	v0 =	vpop (erf)  }
.Ltmp3:
0x1d8: {  	v0 =	vmul.f32 $1.200000050e+00, v0;
	(pc) =	sbr.rel @!p0 .LBB2_6-.Ltmp3, $3  }
0x1d9: {  	_ = 	snop  }
0x1da: {  	v0 =	vadd.f32 $-1.000000010e-01, v0;
	_ =	sdelay $0x1  }
0x1db: {  	s16 =	sadd.s32 $0x4000, s16;
	s18 =	sadd.s32 $0x10, s18;
	[tilespmem:s14+$0x10800] =	vst v0  }
.LBB2_2:
0x1dc: {  	p0 =	seq.s32 s13, $0x800  }
.Ltmp4:
0x1dd: {  	_ = 	snop;
	(pc) =	sbr.rel @!p0 .LBB2_4-.Ltmp4, $1  }
0x1de: {  	_ =	sdelay $0x3  }
.Ltmp5:
0x1df: {  	(pc) =	sbr.rel .LBB2_5-.Ltmp5, $2  }
0x1e0: {  	_ =	sdelay $0x2  }
0x1e1: {  	s14 =	simm.s32 $0x1F0;
	s17 =	simm.s32 $0x4000  }
.LBB2_7:
0x1e2: {  	_ =	sfence.sel $0x180000  }
0x1e3: {  	[bflag:$0x0] =	sbarrier.arrive $0xFFFF  }
0x1e4: {  	_ =	strace $0x90000047  }
0x1e5: {  	s0 =	stileid.u32;
	[bflag:$0x2] =	sbarrier.arrive $0xFFFF  }
0x1e6: {  	p0 =	sne.s32 s0, $0x0;
	s0 =	rddreg [dreg:$0x4]  }
0x1e7: {  	s0 =	sadd.s32 @!p0 $0x100000, s0  }
0x1e8: {  	[sflag:s0] =	ssyncadd.tile.s32 @!p0 $0x1;
	_ =	shalt  }
.Lfunc_end2:
_tile_overlayer_lowered:
.L_overlay_start_2:
0x1e9: {  	(tag) =	ssettag $0x2  }
0x1ea: {  	s0 =	rddreg [dreg:$0x0];
	s2 =	stileid.u32  }
0x1eb: {  	s1 =	rddreg [dreg:$0x1];
	p0 =	sne.s32 s2, $0x0  }
0x1ec: {  	s3 =	rddreg [dreg:$0x2];
	[bflag:$0x3] =	sbarrier.arrive $0xFFFF;
	s2 =	simm.s32 @!p0 $0x1C04  }
0x1ed: {  	[timem:s3], [sflag:s2] =	dma.local @!p0 [hbm:s0], s1  }
0x1ee: {  	s0 =	simm.s32 @!p0 $0x4  }
0x1ef: {  	_ =	swait.ge @!p0 [sflag:s0], s1  }
0x1f0: {  	s1 =	ssub.s32 @!p0 $0x0, s1;
	[sflag:s0] =	ssyncset.done @!p0 $0x0  }
0x1f1: {  	[sflag:s0] =	ssyncadd.s32 @!p0 s1  }
0x1f2: {  	[bflag:$0x3] =	sbarrier.arrive $0xFFFF  }
0x1f3: {  	_ =	shalt  }

</sc_bundles>
